<compile_context>
chip_gen: v7x
topology: tpu7x:2x2x1
jax: 0.10.2.dev20260603
libtpu: 0.0.44.dev20260713+nightly
codegen_flags: <defaults>
</compile_context>

<pallas_src>
import functools

import jax
import jax.numpy as jnp
from jax import lax
from jax.experimental import pallas as pl
from jax.experimental.pallas import tpu as pltpu
from jax.experimental.pallas import tpu_sc as plsc

_REPEATS = 2
_B, _L, _D = 1024, 200, 32
_N = _B * _L

_NC, _NS = 2, 16
_NW = _NC * _NS
_BB = 128
_NBT = _B // _BB
_TB = 2
_TR = _TB * _BB
_TASKS = _N // _TR
_TPW = _TASKS // _NW
_NPW = _TPW * _TR


def _sc_body(
    ct_hbm, table_hbm, out_hbm,
    idx_v, rows_a, rows_b, trans_a, trans_b,
    sem_a, sem_b, wsem_a, wsem_b,
):
    c = lax.axis_index("c")
    s = lax.axis_index("s")
    wid = s * _NC + c
    base_t = wid * _TPW

    pltpu.sync_copy(ct_hbm.at[pl.ds(wid * _NPW, _NPW)], idx_v)

    iota16 = lax.iota(jnp.int32, 16)
    dhi0 = iota16 // 8
    dhi1 = dhi0 + 2
    dlo_c = iota16 - dhi0 * 8
    zeros16 = jnp.zeros((16,), jnp.int32)

    def gather(i, rows, sem):
        return pltpu.async_copy(
            table_hbm.at[idx_v.at[pl.ds(i * _TR, _TR)]], rows, sem
        )

    def wait_gather(rows, sem):
        pltpu.make_async_copy(table_hbm.at[pl.ds(0, _TR)], rows, sem).wait()

    def transpose(rows, trans):
        @plsc.parallel_loop(0, _TR, unroll=8)
        def _(k):
            btl = k // _BB
            jcol = k - btl * _BB
            bv = zeros16 + btl
            jv = zeros16 + jcol
            vec0 = rows[k, pl.ds(0, 16)]
            vec1 = rows[k, pl.ds(16, 16)]
            plsc.store_scatter(trans, [bv, dhi0, dlo_c, jv], vec0)
            plsc.store_scatter(trans, [bv, dhi1, dlo_c, jv], vec1)

    def writes(i, trans, wsem):
        t = base_t + i
        lp = t // (_NBT // _TB)
        bt0 = (t % (_NBT // _TB)) * _TB
        for btl in range(_TB):
            src = trans.at[btl, :, :, pl.ds(0, _BB)]
            pltpu.async_copy(src, out_hbm.at[2 * lp, :, bt0 + btl], wsem)
            pltpu.async_copy(src, out_hbm.at[2 * lp + 1, :, bt0 + btl], wsem)

    def wait_writes(trans, wsem):
        for _ in range(2 * _TB):
            pltpu.make_async_copy(
                trans.at[0, :, :, pl.ds(0, _BB)], out_hbm.at[0, :, 0], wsem
            ).wait()

    gather(0, rows_a, sem_a)
    gather(1, rows_b, sem_b)

    def body(j, carry):
        t0 = 2 * j
        wait_gather(rows_a, sem_a)

        @pl.when(j > 0)
        def _():
            wait_writes(trans_a, wsem_a)

        transpose(rows_a, trans_a)

        @pl.when(t0 + 2 < _TPW)
        def _():
            gather(t0 + 2, rows_a, sem_a)

        writes(t0, trans_a, wsem_a)

        wait_gather(rows_b, sem_b)

        @pl.when(j > 0)
        def _():
            wait_writes(trans_b, wsem_b)

        transpose(rows_b, trans_b)

        @pl.when(t0 + 3 < _TPW)
        def _():
            gather(t0 + 3, rows_b, sem_b)

        writes(t0 + 1, trans_b, wsem_b)
        return carry

    lax.fori_loop(0, _TPW // 2, body, 0)

    if _TPW % 2 == 1:
        wait_gather(rows_a, sem_a)
        wait_writes(trans_a, wsem_a)
        transpose(rows_a, trans_a)
        writes(_TPW - 1, trans_a, wsem_a)
    wait_writes(trans_b, wsem_b)
    wait_writes(trans_a, wsem_a)


_mesh = plsc.VectorSubcoreMesh(
    core_axis_name="c", subcore_axis_name="s", num_cores=_NC, num_subcores=_NS
)

_sc_call = pl.kernel(
    _sc_body,
    out_type=jax.ShapeDtypeStruct(
        (_L * _REPEATS, _D // 8, _NBT, 8, _BB), jnp.float32
    ),
    mesh=_mesh,
    scratch_types=[
        pltpu.VMEM((_NPW,), jnp.int32),
        pltpu.VMEM((_TR, _D), jnp.float32),
        pltpu.VMEM((_TR, _D), jnp.float32),
        pltpu.VMEM((_TB, _D // 8, 8, _BB + 1), jnp.float32),
        pltpu.VMEM((_TB, _D // 8, 8, _BB + 1), jnp.float32),
        pltpu.SemaphoreType.DMA,
        pltpu.SemaphoreType.DMA,
        pltpu.SemaphoreType.DMA,
        pltpu.SemaphoreType.DMA,
    ],
    compiler_params=pltpu.CompilerParams(
        use_tc_tiling_on_sc=False, needs_layout_passes=False
    ),
)


@jax.jit
def kernel(code, table):
    ct_flat = code.T.reshape(-1).astype(jnp.int32)
    out5 = _sc_call(ct_flat, table)
    return out5.transpose((2, 4, 0, 1, 3)).reshape(_B, _L * _REPEATS, _D)

# --- scband reference (transcript-rebuilt; emitter-appended) ---
"""Pipeline reference for scband-di-tcodec-embedding-14207751815475 (READ-ONLY COPY).

The authoritative reference and input builder live on the scoring server;
editing this copy changes nothing except your own understanding.
"""

import jax, jax.numpy as jnp
import numpy as np

REPEATS = 2
VOCAB = 100001  # codec_num_embeds + 1
DIM = 32

def setup_inputs(seed: int = 0) -> dict:
    key = jax.random.key(seed)
    k1, k2 = jax.random.split(key)
    code = jax.random.randint(k1, (1024, 200), 0, VOCAB, dtype=jnp.int64) if jax.config.jax_enable_x64 else jax.random.randint(k1, (1024, 200), 0, VOCAB, dtype=jnp.int32)
    table = jax.random.normal(k2, (VOCAB, DIM), dtype=jnp.float32)
    return {"code": code, "table": table}

def reference(code, table):
    # code_embed = self.codec_embed(code)
    code_embed = jnp.take(table, code, axis=0)  # [B, L, DIM]
    # torch.repeat_interleave(code_embed, repeats=self.repeats, dim=1)
    code_embed = jnp.repeat(code_embed, REPEATS, axis=1)  # [B, L*REPEATS, DIM]
    return code_embed

if __name__ == "__main__":
    import jax
    _d = setup_inputs()
    print(jax.jit(kernel)(*tuple(_d.values())))

</pallas_src>

<mosaic_0001>
#map = affine_map<(d0, d1) -> (0)>
#map1 = affine_map<(d0, d1) -> (0, 0)>
#map2 = affine_map<(d0, d1) -> (0, 0, 0, 0, 0)>
module attributes {stable_mosaic.version = 14 : i64} {
  func.func @_sc_body(%arg0: i32, %arg1: i32, %arg2: memref<204800xi32, #tpu.memory_space<hbm>>, %arg3: memref<100001x32xf32, #tpu.memory_space<hbm>>, %arg4: memref<400x4x8x8x128xf32, #tpu.memory_space<hbm>>, %arg5: memref<6400xi32, #tpu.memory_space<vmem>>, %arg6: memref<256x32xf32, #tpu.memory_space<vmem>>, %arg7: memref<256x32xf32, #tpu.memory_space<vmem>>, %arg8: memref<2x4x8x129xf32, #tpu.memory_space<vmem>>, %arg9: memref<2x4x8x129xf32, #tpu.memory_space<vmem>>, %arg10: memref<!tpu.dma_semaphore, #tpu.memory_space<semaphore_mem>>, %arg11: memref<!tpu.dma_semaphore, #tpu.memory_space<semaphore_mem>>, %arg12: memref<!tpu.dma_semaphore, #tpu.memory_space<semaphore_mem>>, %arg13: memref<!tpu.dma_semaphore, #tpu.memory_space<semaphore_mem>>) attributes {dimension_semantics = [#tpu.dimension_semantics<core_parallel>, #tpu.dimension_semantics<subcore_parallel>], iteration_bounds = array<i64: 2, 16>, scalar_prefetch = 0 : i64, scratch_operands = 9 : i64, tpu.core_type = #tpu.core_type<sc_vector_subcore>, window_params = [{transform_indices = #map}, {transform_indices = #map1}, {transform_indices = #map2}]} {
    %mul3A = arith.constant 2 : i32
    %mul3A_0 = arith.muli %arg1, %mul3A : i32
    %add3A = arith.addi %mul3A_0, %arg0 : i32
    %mul3A_1 = arith.constant 25 : i32
    %mul3A_2 = arith.muli %add3A, %mul3A_1 : i32
    %mul3A_3 = arith.constant 6400 : i32
    %mul3A_4 = arith.muli %add3A, %mul3A_3 : i32
    "tpu.region"() ({
      %run_scoped3A = tpu.sem_alloc : memref<!tpu.dma_semaphore, #tpu.memory_space<semaphore_mem>>
      %dma_start3A_479 = tpu.memref_slice %arg2[%mul3A_4] : memref<204800xi32, #tpu.memory_space<hbm>> -> memref<6400xi32, #tpu.memory_space<hbm>>
      %dma_start3A_480 = tpu.memref_slice %arg2[%mul3A_4] : memref<204800xi32, #tpu.memory_space<hbm>> -> memref<6400xi32, #tpu.memory_space<hbm>>
      tpu.enqueue_dma source(%dma_start3A_480 : memref<6400xi32, #tpu.memory_space<hbm>>) target(%arg5 : memref<6400xi32, #tpu.memory_space<vmem>>) target_semaphore(%run_scoped3A : memref<!tpu.dma_semaphore, #tpu.memory_space<semaphore_mem>>)
      %dma_wait3A_481 = tpu.memref_slice %arg2[%mul3A_4] : memref<204800xi32, #tpu.memory_space<hbm>> -> memref<6400xi32, #tpu.memory_space<hbm>>
      %dma_wait3A_482 = tpu.memref_slice %arg2[%mul3A_4] : memref<204800xi32, #tpu.memory_space<hbm>> -> memref<6400xi32, #tpu.memory_space<hbm>>
      tpu.wait_dma2 semaphore(%run_scoped3A : memref<!tpu.dma_semaphore, #tpu.memory_space<semaphore_mem>>) src(%dma_wait3A_482 : memref<6400xi32, #tpu.memory_space<hbm>>) dst(%arg5 : memref<6400xi32, #tpu.memory_space<vmem>>)
      tpu.yield
    }) : () -> ()
    %iota3A = tpu.iota {dimensions = array<i32: 0>} : vector<16xi32>
    %jit3A = arith.constant 8 : i32
    %div3A = vector.broadcast %jit3A : i32 to vector<16xi32>
    %div3A_5 = arith.divsi %iota3A, %div3A : vector<16xi32>
    %sign3A = arith.constant 0 : i32
    %sign3A_6 = vector.broadcast %sign3A : i32 to vector<16xi32>
    %sign3A_7 = arith.cmpi sgt, %iota3A, %sign3A_6 : vector<16xi32>
    %sign3A_8 = arith.extui %sign3A_7 : vector<16xi1> to vector<16xi32>
    %sign3A_9 = arith.constant 0 : i32
    %sign3A_10 = vector.broadcast %sign3A_9 : i32 to vector<16xi32>
    %sign3A_11 = arith.cmpi slt, %iota3A, %sign3A_10 : vector<16xi32>
    %sign3A_12 = arith.extui %sign3A_11 : vector<16xi1> to vector<16xi32>
    %sign3A_13 = arith.subi %sign3A_8, %sign3A_12 : vector<16xi32>
    %sign3A_14 = arith.constant 0 : i32
    %sign3A_15 = arith.cmpi sgt, %jit3A, %sign3A_14 : i32
    %sign3A_16 = arith.extui %sign3A_15 : i1 to i32
    %sign3A_17 = arith.constant 0 : i32
    %sign3A_18 = arith.cmpi slt, %jit3A, %sign3A_17 : i32
    %sign3A_19 = arith.extui %sign3A_18 : i1 to i32
    %sign3A_20 = arith.subi %sign3A_16, %sign3A_19 : i32
    %ne3A = vector.broadcast %sign3A_20 : i32 to vector<16xi32>
    %ne3A_21 = arith.cmpi ne, %sign3A_13, %ne3A : vector<16xi32>
    %rem3A = vector.broadcast %jit3A : i32 to vector<16xi32>
    %rem3A_22 = arith.remsi %iota3A, %rem3A : vector<16xi32>
    %ne3A_23 = arith.constant 0 : i32
    %ne3A_24 = vector.broadcast %ne3A_23 : i32 to vector<16xi32>
    %ne3A_25 = arith.cmpi ne, %rem3A_22, %ne3A_24 : vector<16xi32>
    %and3A = arith.andi %ne3A_21, %ne3A_25 : vector<16xi1>
    %sub3A = arith.constant 1 : i32
    %sub3A_26 = vector.broadcast %sub3A : i32 to vector<16xi32>
    %sub3A_27 = arith.subi %div3A_5, %sub3A_26 : vector<16xi32>
    %select_n3A = arith.select %and3A, %sub3A_27, %div3A_5 : vector<16xi1>, vector<16xi32>
    %add3A_28 = arith.constant 2 : i32
    %add3A_29 = vector.broadcast %add3A_28 : i32 to vector<16xi32>
    %add3A_30 = arith.addi %select_n3A, %add3A_29 : vector<16xi32>
    %mul3A_31 = arith.constant 8 : i32
    %mul3A_32 = vector.broadcast %mul3A_31 : i32 to vector<16xi32>
    %mul3A_33 = arith.muli %select_n3A, %mul3A_32 : vector<16xi32>
    %sub3A_34 = arith.subi %iota3A, %mul3A_33 : vector<16xi32>
    %broadcast_in_dim3A = arith.constant 0 : i32
    %broadcast_in_dim3A_35 = vector.broadcast %broadcast_in_dim3A : i32 to vector<16xi32>
    %dma_start3A = arith.constant 0 : i32
    %dma_start3A_36 = tpu.memref_slice %arg5[%dma_start3A] : memref<6400xi32, #tpu.memory_space<vmem>> -> memref<256xi32, #tpu.memory_space<vmem>>
    %dma_start3A_37 = arith.constant 0 : i32
    %dma_start3A_38 = arith.constant 0 : i32
    %dma_start3A_39 = tpu.memref_slice %arg3[%dma_start3A_37, %dma_start3A_38] : memref<100001x32xf32, #tpu.memory_space<hbm>> -> memref<100001x32xf32, #tpu.memory_space<hbm>>
    tpu.enqueue_indirect_dma source(%dma_start3A_39 : memref<100001x32xf32, #tpu.memory_space<hbm>>) target(%arg6 : memref<256x32xf32, #tpu.memory_space<vmem>>) offsets(%dma_start3A_36 : memref<256xi32, #tpu.memory_space<vmem>>) semaphore(%arg10 : memref<!tpu.dma_semaphore, #tpu.memory_space<semaphore_mem>>)
    %dma_start3A_40 = arith.constant 256 : i32
    %dma_start3A_41 = tpu.memref_slice %arg5[%dma_start3A_40] : memref<6400xi32, #tpu.memory_space<vmem>> -> memref<256xi32, #tpu.memory_space<vmem>>
    %dma_start3A_42 = arith.constant 0 : i32
    %dma_start3A_43 = arith.constant 0 : i32
    %dma_start3A_44 = tpu.memref_slice %arg3[%dma_start3A_42, %dma_start3A_43] : memref<100001x32xf32, #tpu.memory_space<hbm>> -> memref<100001x32xf32, #tpu.memory_space<hbm>>
    tpu.enqueue_indirect_dma source(%dma_start3A_44 : memref<100001x32xf32, #tpu.memory_space<hbm>>) target(%arg7 : memref<256x32xf32, #tpu.memory_space<vmem>>) offsets(%dma_start3A_41 : memref<256xi32, #tpu.memory_space<vmem>>) semaphore(%arg11 : memref<!tpu.dma_semaphore, #tpu.memory_space<semaphore_mem>>)
    %scan3A = arith.constant 0 : i32
    %scan3A_45 = arith.constant 0 : i32
    %scan3A_46 = arith.constant 12 : i32
    %scan3A_47 = arith.addi %scan3A_45, %scan3A_46 : i32
    %scan3A_48 = arith.constant 1 : i32
    scf.for %scan3A_479 = %scan3A_45 to %scan3A_47 step %scan3A_48  : i32 {
      %mul3A_480 = arith.constant 2 : i32
      %mul3A_481 = arith.muli %mul3A_480, %scan3A_479 : i32
      %dma_wait3A_482 = arith.constant 0 : i32
      %dma_wait3A_483 = arith.constant 0 : i32
      %dma_wait3A_484 = tpu.memref_slice %arg3[%dma_wait3A_482, %dma_wait3A_483] : memref<100001x32xf32, #tpu.memory_space<hbm>> -> memref<256x32xf32, #tpu.memory_space<hbm>>
      %dma_wait3A_485 = arith.constant 0 : i32
      %dma_wait3A_486 = arith.constant 0 : i32
      %dma_wait3A_487 = tpu.memref_slice %arg3[%dma_wait3A_485, %dma_wait3A_486] : memref<100001x32xf32, #tpu.memory_space<hbm>> -> memref<256x32xf32, #tpu.memory_space<hbm>>
      tpu.wait_dma2 semaphore(%arg10 : memref<!tpu.dma_semaphore, #tpu.memory_space<semaphore_mem>>) src(%dma_wait3A_487 : memref<256x32xf32, #tpu.memory_space<hbm>>) dst(%arg6 : memref<256x32xf32, #tpu.memory_space<vmem>>)
      %gt3A = arith.constant 0 : i32
      %gt3A_488 = arith.cmpi sgt, %scan3A_479, %gt3A : i32
      %convert_element_type3A = arith.extui %gt3A_488 : i1 to i32
      %cond3A = arith.constant 0 : i32
      %cond3A_489 = arith.cmpi ne, %convert_element_type3A, %cond3A : i32
      scf.if %cond3A_489 {
        %dma_wait3A_817 = arith.constant 0 : i32
        %dma_wait3A_818 = arith.constant 0 : i32
        %dma_wait3A_819 = arith.constant 0 : i32
        %dma_wait3A_820 = arith.constant 0 : i32
        %dma_wait3A_821 = arith.constant 0 : i32
        %dma_wait3A_822 = arith.constant 0 : i32
        %dma_wait3A_823 = tpu.memref_slice %arg8[%dma_wait3A_817, %dma_wait3A_820, %dma_wait3A_821, %dma_wait3A_822] : memref<2x4x8x129xf32, #tpu.memory_space<vmem>> -> memref<1x4x8x128xf32, #tpu.memory_space<vmem>>
        %dma_wait3A_824 = tpu.memref_squeeze %dma_wait3A_823 : memref<1x4x8x128xf32, #tpu.memory_space<vmem>> -> memref<4x8x128xf32, #tpu.memory_space<vmem>>
        %dma_wait3A_825 = arith.constant 0 : i32
        %dma_wait3A_826 = arith.constant 0 : i32
        %dma_wait3A_827 = arith.constant 0 : i32
        %dma_wait3A_828 = tpu.memref_slice %arg4[%dma_wait3A_818, %dma_wait3A_825, %dma_wait3A_819, %dma_wait3A_826, %dma_wait3A_827] : memref<400x4x8x8x128xf32, #tpu.memory_space<hbm>> -> memref<1x4x1x8x128xf32, #tpu.memory_space<hbm>>
        %dma_wait3A_829 = tpu.memref_squeeze %dma_wait3A_828 : memref<1x4x1x8x128xf32, #tpu.memory_space<hbm>> -> memref<4x8x128xf32, #tpu.memory_space<hbm>>
        %dma_wait3A_830 = arith.constant 0 : i32
        %dma_wait3A_831 = arith.constant 0 : i32
        %dma_wait3A_832 = arith.constant 0 : i32
        %dma_wait3A_833 = tpu.memref_slice %arg4[%dma_wait3A_818, %dma_wait3A_830, %dma_wait3A_819, %dma_wait3A_831, %dma_wait3A_832] : memref<400x4x8x8x128xf32, #tpu.memory_space<hbm>> -> memref<1x4x1x8x128xf32, #tpu.memory_space<hbm>>
        %dma_wait3A_834 = tpu.memref_squeeze %dma_wait3A_833 : memref<1x4x1x8x128xf32, #tpu.memory_space<hbm>> -> memref<4x8x128xf32, #tpu.memory_space<hbm>>
        %dma_wait3A_835 = arith.constant 0 : i32
        %dma_wait3A_836 = arith.constant 0 : i32
        %dma_wait3A_837 = arith.constant 0 : i32
        %dma_wait3A_838 = tpu.memref_slice %arg8[%dma_wait3A_817, %dma_wait3A_835, %dma_wait3A_836, %dma_wait3A_837] : memref<2x4x8x129xf32, #tpu.memory_space<vmem>> -> memref<1x4x8x128xf32, #tpu.memory_space<vmem>>
        %dma_wait3A_839 = tpu.memref_squeeze %dma_wait3A_838 : memref<1x4x8x128xf32, #tpu.memory_space<vmem>> -> memref<4x8x128xf32, #tpu.memory_space<vmem>>
        tpu.wait_dma2 semaphore(%arg12 : memref<!tpu.dma_semaphore, #tpu.memory_space<semaphore_mem>>) src(%dma_wait3A_839 : memref<4x8x128xf32, #tpu.memory_space<vmem>>) dst(%dma_wait3A_834 : memref<4x8x128xf32, #tpu.memory_space<hbm>>)
        %dma_wait3A_840 = arith.constant 0 : i32
        %dma_wait3A_841 = arith.constant 0 : i32
        %dma_wait3A_842 = arith.constant 0 : i32
        %dma_wait3A_843 = arith.constant 0 : i32
        %dma_wait3A_844 = arith.constant 0 : i32
        %dma_wait3A_845 = arith.constant 0 : i32
        %dma_wait3A_846 = tpu.memref_slice %arg8[%dma_wait3A_840, %dma_wait3A_843, %dma_wait3A_844, %dma_wait3A_845] : memref<2x4x8x129xf32, #tpu.memory_space<vmem>> -> memref<1x4x8x128xf32, #tpu.memory_space<vmem>>
        %dma_wait3A_847 = tpu.memref_squeeze %dma_wait3A_846 : memref<1x4x8x128xf32, #tpu.memory_space<vmem>> -> memref<4x8x128xf32, #tpu.memory_space<vmem>>
        %dma_wait3A_848 = arith.constant 0 : i32
        %dma_wait3A_849 = arith.constant 0 : i32
        %dma_wait3A_850 = arith.constant 0 : i32
        %dma_wait3A_851 = tpu.memref_slice %arg4[%dma_wait3A_841, %dma_wait3A_848, %dma_wait3A_842, %dma_wait3A_849, %dma_wait3A_850] : memref<400x4x8x8x128xf32, #tpu.memory_space<hbm>> -> memref<1x4x1x8x128xf32, #tpu.memory_space<hbm>>
        %dma_wait3A_852 = tpu.memref_squeeze %dma_wait3A_851 : memref<1x4x1x8x128xf32, #tpu.memory_space<hbm>> -> memref<4x8x128xf32, #tpu.memory_space<hbm>>
        %dma_wait3A_853 = arith.constant 0 : i32
        %dma_wait3A_854 = arith.constant 0 : i32
        %dma_wait3A_855 = arith.constant 0 : i32
        %dma_wait3A_856 = tpu.memref_slice %arg4[%dma_wait3A_841, %dma_wait3A_853, %dma_wait3A_842, %dma_wait3A_854, %dma_wait3A_855] : memref<400x4x8x8x128xf32, #tpu.memory_space<hbm>> -> memref<1x4x1x8x128xf32, #tpu.memory_space<hbm>>
        %dma_wait3A_857 = tpu.memref_squeeze %dma_wait3A_856 : memref<1x4x1x8x128xf32, #tpu.memory_space<hbm>> -> memref<4x8x128xf32, #tpu.memory_space<hbm>>
        %dma_wait3A_858 = arith.constant 0 : i32
        %dma_wait3A_859 = arith.constant 0 : i32
        %dma_wait3A_860 = arith.constant 0 : i32
        %dma_wait3A_861 = tpu.memref_slice %arg8[%dma_wait3A_840, %dma_wait3A_858, %dma_wait3A_859, %dma_wait3A_860] : memref<2x4x8x129xf32, #tpu.memory_space<vmem>> -> memref<1x4x8x128xf32, #tpu.memory_space<vmem>>
        %dma_wait3A_862 = tpu.memref_squeeze %dma_wait3A_861 : memref<1x4x8x128xf32, #tpu.memory_space<vmem>> -> memref<4x8x128xf32, #tpu.memory_space<vmem>>
        tpu.wait_dma2 semaphore(%arg12 : memref<!tpu.dma_semaphore, #tpu.memory_space<semaphore_mem>>) src(%dma_wait3A_862 : memref<4x8x128xf32, #tpu.memory_space<vmem>>) dst(%dma_wait3A_857 : memref<4x8x128xf32, #tpu.memory_space<hbm>>)
        %dma_wait3A_863 = arith.constant 0 : i32
        %dma_wait3A_864 = arith.constant 0 : i32
        %dma_wait3A_865 = arith.constant 0 : i32
        %dma_wait3A_866 = arith.constant 0 : i32
        %dma_wait3A_867 = arith.constant 0 : i32
        %dma_wait3A_868 = arith.constant 0 : i32
        %dma_wait3A_869 = tpu.memref_slice %arg8[%dma_wait3A_863, %dma_wait3A_866, %dma_wait3A_867, %dma_wait3A_868] : memref<2x4x8x129xf32, #tpu.memory_space<vmem>> -> memref<1x4x8x128xf32, #tpu.memory_space<vmem>>
        %dma_wait3A_870 = tpu.memref_squeeze %dma_wait3A_869 : memref<1x4x8x128xf32, #tpu.memory_space<vmem>> -> memref<4x8x128xf32, #tpu.memory_space<vmem>>
        %dma_wait3A_871 = arith.constant 0 : i32
        %dma_wait3A_872 = arith.constant 0 : i32
        %dma_wait3A_873 = arith.constant 0 : i32
        %dma_wait3A_874 = tpu.memref_slice %arg4[%dma_wait3A_864, %dma_wait3A_871, %dma_wait3A_865, %dma_wait3A_872, %dma_wait3A_873] : memref<400x4x8x8x128xf32, #tpu.memory_space<hbm>> -> memref<1x4x1x8x128xf32, #tpu.memory_space<hbm>>
        %dma_wait3A_875 = tpu.memref_squeeze %dma_wait3A_874 : memref<1x4x1x8x128xf32, #tpu.memory_space<hbm>> -> memref<4x8x128xf32, #tpu.memory_space<hbm>>
        %dma_wait3A_876 = arith.constant 0 : i32
        %dma_wait3A_877 = arith.constant 0 : i32
        %dma_wait3A_878 = arith.constant 0 : i32
        %dma_wait3A_879 = tpu.memref_slice %arg4[%dma_wait3A_864, %dma_wait3A_876, %dma_wait3A_865, %dma_wait3A_877, %dma_wait3A_878] : memref<400x4x8x8x128xf32, #tpu.memory_space<hbm>> -> memref<1x4x1x8x128xf32, #tpu.memory_space<hbm>>
        %dma_wait3A_880 = tpu.memref_squeeze %dma_wait3A_879 : memref<1x4x1x8x128xf32, #tpu.memory_space<hbm>> -> memref<4x8x128xf32, #tpu.memory_space<hbm>>
        %dma_wait3A_881 = arith.constant 0 : i32
        %dma_wait3A_882 = arith.constant 0 : i32
        %dma_wait3A_883 = arith.constant 0 : i32
        %dma_wait3A_884 = tpu.memref_slice %arg8[%dma_wait3A_863, %dma_wait3A_881, %dma_wait3A_882, %dma_wait3A_883] : memref<2x4x8x129xf32, #tpu.memory_space<vmem>> -> memref<1x4x8x128xf32, #tpu.memory_space<vmem>>
        %dma_wait3A_885 = tpu.memref_squeeze %dma_wait3A_884 : memref<1x4x8x128xf32, #tpu.memory_space<vmem>> -> memref<4x8x128xf32, #tpu.memory_space<vmem>>
        tpu.wait_dma2 semaphore(%arg12 : memref<!tpu.dma_semaphore, #tpu.memory_space<semaphore_mem>>) src(%dma_wait3A_885 : memref<4x8x128xf32, #tpu.memory_space<vmem>>) dst(%dma_wait3A_880 : memref<4x8x128xf32, #tpu.memory_space<hbm>>)
        %dma_wait3A_886 = arith.constant 0 : i32
        %dma_wait3A_887 = arith.constant 0 : i32
        %dma_wait3A_888 = arith.constant 0 : i32
        %dma_wait3A_889 = arith.constant 0 : i32
        %dma_wait3A_890 = arith.constant 0 : i32
        %dma_wait3A_891 = arith.constant 0 : i32
        %dma_wait3A_892 = tpu.memref_slice %arg8[%dma_wait3A_886, %dma_wait3A_889, %dma_wait3A_890, %dma_wait3A_891] : memref<2x4x8x129xf32, #tpu.memory_space<vmem>> -> memref<1x4x8x128xf32, #tpu.memory_space<vmem>>
        %dma_wait3A_893 = tpu.memref_squeeze %dma_wait3A_892 : memref<1x4x8x128xf32, #tpu.memory_space<vmem>> -> memref<4x8x128xf32, #tpu.memory_space<vmem>>
        %dma_wait3A_894 = arith.constant 0 : i32
        %dma_wait3A_895 = arith.constant 0 : i32
        %dma_wait3A_896 = arith.constant 0 : i32
        %dma_wait3A_897 = tpu.memref_slice %arg4[%dma_wait3A_887, %dma_wait3A_894, %dma_wait3A_888, %dma_wait3A_895, %dma_wait3A_896] : memref<400x4x8x8x128xf32, #tpu.memory_space<hbm>> -> memref<1x4x1x8x128xf32, #tpu.memory_space<hbm>>
        %dma_wait3A_898 = tpu.memref_squeeze %dma_wait3A_897 : memref<1x4x1x8x128xf32, #tpu.memory_space<hbm>> -> memref<4x8x128xf32, #tpu.memory_space<hbm>>
        %dma_wait3A_899 = arith.constant 0 : i32
        %dma_wait3A_900 = arith.constant 0 : i32
        %dma_wait3A_901 = arith.constant 0 : i32
        %dma_wait3A_902 = tpu.memref_slice %arg4[%dma_wait3A_887, %dma_wait3A_899, %dma_wait3A_888, %dma_wait3A_900, %dma_wait3A_901] : memref<400x4x8x8x128xf32, #tpu.memory_space<hbm>> -> memref<1x4x1x8x128xf32, #tpu.memory_space<hbm>>
        %dma_wait3A_903 = tpu.memref_squeeze %dma_wait3A_902 : memref<1x4x1x8x128xf32, #tpu.memory_space<hbm>> -> memref<4x8x128xf32, #tpu.memory_space<hbm>>
        %dma_wait3A_904 = arith.constant 0 : i32
        %dma_wait3A_905 = arith.constant 0 : i32
        %dma_wait3A_906 = arith.constant 0 : i32
        %dma_wait3A_907 = tpu.memref_slice %arg8[%dma_wait3A_886, %dma_wait3A_904, %dma_wait3A_905, %dma_wait3A_906] : memref<2x4x8x129xf32, #tpu.memory_space<vmem>> -> memref<1x4x8x128xf32, #tpu.memory_space<vmem>>
        %dma_wait3A_908 = tpu.memref_squeeze %dma_wait3A_907 : memref<1x4x8x128xf32, #tpu.memory_space<vmem>> -> memref<4x8x128xf32, #tpu.memory_space<vmem>>
        tpu.wait_dma2 semaphore(%arg12 : memref<!tpu.dma_semaphore, #tpu.memory_space<semaphore_mem>>) src(%dma_wait3A_908 : memref<4x8x128xf32, #tpu.memory_space<vmem>>) dst(%dma_wait3A_903 : memref<4x8x128xf32, #tpu.memory_space<hbm>>)
      } else {
      }
      %parallel_loop3A_490 = arith.constant 0 : i32
      %parallel_loop3A_491 = arith.constant 256 : i32
      %parallel_loop3A_492 = arith.constant 1 : i32
      scf.for %parallel_loop3A_817 = %parallel_loop3A_490 to %parallel_loop3A_491 step %parallel_loop3A_492  : i32 {
        %parallel_loop3A_818 = arith.constant 128 : i32
        %parallel_loop3A_819 = arith.divsi %parallel_loop3A_817, %parallel_loop3A_818 : i32
        %parallel_loop3A_820 = arith.constant 0 : i32
        %parallel_loop3A_821 = arith.cmpi sgt, %parallel_loop3A_817, %parallel_loop3A_820 : i32
        %parallel_loop3A_822 = arith.extui %parallel_loop3A_821 : i1 to i32
        %parallel_loop3A_823 = arith.constant 0 : i32
        %parallel_loop3A_824 = arith.cmpi slt, %parallel_loop3A_817, %parallel_loop3A_823 : i32
        %parallel_loop3A_825 = arith.extui %parallel_loop3A_824 : i1 to i32
        %parallel_loop3A_826 = arith.subi %parallel_loop3A_822, %parallel_loop3A_825 : i32
        %parallel_loop3A_827 = arith.constant 0 : i32
        %parallel_loop3A_828 = arith.cmpi sgt, %parallel_loop3A_818, %parallel_loop3A_827 : i32
        %parallel_loop3A_829 = arith.extui %parallel_loop3A_828 : i1 to i32
        %parallel_loop3A_830 = arith.constant 0 : i32
        %parallel_loop3A_831 = arith.cmpi slt, %parallel_loop3A_818, %parallel_loop3A_830 : i32
        %parallel_loop3A_832 = arith.extui %parallel_loop3A_831 : i1 to i32
        %parallel_loop3A_833 = arith.subi %parallel_loop3A_829, %parallel_loop3A_832 : i32
        %parallel_loop3A_834 = arith.cmpi ne, %parallel_loop3A_826, %parallel_loop3A_833 : i32
        %parallel_loop3A_835 = arith.remsi %parallel_loop3A_817, %parallel_loop3A_818 : i32
        %parallel_loop3A_836 = arith.constant 0 : i32
        %parallel_loop3A_837 = arith.cmpi ne, %parallel_loop3A_835, %parallel_loop3A_836 : i32
        %parallel_loop3A_838 = arith.andi %parallel_loop3A_834, %parallel_loop3A_837 : i1
        %parallel_loop3A_839 = arith.constant 1 : i32
        %parallel_loop3A_840 = arith.subi %parallel_loop3A_819, %parallel_loop3A_839 : i32
        %parallel_loop3A_841 = arith.select %parallel_loop3A_838, %parallel_loop3A_840, %parallel_loop3A_819 : i32
        %parallel_loop3A_842 = arith.constant 128 : i32
        %parallel_loop3A_843 = arith.muli %parallel_loop3A_841, %parallel_loop3A_842 : i32
        %parallel_loop3A_844 = arith.subi %parallel_loop3A_817, %parallel_loop3A_843 : i32
        %parallel_loop3A_845 = vector.broadcast %parallel_loop3A_841 : i32 to vector<16xi32>
        %parallel_loop3A_846 = arith.addi %broadcast_in_dim3A_35, %parallel_loop3A_845 : vector<16xi32>
        %parallel_loop3A_847 = vector.broadcast %parallel_loop3A_844 : i32 to vector<16xi32>
        %parallel_loop3A_848 = arith.addi %broadcast_in_dim3A_35, %parallel_loop3A_847 : vector<16xi32>
        %parallel_loop3A_849 = arith.index_cast %parallel_loop3A_817 : i32 to index
        %parallel_loop3A_850 = arith.constant 0 : index
        %parallel_loop3A_851 = tpu.vector_load %arg6[%parallel_loop3A_849, %parallel_loop3A_850] {strides = array<i32>} : memref<256x32xf32, #tpu.memory_space<vmem>>, vector<16xf32>,
        %parallel_loop3A_852 = arith.index_cast %parallel_loop3A_817 : i32 to index
        %parallel_loop3A_853 = arith.constant 16 : index
        %parallel_loop3A_854 = tpu.vector_load %arg6[%parallel_loop3A_852, %parallel_loop3A_853] {strides = array<i32>} : memref<256x32xf32, #tpu.memory_space<vmem>>, vector<16xf32>,
        tpu.vector_store_idx %arg8[%parallel_loop3A_846, %select_n3A, %sub3A_34, %parallel_loop3A_848], %parallel_loop3A_851 : memref<2x4x8x129xf32, #tpu.memory_space<vmem>>[vector<16xi32>, vector<16xi32>, vector<16xi32>, vector<16xi32>], vector<16xf32>,
        tpu.vector_store_idx %arg8[%parallel_loop3A_846, %add3A_30, %sub3A_34, %parallel_loop3A_848], %parallel_loop3A_854 : memref<2x4x8x129xf32, #tpu.memory_space<vmem>>[vector<16xi32>, vector<16xi32>, vector<16xi32>, vector<16xi32>], vector<16xf32>,
      } {sc.loop_unroll_factor = 8 : i64, sc.parallel_access}
      %add3A_493 = arith.constant 2 : i32
      %add3A_494 = arith.addi %mul3A_481, %add3A_493 : i32
      %lt3A_495 = arith.constant 25 : i32
      %lt3A_496 = arith.cmpi slt, %add3A_494, %lt3A_495 : i32
      %convert_element_type3A_497 = arith.extui %lt3A_496 : i1 to i32
      %cond3A_498 = arith.constant 0 : i32
      %cond3A_499 = arith.cmpi ne, %convert_element_type3A_497, %cond3A_498 : i32
      scf.if %cond3A_499 {
        %add3A_817 = arith.constant 2 : i32
        %add3A_818 = arith.addi %mul3A_481, %add3A_817 : i32
        %mul3A_819 = arith.constant 256 : i32
        %mul3A_820 = arith.muli %add3A_818, %mul3A_819 : i32
        %dma_start3A_821 = tpu.memref_slice %arg5[%mul3A_820] : memref<6400xi32, #tpu.memory_space<vmem>> -> memref<256xi32, #tpu.memory_space<vmem>>
        %dma_start3A_822 = arith.constant 0 : i32
        %dma_start3A_823 = arith.constant 0 : i32
        %dma_start3A_824 = tpu.memref_slice %arg3[%dma_start3A_822, %dma_start3A_823] : memref<100001x32xf32, #tpu.memory_space<hbm>> -> memref<100001x32xf32, #tpu.memory_space<hbm>>
        tpu.enqueue_indirect_dma source(%dma_start3A_824 : memref<100001x32xf32, #tpu.memory_space<hbm>>) target(%arg6 : memref<256x32xf32, #tpu.memory_space<vmem>>) offsets(%dma_start3A_821 : memref<256xi32, #tpu.memory_space<vmem>>) semaphore(%arg10 : memref<!tpu.dma_semaphore, #tpu.memory_space<semaphore_mem>>)
      } else {
      }
      %add3A_500 = arith.addi %mul3A_2, %mul3A_481 : i32
      %jit3A_501 = arith.constant 4 : i32
      %div3A_502 = arith.divsi %add3A_500, %jit3A_501 : i32
      %sign3A_503 = arith.constant 0 : i32
      %sign3A_504 = arith.cmpi sgt, %add3A_500, %sign3A_503 : i32
      %sign3A_505 = arith.extui %sign3A_504 : i1 to i32
      %sign3A_506 = arith.constant 0 : i32
      %sign3A_507 = arith.cmpi slt, %add3A_500, %sign3A_506 : i32
      %sign3A_508 = arith.extui %sign3A_507 : i1 to i32
      %sign3A_509 = arith.subi %sign3A_505, %sign3A_508 : i32
      %sign3A_510 = arith.constant 0 : i32
      %sign3A_511 = arith.cmpi sgt, %jit3A_501, %sign3A_510 : i32
      %sign3A_512 = arith.extui %sign3A_511 : i1 to i32
      %sign3A_513 = arith.constant 0 : i32
      %sign3A_514 = arith.cmpi slt, %jit3A_501, %sign3A_513 : i32
      %sign3A_515 = arith.extui %sign3A_514 : i1 to i32
      %sign3A_516 = arith.subi %sign3A_512, %sign3A_515 : i32
      %ne3A_517 = arith.cmpi ne, %sign3A_509, %sign3A_516 : i32
      %rem3A_518 = arith.remsi %add3A_500, %jit3A_501 : i32
      %ne3A_519 = arith.constant 0 : i32
      %ne3A_520 = arith.cmpi ne, %rem3A_518, %ne3A_519 : i32
      %and3A_521 = arith.andi %ne3A_517, %ne3A_520 : i1
      %sub3A_522 = arith.constant 1 : i32
      %sub3A_523 = arith.subi %div3A_502, %sub3A_522 : i32
      %select_n3A_524 = arith.select %and3A_521, %sub3A_523, %div3A_502 : i32
      %jit3A_525 = arith.constant 4 : i32
      %eq3A_526 = arith.constant 0 : i32
      %eq3A_527 = arith.cmpi eq, %jit3A_525, %eq3A_526 : i32
      %jit3A_528 = arith.constant 1 : i32
      %select_n3A_529 = arith.select %eq3A_527, %jit3A_528, %jit3A_525 : i32
      %rem3A_530 = arith.remsi %add3A_500, %select_n3A_529 : i32
      %ne3A_531 = arith.constant 0 : i32
      %ne3A_532 = arith.cmpi ne, %rem3A_530, %ne3A_531 : i32
      %lt3A_533 = arith.constant 0 : i32
      %lt3A_534 = arith.cmpi slt, %rem3A_530, %lt3A_533 : i32
      %lt3A_535 = arith.constant 0 : i32
      %lt3A_536 = arith.cmpi slt, %select_n3A_529, %lt3A_535 : i32
      %ne3A_537 = arith.xori %lt3A_534, %lt3A_536 : i1
      %and3A_538 = arith.andi %ne3A_537, %ne3A_532 : i1
      %add3A_539 = arith.addi %rem3A_530, %select_n3A_529 : i32
      %select_n3A_540 = arith.select %and3A_538, %add3A_539, %rem3A_530 : i32
      %mul3A_541 = arith.constant 2 : i32
      %mul3A_542 = arith.muli %select_n3A_540, %mul3A_541 : i32
      %mul3A_543 = arith.constant 2 : i32
      %mul3A_544 = arith.muli %mul3A_543, %select_n3A_524 : i32
      %add3A_545 = arith.constant 0 : i32
      %add3A_546 = arith.addi %mul3A_542, %add3A_545 : i32
      %dma_start3A_547 = arith.constant 0 : i32
      %dma_start3A_548 = arith.constant 0 : i32
      %dma_start3A_549 = arith.constant 0 : i32
      %dma_start3A_550 = arith.constant 0 : i32
      %dma_start3A_551 = tpu.memref_slice %arg8[%dma_start3A_547, %dma_start3A_548, %dma_start3A_549, %dma_start3A_550] : memref<2x4x8x129xf32, #tpu.memory_space<vmem>> -> memref<1x4x8x128xf32, #tpu.memory_space<vmem>>
      %dma_start3A_552 = tpu.memref_squeeze %dma_start3A_551 : memref<1x4x8x128xf32, #tpu.memory_space<vmem>> -> memref<4x8x128xf32, #tpu.memory_space<vmem>>
      %dma_start3A_553 = arith.constant 0 : i32
      %dma_start3A_554 = arith.constant 0 : i32
      %dma_start3A_555 = arith.constant 0 : i32
      %dma_start3A_556 = tpu.memref_slice %arg4[%mul3A_544, %dma_start3A_553, %add3A_546, %dma_start3A_554, %dma_start3A_555] : memref<400x4x8x8x128xf32, #tpu.memory_space<hbm>> -> memref<1x4x1x8x128xf32, #tpu.memory_space<hbm>>
      %dma_start3A_557 = tpu.memref_squeeze %dma_start3A_556 : memref<1x4x1x8x128xf32, #tpu.memory_space<hbm>> -> memref<4x8x128xf32, #tpu.memory_space<hbm>>
      %dma_start3A_558 = arith.constant 0 : i32
      %dma_start3A_559 = arith.constant 0 : i32
      %dma_start3A_560 = arith.constant 0 : i32
      %dma_start3A_561 = tpu.memref_slice %arg4[%mul3A_544, %dma_start3A_558, %add3A_546, %dma_start3A_559, %dma_start3A_560] : memref<400x4x8x8x128xf32, #tpu.memory_space<hbm>> -> memref<1x4x1x8x128xf32, #tpu.memory_space<hbm>>
      %dma_start3A_562 = tpu.memref_squeeze %dma_start3A_561 : memref<1x4x1x8x128xf32, #tpu.memory_space<hbm>> -> memref<4x8x128xf32, #tpu.memory_space<hbm>>
      %dma_start3A_563 = arith.constant 0 : i32
      %dma_start3A_564 = arith.constant 0 : i32
      %dma_start3A_565 = arith.constant 0 : i32
      %dma_start3A_566 = tpu.memref_slice %arg8[%dma_start3A_547, %dma_start3A_563, %dma_start3A_564, %dma_start3A_565] : memref<2x4x8x129xf32, #tpu.memory_space<vmem>> -> memref<1x4x8x128xf32, #tpu.memory_space<vmem>>
      %dma_start3A_567 = tpu.memref_squeeze %dma_start3A_566 : memref<1x4x8x128xf32, #tpu.memory_space<vmem>> -> memref<4x8x128xf32, #tpu.memory_space<vmem>>
      tpu.enqueue_dma source(%dma_start3A_567 : memref<4x8x128xf32, #tpu.memory_space<vmem>>) target(%dma_start3A_562 : memref<4x8x128xf32, #tpu.memory_space<hbm>>) target_semaphore(%arg12 : memref<!tpu.dma_semaphore, #tpu.memory_space<semaphore_mem>>)
      %mul3A_568 = arith.constant 2 : i32
      %mul3A_569 = arith.muli %mul3A_568, %select_n3A_524 : i32
      %add3A_570 = arith.constant 1 : i32
      %add3A_571 = arith.addi %mul3A_569, %add3A_570 : i32
      %add3A_572 = arith.constant 0 : i32
      %add3A_573 = arith.addi %mul3A_542, %add3A_572 : i32
      %dma_start3A_574 = arith.constant 0 : i32
      %dma_start3A_575 = arith.constant 0 : i32
      %dma_start3A_576 = arith.constant 0 : i32
      %dma_start3A_577 = arith.constant 0 : i32
      %dma_start3A_578 = tpu.memref_slice %arg8[%dma_start3A_574, %dma_start3A_575, %dma_start3A_576, %dma_start3A_577] : memref<2x4x8x129xf32, #tpu.memory_space<vmem>> -> memref<1x4x8x128xf32, #tpu.memory_space<vmem>>
      %dma_start3A_579 = tpu.memref_squeeze %dma_start3A_578 : memref<1x4x8x128xf32, #tpu.memory_space<vmem>> -> memref<4x8x128xf32, #tpu.memory_space<vmem>>
      %dma_start3A_580 = arith.constant 0 : i32
      %dma_start3A_581 = arith.constant 0 : i32
      %dma_start3A_582 = arith.constant 0 : i32
      %dma_start3A_583 = tpu.memref_slice %arg4[%add3A_571, %dma_start3A_580, %add3A_573, %dma_start3A_581, %dma_start3A_582] : memref<400x4x8x8x128xf32, #tpu.memory_space<hbm>> -> memref<1x4x1x8x128xf32, #tpu.memory_space<hbm>>
      %dma_start3A_584 = tpu.memref_squeeze %dma_start3A_583 : memref<1x4x1x8x128xf32, #tpu.memory_space<hbm>> -> memref<4x8x128xf32, #tpu.memory_space<hbm>>
      %dma_start3A_585 = arith.constant 0 : i32
      %dma_start3A_586 = arith.constant 0 : i32
      %dma_start3A_587 = arith.constant 0 : i32
      %dma_start3A_588 = tpu.memref_slice %arg4[%add3A_571, %dma_start3A_585, %add3A_573, %dma_start3A_586, %dma_start3A_587] : memref<400x4x8x8x128xf32, #tpu.memory_space<hbm>> -> memref<1x4x1x8x128xf32, #tpu.memory_space<hbm>>
      %dma_start3A_589 = tpu.memref_squeeze %dma_start3A_588 : memref<1x4x1x8x128xf32, #tpu.memory_space<hbm>> -> memref<4x8x128xf32, #tpu.memory_space<hbm>>
      %dma_start3A_590 = arith.constant 0 : i32
      %dma_start3A_591 = arith.constant 0 : i32
      %dma_start3A_592 = arith.constant 0 : i32
      %dma_start3A_593 = tpu.memref_slice %arg8[%dma_start3A_574, %dma_start3A_590, %dma_start3A_591, %dma_start3A_592] : memref<2x4x8x129xf32, #tpu.memory_space<vmem>> -> memref<1x4x8x128xf32, #tpu.memory_space<vmem>>
      %dma_start3A_594 = tpu.memref_squeeze %dma_start3A_593 : memref<1x4x8x128xf32, #tpu.memory_space<vmem>> -> memref<4x8x128xf32, #tpu.memory_space<vmem>>
      tpu.enqueue_dma source(%dma_start3A_594 : memref<4x8x128xf32, #tpu.memory_space<vmem>>) target(%dma_start3A_589 : memref<4x8x128xf32, #tpu.memory_space<hbm>>) target_semaphore(%arg12 : memref<!tpu.dma_semaphore, #tpu.memory_space<semaphore_mem>>)
      %mul3A_595 = arith.constant 2 : i32
      %mul3A_596 = arith.muli %mul3A_595, %select_n3A_524 : i32
      %add3A_597 = arith.constant 1 : i32
      %add3A_598 = arith.addi %mul3A_542, %add3A_597 : i32
      %dma_start3A_599 = arith.constant 1 : i32
      %dma_start3A_600 = arith.constant 0 : i32
      %dma_start3A_601 = arith.constant 0 : i32
      %dma_start3A_602 = arith.constant 0 : i32
      %dma_start3A_603 = tpu.memref_slice %arg8[%dma_start3A_599, %dma_start3A_600, %dma_start3A_601, %dma_start3A_602] : memref<2x4x8x129xf32, #tpu.memory_space<vmem>> -> memref<1x4x8x128xf32, #tpu.memory_space<vmem>>
      %dma_start3A_604 = tpu.memref_squeeze %dma_start3A_603 : memref<1x4x8x128xf32, #tpu.memory_space<vmem>> -> memref<4x8x128xf32, #tpu.memory_space<vmem>>
      %dma_start3A_605 = arith.constant 0 : i32
      %dma_start3A_606 = arith.constant 0 : i32
      %dma_start3A_607 = arith.constant 0 : i32
      %dma_start3A_608 = tpu.memref_slice %arg4[%mul3A_596, %dma_start3A_605, %add3A_598, %dma_start3A_606, %dma_start3A_607] : memref<400x4x8x8x128xf32, #tpu.memory_space<hbm>> -> memref<1x4x1x8x128xf32, #tpu.memory_space<hbm>>
      %dma_start3A_609 = tpu.memref_squeeze %dma_start3A_608 : memref<1x4x1x8x128xf32, #tpu.memory_space<hbm>> -> memref<4x8x128xf32, #tpu.memory_space<hbm>>
      %dma_start3A_610 = arith.constant 0 : i32
      %dma_start3A_611 = arith.constant 0 : i32
      %dma_start3A_612 = arith.constant 0 : i32
      %dma_start3A_613 = tpu.memref_slice %arg4[%mul3A_596, %dma_start3A_610, %add3A_598, %dma_start3A_611, %dma_start3A_612] : memref<400x4x8x8x128xf32, #tpu.memory_space<hbm>> -> memref<1x4x1x8x128xf32, #tpu.memory_space<hbm>>
      %dma_start3A_614 = tpu.memref_squeeze %dma_start3A_613 : memref<1x4x1x8x128xf32, #tpu.memory_space<hbm>> -> memref<4x8x128xf32, #tpu.memory_space<hbm>>
      %dma_start3A_615 = arith.constant 0 : i32
      %dma_start3A_616 = arith.constant 0 : i32
      %dma_start3A_617 = arith.constant 0 : i32
      %dma_start3A_618 = tpu.memref_slice %arg8[%dma_start3A_599, %dma_start3A_615, %dma_start3A_616, %dma_start3A_617] : memref<2x4x8x129xf32, #tpu.memory_space<vmem>> -> memref<1x4x8x128xf32, #tpu.memory_space<vmem>>
      %dma_start3A_619 = tpu.memref_squeeze %dma_start3A_618 : memref<1x4x8x128xf32, #tpu.memory_space<vmem>> -> memref<4x8x128xf32, #tpu.memory_space<vmem>>
      tpu.enqueue_dma source(%dma_start3A_619 : memref<4x8x128xf32, #tpu.memory_space<vmem>>) target(%dma_start3A_614 : memref<4x8x128xf32, #tpu.memory_space<hbm>>) target_semaphore(%arg12 : memref<!tpu.dma_semaphore, #tpu.memory_space<semaphore_mem>>)
      %mul3A_620 = arith.constant 2 : i32
      %mul3A_621 = arith.muli %mul3A_620, %select_n3A_524 : i32
      %add3A_622 = arith.constant 1 : i32
      %add3A_623 = arith.addi %mul3A_621, %add3A_622 : i32
      %add3A_624 = arith.constant 1 : i32
      %add3A_625 = arith.addi %mul3A_542, %add3A_624 : i32
      %dma_start3A_626 = arith.constant 1 : i32
      %dma_start3A_627 = arith.constant 0 : i32
      %dma_start3A_628 = arith.constant 0 : i32
      %dma_start3A_629 = arith.constant 0 : i32
      %dma_start3A_630 = tpu.memref_slice %arg8[%dma_start3A_626, %dma_start3A_627, %dma_start3A_628, %dma_start3A_629] : memref<2x4x8x129xf32, #tpu.memory_space<vmem>> -> memref<1x4x8x128xf32, #tpu.memory_space<vmem>>
      %dma_start3A_631 = tpu.memref_squeeze %dma_start3A_630 : memref<1x4x8x128xf32, #tpu.memory_space<vmem>> -> memref<4x8x128xf32, #tpu.memory_space<vmem>>
      %dma_start3A_632 = arith.constant 0 : i32
      %dma_start3A_633 = arith.constant 0 : i32
      %dma_start3A_634 = arith.constant 0 : i32
      %dma_start3A_635 = tpu.memref_slice %arg4[%add3A_623, %dma_start3A_632, %add3A_625, %dma_start3A_633, %dma_start3A_634] : memref<400x4x8x8x128xf32, #tpu.memory_space<hbm>> -> memref<1x4x1x8x128xf32, #tpu.memory_space<hbm>>
      %dma_start3A_636 = tpu.memref_squeeze %dma_start3A_635 : memref<1x4x1x8x128xf32, #tpu.memory_space<hbm>> -> memref<4x8x128xf32, #tpu.memory_space<hbm>>
      %dma_start3A_637 = arith.constant 0 : i32
      %dma_start3A_638 = arith.constant 0 : i32
      %dma_start3A_639 = arith.constant 0 : i32
      %dma_start3A_640 = tpu.memref_slice %arg4[%add3A_623, %dma_start3A_637, %add3A_625, %dma_start3A_638, %dma_start3A_639] : memref<400x4x8x8x128xf32, #tpu.memory_space<hbm>> -> memref<1x4x1x8x128xf32, #tpu.memory_space<hbm>>
      %dma_start3A_641 = tpu.memref_squeeze %dma_start3A_640 : memref<1x4x1x8x128xf32, #tpu.memory_space<hbm>> -> memref<4x8x128xf32, #tpu.memory_space<hbm>>
      %dma_start3A_642 = arith.constant 0 : i32
      %dma_start3A_643 = arith.constant 0 : i32
      %dma_start3A_644 = arith.constant 0 : i32
      %dma_start3A_645 = tpu.memref_slice %arg8[%dma_start3A_626, %dma_start3A_642, %dma_start3A_643, %dma_start3A_644] : memref<2x4x8x129xf32, #tpu.memory_space<vmem>> -> memref<1x4x8x128xf32, #tpu.memory_space<vmem>>
      %dma_start3A_646 = tpu.memref_squeeze %dma_start3A_645 : memref<1x4x8x128xf32, #tpu.memory_space<vmem>> -> memref<4x8x128xf32, #tpu.memory_space<vmem>>
      tpu.enqueue_dma source(%dma_start3A_646 : memref<4x8x128xf32, #tpu.memory_space<vmem>>) target(%dma_start3A_641 : memref<4x8x128xf32, #tpu.memory_space<hbm>>) target_semaphore(%arg12 : memref<!tpu.dma_semaphore, #tpu.memory_space<semaphore_mem>>)
      %dma_wait3A_647 = arith.constant 0 : i32
      %dma_wait3A_648 = arith.constant 0 : i32
      %dma_wait3A_649 = tpu.memref_slice %arg3[%dma_wait3A_647, %dma_wait3A_648] : memref<100001x32xf32, #tpu.memory_space<hbm>> -> memref<256x32xf32, #tpu.memory_space<hbm>>
      %dma_wait3A_650 = arith.constant 0 : i32
      %dma_wait3A_651 = arith.constant 0 : i32
      %dma_wait3A_652 = tpu.memref_slice %arg3[%dma_wait3A_650, %dma_wait3A_651] : memref<100001x32xf32, #tpu.memory_space<hbm>> -> memref<256x32xf32, #tpu.memory_space<hbm>>
      tpu.wait_dma2 semaphore(%arg11 : memref<!tpu.dma_semaphore, #tpu.memory_space<semaphore_mem>>) src(%dma_wait3A_652 : memref<256x32xf32, #tpu.memory_space<hbm>>) dst(%arg7 : memref<256x32xf32, #tpu.memory_space<vmem>>)
      %gt3A_653 = arith.constant 0 : i32
      %gt3A_654 = arith.cmpi sgt, %scan3A_479, %gt3A_653 : i32
      %convert_element_type3A_655 = arith.extui %gt3A_654 : i1 to i32
      %cond3A_656 = arith.constant 0 : i32
      %cond3A_657 = arith.cmpi ne, %convert_element_type3A_655, %cond3A_656 : i32
      scf.if %cond3A_657 {
        %dma_wait3A_817 = arith.constant 0 : i32
        %dma_wait3A_818 = arith.constant 0 : i32
        %dma_wait3A_819 = arith.constant 0 : i32
        %dma_wait3A_820 = arith.constant 0 : i32
        %dma_wait3A_821 = arith.constant 0 : i32
        %dma_wait3A_822 = arith.constant 0 : i32
        %dma_wait3A_823 = tpu.memref_slice %arg9[%dma_wait3A_817, %dma_wait3A_820, %dma_wait3A_821, %dma_wait3A_822] : memref<2x4x8x129xf32, #tpu.memory_space<vmem>> -> memref<1x4x8x128xf32, #tpu.memory_space<vmem>>
        %dma_wait3A_824 = tpu.memref_squeeze %dma_wait3A_823 : memref<1x4x8x128xf32, #tpu.memory_space<vmem>> -> memref<4x8x128xf32, #tpu.memory_space<vmem>>
        %dma_wait3A_825 = arith.constant 0 : i32
        %dma_wait3A_826 = arith.constant 0 : i32
        %dma_wait3A_827 = arith.constant 0 : i32
        %dma_wait3A_828 = tpu.memref_slice %arg4[%dma_wait3A_818, %dma_wait3A_825, %dma_wait3A_819, %dma_wait3A_826, %dma_wait3A_827] : memref<400x4x8x8x128xf32, #tpu.memory_space<hbm>> -> memref<1x4x1x8x128xf32, #tpu.memory_space<hbm>>
        %dma_wait3A_829 = tpu.memref_squeeze %dma_wait3A_828 : memref<1x4x1x8x128xf32, #tpu.memory_space<hbm>> -> memref<4x8x128xf32, #tpu.memory_space<hbm>>
        %dma_wait3A_830 = arith.constant 0 : i32
        %dma_wait3A_831 = arith.constant 0 : i32
        %dma_wait3A_832 = arith.constant 0 : i32
        %dma_wait3A_833 = tpu.memref_slice %arg4[%dma_wait3A_818, %dma_wait3A_830, %dma_wait3A_819, %dma_wait3A_831, %dma_wait3A_832] : memref<400x4x8x8x128xf32, #tpu.memory_space<hbm>> -> memref<1x4x1x8x128xf32, #tpu.memory_space<hbm>>
        %dma_wait3A_834 = tpu.memref_squeeze %dma_wait3A_833 : memref<1x4x1x8x128xf32, #tpu.memory_space<hbm>> -> memref<4x8x128xf32, #tpu.memory_space<hbm>>
        %dma_wait3A_835 = arith.constant 0 : i32
        %dma_wait3A_836 = arith.constant 0 : i32
        %dma_wait3A_837 = arith.constant 0 : i32
        %dma_wait3A_838 = tpu.memref_slice %arg9[%dma_wait3A_817, %dma_wait3A_835, %dma_wait3A_836, %dma_wait3A_837] : memref<2x4x8x129xf32, #tpu.memory_space<vmem>> -> memref<1x4x8x128xf32, #tpu.memory_space<vmem>>
        %dma_wait3A_839 = tpu.memref_squeeze %dma_wait3A_838 : memref<1x4x8x128xf32, #tpu.memory_space<vmem>> -> memref<4x8x128xf32, #tpu.memory_space<vmem>>
        tpu.wait_dma2 semaphore(%arg13 : memref<!tpu.dma_semaphore, #tpu.memory_space<semaphore_mem>>) src(%dma_wait3A_839 : memref<4x8x128xf32, #tpu.memory_space<vmem>>) dst(%dma_wait3A_834 : memref<4x8x128xf32, #tpu.memory_space<hbm>>)
        %dma_wait3A_840 = arith.constant 0 : i32
        %dma_wait3A_841 = arith.constant 0 : i32
        %dma_wait3A_842 = arith.constant 0 : i32
        %dma_wait3A_843 = arith.constant 0 : i32
        %dma_wait3A_844 = arith.constant 0 : i32
        %dma_wait3A_845 = arith.constant 0 : i32
        %dma_wait3A_846 = tpu.memref_slice %arg9[%dma_wait3A_840, %dma_wait3A_843, %dma_wait3A_844, %dma_wait3A_845] : memref<2x4x8x129xf32, #tpu.memory_space<vmem>> -> memref<1x4x8x128xf32, #tpu.memory_space<vmem>>
        %dma_wait3A_847 = tpu.memref_squeeze %dma_wait3A_846 : memref<1x4x8x128xf32, #tpu.memory_space<vmem>> -> memref<4x8x128xf32, #tpu.memory_space<vmem>>
        %dma_wait3A_848 = arith.constant 0 : i32
        %dma_wait3A_849 = arith.constant 0 : i32
        %dma_wait3A_850 = arith.constant 0 : i32
        %dma_wait3A_851 = tpu.memref_slice %arg4[%dma_wait3A_841, %dma_wait3A_848, %dma_wait3A_842, %dma_wait3A_849, %dma_wait3A_850] : memref<400x4x8x8x128xf32, #tpu.memory_space<hbm>> -> memref<1x4x1x8x128xf32, #tpu.memory_space<hbm>>
        %dma_wait3A_852 = tpu.memref_squeeze %dma_wait3A_851 : memref<1x4x1x8x128xf32, #tpu.memory_space<hbm>> -> memref<4x8x128xf32, #tpu.memory_space<hbm>>
        %dma_wait3A_853 = arith.constant 0 : i32
        %dma_wait3A_854 = arith.constant 0 : i32
        %dma_wait3A_855 = arith.constant 0 : i32
        %dma_wait3A_856 = tpu.memref_slice %arg4[%dma_wait3A_841, %dma_wait3A_853, %dma_wait3A_842, %dma_wait3A_854, %dma_wait3A_855] : memref<400x4x8x8x128xf32, #tpu.memory_space<hbm>> -> memref<1x4x1x8x128xf32, #tpu.memory_space<hbm>>
        %dma_wait3A_857 = tpu.memref_squeeze %dma_wait3A_856 : memref<1x4x1x8x128xf32, #tpu.memory_space<hbm>> -> memref<4x8x128xf32, #tpu.memory_space<hbm>>
        %dma_wait3A_858 = arith.constant 0 : i32
        %dma_wait3A_859 = arith.constant 0 : i32
        %dma_wait3A_860 = arith.constant 0 : i32
        %dma_wait3A_861 = tpu.memref_slice %arg9[%dma_wait3A_840, %dma_wait3A_858, %dma_wait3A_859, %dma_wait3A_860] : memref<2x4x8x129xf32, #tpu.memory_space<vmem>> -> memref<1x4x8x128xf32, #tpu.memory_space<vmem>>
        %dma_wait3A_862 = tpu.memref_squeeze %dma_wait3A_861 : memref<1x4x8x128xf32, #tpu.memory_space<vmem>> -> memref<4x8x128xf32, #tpu.memory_space<vmem>>
        tpu.wait_dma2 semaphore(%arg13 : memref<!tpu.dma_semaphore, #tpu.memory_space<semaphore_mem>>) src(%dma_wait3A_862 : memref<4x8x128xf32, #tpu.memory_space<vmem>>) dst(%dma_wait3A_857 : memref<4x8x128xf32, #tpu.memory_space<hbm>>)
        %dma_wait3A_863 = arith.constant 0 : i32
        %dma_wait3A_864 = arith.constant 0 : i32
        %dma_wait3A_865 = arith.constant 0 : i32
        %dma_wait3A_866 = arith.constant 0 : i32
        %dma_wait3A_867 = arith.constant 0 : i32
        %dma_wait3A_868 = arith.constant 0 : i32
        %dma_wait3A_869 = tpu.memref_slice %arg9[%dma_wait3A_863, %dma_wait3A_866, %dma_wait3A_867, %dma_wait3A_868] : memref<2x4x8x129xf32, #tpu.memory_space<vmem>> -> memref<1x4x8x128xf32, #tpu.memory_space<vmem>>
        %dma_wait3A_870 = tpu.memref_squeeze %dma_wait3A_869 : memref<1x4x8x128xf32, #tpu.memory_space<vmem>> -> memref<4x8x128xf32, #tpu.memory_space<vmem>>
        %dma_wait3A_871 = arith.constant 0 : i32
        %dma_wait3A_872 = arith.constant 0 : i32
        %dma_wait3A_873 = arith.constant 0 : i32
        %dma_wait3A_874 = tpu.memref_slice %arg4[%dma_wait3A_864, %dma_wait3A_871, %dma_wait3A_865, %dma_wait3A_872, %dma_wait3A_873] : memref<400x4x8x8x128xf32, #tpu.memory_space<hbm>> -> memref<1x4x1x8x128xf32, #tpu.memory_space<hbm>>
        %dma_wait3A_875 = tpu.memref_squeeze %dma_wait3A_874 : memref<1x4x1x8x128xf32, #tpu.memory_space<hbm>> -> memref<4x8x128xf32, #tpu.memory_space<hbm>>
        %dma_wait3A_876 = arith.constant 0 : i32
        %dma_wait3A_877 = arith.constant 0 : i32
        %dma_wait3A_878 = arith.constant 0 : i32
        %dma_wait3A_879 = tpu.memref_slice %arg4[%dma_wait3A_864, %dma_wait3A_876, %dma_wait3A_865, %dma_wait3A_877, %dma_wait3A_878] : memref<400x4x8x8x128xf32, #tpu.memory_space<hbm>> -> memref<1x4x1x8x128xf32, #tpu.memory_space<hbm>>
        %dma_wait3A_880 = tpu.memref_squeeze %dma_wait3A_879 : memref<1x4x1x8x128xf32, #tpu.memory_space<hbm>> -> memref<4x8x128xf32, #tpu.memory_space<hbm>>
        %dma_wait3A_881 = arith.constant 0 : i32
        %dma_wait3A_882 = arith.constant 0 : i32
        %dma_wait3A_883 = arith.constant 0 : i32
        %dma_wait3A_884 = tpu.memref_slice %arg9[%dma_wait3A_863, %dma_wait3A_881, %dma_wait3A_882, %dma_wait3A_883] : memref<2x4x8x129xf32, #tpu.memory_space<vmem>> -> memref<1x4x8x128xf32, #tpu.memory_space<vmem>>
        %dma_wait3A_885 = tpu.memref_squeeze %dma_wait3A_884 : memref<1x4x8x128xf32, #tpu.memory_space<vmem>> -> memref<4x8x128xf32, #tpu.memory_space<vmem>>
        tpu.wait_dma2 semaphore(%arg13 : memref<!tpu.dma_semaphore, #tpu.memory_space<semaphore_mem>>) src(%dma_wait3A_885 : memref<4x8x128xf32, #tpu.memory_space<vmem>>) dst(%dma_wait3A_880 : memref<4x8x128xf32, #tpu.memory_space<hbm>>)
        %dma_wait3A_886 = arith.constant 0 : i32
        %dma_wait3A_887 = arith.constant 0 : i32
        %dma_wait3A_888 = arith.constant 0 : i32
        %dma_wait3A_889 = arith.constant 0 : i32
        %dma_wait3A_890 = arith.constant 0 : i32
        %dma_wait3A_891 = arith.constant 0 : i32
        %dma_wait3A_892 = tpu.memref_slice %arg9[%dma_wait3A_886, %dma_wait3A_889, %dma_wait3A_890, %dma_wait3A_891] : memref<2x4x8x129xf32, #tpu.memory_space<vmem>> -> memref<1x4x8x128xf32, #tpu.memory_space<vmem>>
        %dma_wait3A_893 = tpu.memref_squeeze %dma_wait3A_892 : memref<1x4x8x128xf32, #tpu.memory_space<vmem>> -> memref<4x8x128xf32, #tpu.memory_space<vmem>>
        %dma_wait3A_894 = arith.constant 0 : i32
        %dma_wait3A_895 = arith.constant 0 : i32
        %dma_wait3A_896 = arith.constant 0 : i32
        %dma_wait3A_897 = tpu.memref_slice %arg4[%dma_wait3A_887, %dma_wait3A_894, %dma_wait3A_888, %dma_wait3A_895, %dma_wait3A_896] : memref<400x4x8x8x128xf32, #tpu.memory_space<hbm>> -> memref<1x4x1x8x128xf32, #tpu.memory_space<hbm>>
        %dma_wait3A_898 = tpu.memref_squeeze %dma_wait3A_897 : memref<1x4x1x8x128xf32, #tpu.memory_space<hbm>> -> memref<4x8x128xf32, #tpu.memory_space<hbm>>
        %dma_wait3A_899 = arith.constant 0 : i32
        %dma_wait3A_900 = arith.constant 0 : i32
        %dma_wait3A_901 = arith.constant 0 : i32
        %dma_wait3A_902 = tpu.memref_slice %arg4[%dma_wait3A_887, %dma_wait3A_899, %dma_wait3A_888, %dma_wait3A_900, %dma_wait3A_901] : memref<400x4x8x8x128xf32, #tpu.memory_space<hbm>> -> memref<1x4x1x8x128xf32, #tpu.memory_space<hbm>>
        %dma_wait3A_903 = tpu.memref_squeeze %dma_wait3A_902 : memref<1x4x1x8x128xf32, #tpu.memory_space<hbm>> -> memref<4x8x128xf32, #tpu.memory_space<hbm>>
        %dma_wait3A_904 = arith.constant 0 : i32
        %dma_wait3A_905 = arith.constant 0 : i32
        %dma_wait3A_906 = arith.constant 0 : i32
        %dma_wait3A_907 = tpu.memref_slice %arg9[%dma_wait3A_886, %dma_wait3A_904, %dma_wait3A_905, %dma_wait3A_906] : memref<2x4x8x129xf32, #tpu.memory_space<vmem>> -> memref<1x4x8x128xf32, #tpu.memory_space<vmem>>
        %dma_wait3A_908 = tpu.memref_squeeze %dma_wait3A_907 : memref<1x4x8x128xf32, #tpu.memory_space<vmem>> -> memref<4x8x128xf32, #tpu.memory_space<vmem>>
        tpu.wait_dma2 semaphore(%arg13 : memref<!tpu.dma_semaphore, #tpu.memory_space<semaphore_mem>>) src(%dma_wait3A_908 : memref<4x8x128xf32, #tpu.memory_space<vmem>>) dst(%dma_wait3A_903 : memref<4x8x128xf32, #tpu.memory_space<hbm>>)
      } else {
      }
      %parallel_loop3A_658 = arith.constant 0 : i32
      %parallel_loop3A_659 = arith.constant 256 : i32
      %parallel_loop3A_660 = arith.constant 1 : i32
      scf.for %parallel_loop3A_817 = %parallel_loop3A_658 to %parallel_loop3A_659 step %parallel_loop3A_660  : i32 {
        %parallel_loop3A_818 = arith.constant 128 : i32
        %parallel_loop3A_819 = arith.divsi %parallel_loop3A_817, %parallel_loop3A_818 : i32
        %parallel_loop3A_820 = arith.constant 0 : i32
        %parallel_loop3A_821 = arith.cmpi sgt, %parallel_loop3A_817, %parallel_loop3A_820 : i32
        %parallel_loop3A_822 = arith.extui %parallel_loop3A_821 : i1 to i32
        %parallel_loop3A_823 = arith.constant 0 : i32
        %parallel_loop3A_824 = arith.cmpi slt, %parallel_loop3A_817, %parallel_loop3A_823 : i32
        %parallel_loop3A_825 = arith.extui %parallel_loop3A_824 : i1 to i32
        %parallel_loop3A_826 = arith.subi %parallel_loop3A_822, %parallel_loop3A_825 : i32
        %parallel_loop3A_827 = arith.constant 0 : i32
        %parallel_loop3A_828 = arith.cmpi sgt, %parallel_loop3A_818, %parallel_loop3A_827 : i32
        %parallel_loop3A_829 = arith.extui %parallel_loop3A_828 : i1 to i32
        %parallel_loop3A_830 = arith.constant 0 : i32
        %parallel_loop3A_831 = arith.cmpi slt, %parallel_loop3A_818, %parallel_loop3A_830 : i32
        %parallel_loop3A_832 = arith.extui %parallel_loop3A_831 : i1 to i32
        %parallel_loop3A_833 = arith.subi %parallel_loop3A_829, %parallel_loop3A_832 : i32
        %parallel_loop3A_834 = arith.cmpi ne, %parallel_loop3A_826, %parallel_loop3A_833 : i32
        %parallel_loop3A_835 = arith.remsi %parallel_loop3A_817, %parallel_loop3A_818 : i32
        %parallel_loop3A_836 = arith.constant 0 : i32
        %parallel_loop3A_837 = arith.cmpi ne, %parallel_loop3A_835, %parallel_loop3A_836 : i32
        %parallel_loop3A_838 = arith.andi %parallel_loop3A_834, %parallel_loop3A_837 : i1
        %parallel_loop3A_839 = arith.constant 1 : i32
        %parallel_loop3A_840 = arith.subi %parallel_loop3A_819, %parallel_loop3A_839 : i32
        %parallel_loop3A_841 = arith.select %parallel_loop3A_838, %parallel_loop3A_840, %parallel_loop3A_819 : i32
        %parallel_loop3A_842 = arith.constant 128 : i32
        %parallel_loop3A_843 = arith.muli %parallel_loop3A_841, %parallel_loop3A_842 : i32
        %parallel_loop3A_844 = arith.subi %parallel_loop3A_817, %parallel_loop3A_843 : i32
        %parallel_loop3A_845 = vector.broadcast %parallel_loop3A_841 : i32 to vector<16xi32>
        %parallel_loop3A_846 = arith.addi %broadcast_in_dim3A_35, %parallel_loop3A_845 : vector<16xi32>
        %parallel_loop3A_847 = vector.broadcast %parallel_loop3A_844 : i32 to vector<16xi32>
        %parallel_loop3A_848 = arith.addi %broadcast_in_dim3A_35, %parallel_loop3A_847 : vector<16xi32>
        %parallel_loop3A_849 = arith.index_cast %parallel_loop3A_817 : i32 to index
        %parallel_loop3A_850 = arith.constant 0 : index
        %parallel_loop3A_851 = tpu.vector_load %arg7[%parallel_loop3A_849, %parallel_loop3A_850] {strides = array<i32>} : memref<256x32xf32, #tpu.memory_space<vmem>>, vector<16xf32>,
        %parallel_loop3A_852 = arith.index_cast %parallel_loop3A_817 : i32 to index
        %parallel_loop3A_853 = arith.constant 16 : index
        %parallel_loop3A_854 = tpu.vector_load %arg7[%parallel_loop3A_852, %parallel_loop3A_853] {strides = array<i32>} : memref<256x32xf32, #tpu.memory_space<vmem>>, vector<16xf32>,
        tpu.vector_store_idx %arg9[%parallel_loop3A_846, %select_n3A, %sub3A_34, %parallel_loop3A_848], %parallel_loop3A_851 : memref<2x4x8x129xf32, #tpu.memory_space<vmem>>[vector<16xi32>, vector<16xi32>, vector<16xi32>, vector<16xi32>], vector<16xf32>,
        tpu.vector_store_idx %arg9[%parallel_loop3A_846, %add3A_30, %sub3A_34, %parallel_loop3A_848], %parallel_loop3A_854 : memref<2x4x8x129xf32, #tpu.memory_space<vmem>>[vector<16xi32>, vector<16xi32>, vector<16xi32>, vector<16xi32>], vector<16xf32>,
      } {sc.loop_unroll_factor = 8 : i64, sc.parallel_access}
      %add3A_661 = arith.constant 3 : i32
      %add3A_662 = arith.addi %mul3A_481, %add3A_661 : i32
      %lt3A_663 = arith.constant 25 : i32
      %lt3A_664 = arith.cmpi slt, %add3A_662, %lt3A_663 : i32
      %convert_element_type3A_665 = arith.extui %lt3A_664 : i1 to i32
      %cond3A_666 = arith.constant 0 : i32
      %cond3A_667 = arith.cmpi ne, %convert_element_type3A_665, %cond3A_666 : i32
      scf.if %cond3A_667 {
        %add3A_817 = arith.constant 3 : i32
        %add3A_818 = arith.addi %mul3A_481, %add3A_817 : i32
        %mul3A_819 = arith.constant 256 : i32
        %mul3A_820 = arith.muli %add3A_818, %mul3A_819 : i32
        %dma_start3A_821 = tpu.memref_slice %arg5[%mul3A_820] : memref<6400xi32, #tpu.memory_space<vmem>> -> memref<256xi32, #tpu.memory_space<vmem>>
        %dma_start3A_822 = arith.constant 0 : i32
        %dma_start3A_823 = arith.constant 0 : i32
        %dma_start3A_824 = tpu.memref_slice %arg3[%dma_start3A_822, %dma_start3A_823] : memref<100001x32xf32, #tpu.memory_space<hbm>> -> memref<100001x32xf32, #tpu.memory_space<hbm>>
        tpu.enqueue_indirect_dma source(%dma_start3A_824 : memref<100001x32xf32, #tpu.memory_space<hbm>>) target(%arg7 : memref<256x32xf32, #tpu.memory_space<vmem>>) offsets(%dma_start3A_821 : memref<256xi32, #tpu.memory_space<vmem>>) semaphore(%arg11 : memref<!tpu.dma_semaphore, #tpu.memory_space<semaphore_mem>>)
      } else {
      }
      %add3A_668 = arith.constant 1 : i32
      %add3A_669 = arith.addi %mul3A_481, %add3A_668 : i32
      %add3A_670 = arith.addi %mul3A_2, %add3A_669 : i32
      %jit3A_671 = arith.constant 4 : i32
      %div3A_672 = arith.divsi %add3A_670, %jit3A_671 : i32
      %sign3A_673 = arith.constant 0 : i32
      %sign3A_674 = arith.cmpi sgt, %add3A_670, %sign3A_673 : i32
      %sign3A_675 = arith.extui %sign3A_674 : i1 to i32
      %sign3A_676 = arith.constant 0 : i32
      %sign3A_677 = arith.cmpi slt, %add3A_670, %sign3A_676 : i32
      %sign3A_678 = arith.extui %sign3A_677 : i1 to i32
      %sign3A_679 = arith.subi %sign3A_675, %sign3A_678 : i32
      %sign3A_680 = arith.constant 0 : i32
      %sign3A_681 = arith.cmpi sgt, %jit3A_671, %sign3A_680 : i32
      %sign3A_682 = arith.extui %sign3A_681 : i1 to i32
      %sign3A_683 = arith.constant 0 : i32
      %sign3A_684 = arith.cmpi slt, %jit3A_671, %sign3A_683 : i32
      %sign3A_685 = arith.extui %sign3A_684 : i1 to i32
      %sign3A_686 = arith.subi %sign3A_682, %sign3A_685 : i32
      %ne3A_687 = arith.cmpi ne, %sign3A_679, %sign3A_686 : i32
      %rem3A_688 = arith.remsi %add3A_670, %jit3A_671 : i32
      %ne3A_689 = arith.constant 0 : i32
      %ne3A_690 = arith.cmpi ne, %rem3A_688, %ne3A_689 : i32
      %and3A_691 = arith.andi %ne3A_687, %ne3A_690 : i1
      %sub3A_692 = arith.constant 1 : i32
      %sub3A_693 = arith.subi %div3A_672, %sub3A_692 : i32
      %select_n3A_694 = arith.select %and3A_691, %sub3A_693, %div3A_672 : i32
      %jit3A_695 = arith.constant 4 : i32
      %eq3A_696 = arith.constant 0 : i32
      %eq3A_697 = arith.cmpi eq, %jit3A_695, %eq3A_696 : i32
      %jit3A_698 = arith.constant 1 : i32
      %select_n3A_699 = arith.select %eq3A_697, %jit3A_698, %jit3A_695 : i32
      %rem3A_700 = arith.remsi %add3A_670, %select_n3A_699 : i32
      %ne3A_701 = arith.constant 0 : i32
      %ne3A_702 = arith.cmpi ne, %rem3A_700, %ne3A_701 : i32
      %lt3A_703 = arith.constant 0 : i32
      %lt3A_704 = arith.cmpi slt, %rem3A_700, %lt3A_703 : i32
      %lt3A_705 = arith.constant 0 : i32
      %lt3A_706 = arith.cmpi slt, %select_n3A_699, %lt3A_705 : i32
      %ne3A_707 = arith.xori %lt3A_704, %lt3A_706 : i1
      %and3A_708 = arith.andi %ne3A_707, %ne3A_702 : i1
      %add3A_709 = arith.addi %rem3A_700, %select_n3A_699 : i32
      %select_n3A_710 = arith.select %and3A_708, %add3A_709, %rem3A_700 : i32
      %mul3A_711 = arith.constant 2 : i32
      %mul3A_712 = arith.muli %select_n3A_710, %mul3A_711 : i32
      %mul3A_713 = arith.constant 2 : i32
      %mul3A_714 = arith.muli %mul3A_713, %select_n3A_694 : i32
      %add3A_715 = arith.constant 0 : i32
      %add3A_716 = arith.addi %mul3A_712, %add3A_715 : i32
      %dma_start3A_717 = arith.constant 0 : i32
      %dma_start3A_718 = arith.constant 0 : i32
      %dma_start3A_719 = arith.constant 0 : i32
      %dma_start3A_720 = arith.constant 0 : i32
      %dma_start3A_721 = tpu.memref_slice %arg9[%dma_start3A_717, %dma_start3A_718, %dma_start3A_719, %dma_start3A_720] : memref<2x4x8x129xf32, #tpu.memory_space<vmem>> -> memref<1x4x8x128xf32, #tpu.memory_space<vmem>>
      %dma_start3A_722 = tpu.memref_squeeze %dma_start3A_721 : memref<1x4x8x128xf32, #tpu.memory_space<vmem>> -> memref<4x8x128xf32, #tpu.memory_space<vmem>>
      %dma_start3A_723 = arith.constant 0 : i32
      %dma_start3A_724 = arith.constant 0 : i32
      %dma_start3A_725 = arith.constant 0 : i32
      %dma_start3A_726 = tpu.memref_slice %arg4[%mul3A_714, %dma_start3A_723, %add3A_716, %dma_start3A_724, %dma_start3A_725] : memref<400x4x8x8x128xf32, #tpu.memory_space<hbm>> -> memref<1x4x1x8x128xf32, #tpu.memory_space<hbm>>
      %dma_start3A_727 = tpu.memref_squeeze %dma_start3A_726 : memref<1x4x1x8x128xf32, #tpu.memory_space<hbm>> -> memref<4x8x128xf32, #tpu.memory_space<hbm>>
      %dma_start3A_728 = arith.constant 0 : i32
      %dma_start3A_729 = arith.constant 0 : i32
      %dma_start3A_730 = arith.constant 0 : i32
      %dma_start3A_731 = tpu.memref_slice %arg4[%mul3A_714, %dma_start3A_728, %add3A_716, %dma_start3A_729, %dma_start3A_730] : memref<400x4x8x8x128xf32, #tpu.memory_space<hbm>> -> memref<1x4x1x8x128xf32, #tpu.memory_space<hbm>>
      %dma_start3A_732 = tpu.memref_squeeze %dma_start3A_731 : memref<1x4x1x8x128xf32, #tpu.memory_space<hbm>> -> memref<4x8x128xf32, #tpu.memory_space<hbm>>
      %dma_start3A_733 = arith.constant 0 : i32
      %dma_start3A_734 = arith.constant 0 : i32
      %dma_start3A_735 = arith.constant 0 : i32
      %dma_start3A_736 = tpu.memref_slice %arg9[%dma_start3A_717, %dma_start3A_733, %dma_start3A_734, %dma_start3A_735] : memref<2x4x8x129xf32, #tpu.memory_space<vmem>> -> memref<1x4x8x128xf32, #tpu.memory_space<vmem>>
      %dma_start3A_737 = tpu.memref_squeeze %dma_start3A_736 : memref<1x4x8x128xf32, #tpu.memory_space<vmem>> -> memref<4x8x128xf32, #tpu.memory_space<vmem>>
      tpu.enqueue_dma source(%dma_start3A_737 : memref<4x8x128xf32, #tpu.memory_space<vmem>>) target(%dma_start3A_732 : memref<4x8x128xf32, #tpu.memory_space<hbm>>) target_semaphore(%arg13 : memref<!tpu.dma_semaphore, #tpu.memory_space<semaphore_mem>>)
      %mul3A_738 = arith.constant 2 : i32
      %mul3A_739 = arith.muli %mul3A_738, %select_n3A_694 : i32
      %add3A_740 = arith.constant 1 : i32
      %add3A_741 = arith.addi %mul3A_739, %add3A_740 : i32
      %add3A_742 = arith.constant 0 : i32
      %add3A_743 = arith.addi %mul3A_712, %add3A_742 : i32
      %dma_start3A_744 = arith.constant 0 : i32
      %dma_start3A_745 = arith.constant 0 : i32
      %dma_start3A_746 = arith.constant 0 : i32
      %dma_start3A_747 = arith.constant 0 : i32
      %dma_start3A_748 = tpu.memref_slice %arg9[%dma_start3A_744, %dma_start3A_745, %dma_start3A_746, %dma_start3A_747] : memref<2x4x8x129xf32, #tpu.memory_space<vmem>> -> memref<1x4x8x128xf32, #tpu.memory_space<vmem>>
      %dma_start3A_749 = tpu.memref_squeeze %dma_start3A_748 : memref<1x4x8x128xf32, #tpu.memory_space<vmem>> -> memref<4x8x128xf32, #tpu.memory_space<vmem>>
      %dma_start3A_750 = arith.constant 0 : i32
      %dma_start3A_751 = arith.constant 0 : i32
      %dma_start3A_752 = arith.constant 0 : i32
      %dma_start3A_753 = tpu.memref_slice %arg4[%add3A_741, %dma_start3A_750, %add3A_743, %dma_start3A_751, %dma_start3A_752] : memref<400x4x8x8x128xf32, #tpu.memory_space<hbm>> -> memref<1x4x1x8x128xf32, #tpu.memory_space<hbm>>
      %dma_start3A_754 = tpu.memref_squeeze %dma_start3A_753 : memref<1x4x1x8x128xf32, #tpu.memory_space<hbm>> -> memref<4x8x128xf32, #tpu.memory_space<hbm>>
      %dma_start3A_755 = arith.constant 0 : i32
      %dma_start3A_756 = arith.constant 0 : i32
      %dma_start3A_757 = arith.constant 0 : i32
      %dma_start3A_758 = tpu.memref_slice %arg4[%add3A_741, %dma_start3A_755, %add3A_743, %dma_start3A_756, %dma_start3A_757] : memref<400x4x8x8x128xf32, #tpu.memory_space<hbm>> -> memref<1x4x1x8x128xf32, #tpu.memory_space<hbm>>
      %dma_start3A_759 = tpu.memref_squeeze %dma_start3A_758 : memref<1x4x1x8x128xf32, #tpu.memory_space<hbm>> -> memref<4x8x128xf32, #tpu.memory_space<hbm>>
      %dma_start3A_760 = arith.constant 0 : i32
      %dma_start3A_761 = arith.constant 0 : i32
      %dma_start3A_762 = arith.constant 0 : i32
      %dma_start3A_763 = tpu.memref_slice %arg9[%dma_start3A_744, %dma_start3A_760, %dma_start3A_761, %dma_start3A_762] : memref<2x4x8x129xf32, #tpu.memory_space<vmem>> -> memref<1x4x8x128xf32, #tpu.memory_space<vmem>>
      %dma_start3A_764 = tpu.memref_squeeze %dma_start3A_763 : memref<1x4x8x128xf32, #tpu.memory_space<vmem>> -> memref<4x8x128xf32, #tpu.memory_space<vmem>>
      tpu.enqueue_dma source(%dma_start3A_764 : memref<4x8x128xf32, #tpu.memory_space<vmem>>) target(%dma_start3A_759 : memref<4x8x128xf32, #tpu.memory_space<hbm>>) target_semaphore(%arg13 : memref<!tpu.dma_semaphore, #tpu.memory_space<semaphore_mem>>)
      %mul3A_765 = arith.constant 2 : i32
      %mul3A_766 = arith.muli %mul3A_765, %select_n3A_694 : i32
      %add3A_767 = arith.constant 1 : i32
      %add3A_768 = arith.addi %mul3A_712, %add3A_767 : i32
      %dma_start3A_769 = arith.constant 1 : i32
      %dma_start3A_770 = arith.constant 0 : i32
      %dma_start3A_771 = arith.constant 0 : i32
      %dma_start3A_772 = arith.constant 0 : i32
      %dma_start3A_773 = tpu.memref_slice %arg9[%dma_start3A_769, %dma_start3A_770, %dma_start3A_771, %dma_start3A_772] : memref<2x4x8x129xf32, #tpu.memory_space<vmem>> -> memref<1x4x8x128xf32, #tpu.memory_space<vmem>>
      %dma_start3A_774 = tpu.memref_squeeze %dma_start3A_773 : memref<1x4x8x128xf32, #tpu.memory_space<vmem>> -> memref<4x8x128xf32, #tpu.memory_space<vmem>>
      %dma_start3A_775 = arith.constant 0 : i32
      %dma_start3A_776 = arith.constant 0 : i32
      %dma_start3A_777 = arith.constant 0 : i32
      %dma_start3A_778 = tpu.memref_slice %arg4[%mul3A_766, %dma_start3A_775, %add3A_768, %dma_start3A_776, %dma_start3A_777] : memref<400x4x8x8x128xf32, #tpu.memory_space<hbm>> -> memref<1x4x1x8x128xf32, #tpu.memory_space<hbm>>
      %dma_start3A_779 = tpu.memref_squeeze %dma_start3A_778 : memref<1x4x1x8x128xf32, #tpu.memory_space<hbm>> -> memref<4x8x128xf32, #tpu.memory_space<hbm>>
      %dma_start3A_780 = arith.constant 0 : i32
      %dma_start3A_781 = arith.constant 0 : i32
      %dma_start3A_782 = arith.constant 0 : i32
      %dma_start3A_783 = tpu.memref_slice %arg4[%mul3A_766, %dma_start3A_780, %add3A_768, %dma_start3A_781, %dma_start3A_782] : memref<400x4x8x8x128xf32, #tpu.memory_space<hbm>> -> memref<1x4x1x8x128xf32, #tpu.memory_space<hbm>>
      %dma_start3A_784 = tpu.memref_squeeze %dma_start3A_783 : memref<1x4x1x8x128xf32, #tpu.memory_space<hbm>> -> memref<4x8x128xf32, #tpu.memory_space<hbm>>
      %dma_start3A_785 = arith.constant 0 : i32
      %dma_start3A_786 = arith.constant 0 : i32
      %dma_start3A_787 = arith.constant 0 : i32
      %dma_start3A_788 = tpu.memref_slice %arg9[%dma_start3A_769, %dma_start3A_785, %dma_start3A_786, %dma_start3A_787] : memref<2x4x8x129xf32, #tpu.memory_space<vmem>> -> memref<1x4x8x128xf32, #tpu.memory_space<vmem>>
      %dma_start3A_789 = tpu.memref_squeeze %dma_start3A_788 : memref<1x4x8x128xf32, #tpu.memory_space<vmem>> -> memref<4x8x128xf32, #tpu.memory_space<vmem>>
      tpu.enqueue_dma source(%dma_start3A_789 : memref<4x8x128xf32, #tpu.memory_space<vmem>>) target(%dma_start3A_784 : memref<4x8x128xf32, #tpu.memory_space<hbm>>) target_semaphore(%arg13 : memref<!tpu.dma_semaphore, #tpu.memory_space<semaphore_mem>>)
      %mul3A_790 = arith.constant 2 : i32
      %mul3A_791 = arith.muli %mul3A_790, %select_n3A_694 : i32
      %add3A_792 = arith.constant 1 : i32
      %add3A_793 = arith.addi %mul3A_791, %add3A_792 : i32
      %add3A_794 = arith.constant 1 : i32
      %add3A_795 = arith.addi %mul3A_712, %add3A_794 : i32
      %dma_start3A_796 = arith.constant 1 : i32
      %dma_start3A_797 = arith.constant 0 : i32
      %dma_start3A_798 = arith.constant 0 : i32
      %dma_start3A_799 = arith.constant 0 : i32
      %dma_start3A_800 = tpu.memref_slice %arg9[%dma_start3A_796, %dma_start3A_797, %dma_start3A_798, %dma_start3A_799] : memref<2x4x8x129xf32, #tpu.memory_space<vmem>> -> memref<1x4x8x128xf32, #tpu.memory_space<vmem>>
      %dma_start3A_801 = tpu.memref_squeeze %dma_start3A_800 : memref<1x4x8x128xf32, #tpu.memory_space<vmem>> -> memref<4x8x128xf32, #tpu.memory_space<vmem>>
      %dma_start3A_802 = arith.constant 0 : i32
      %dma_start3A_803 = arith.constant 0 : i32
      %dma_start3A_804 = arith.constant 0 : i32
      %dma_start3A_805 = tpu.memref_slice %arg4[%add3A_793, %dma_start3A_802, %add3A_795, %dma_start3A_803, %dma_start3A_804] : memref<400x4x8x8x128xf32, #tpu.memory_space<hbm>> -> memref<1x4x1x8x128xf32, #tpu.memory_space<hbm>>
      %dma_start3A_806 = tpu.memref_squeeze %dma_start3A_805 : memref<1x4x1x8x128xf32, #tpu.memory_space<hbm>> -> memref<4x8x128xf32, #tpu.memory_space<hbm>>
      %dma_start3A_807 = arith.constant 0 : i32
      %dma_start3A_808 = arith.constant 0 : i32
      %dma_start3A_809 = arith.constant 0 : i32
      %dma_start3A_810 = tpu.memref_slice %arg4[%add3A_793, %dma_start3A_807, %add3A_795, %dma_start3A_808, %dma_start3A_809] : memref<400x4x8x8x128xf32, #tpu.memory_space<hbm>> -> memref<1x4x1x8x128xf32, #tpu.memory_space<hbm>>
      %dma_start3A_811 = tpu.memref_squeeze %dma_start3A_810 : memref<1x4x1x8x128xf32, #tpu.memory_space<hbm>> -> memref<4x8x128xf32, #tpu.memory_space<hbm>>
      %dma_start3A_812 = arith.constant 0 : i32
      %dma_start3A_813 = arith.constant 0 : i32
      %dma_start3A_814 = arith.constant 0 : i32
      %dma_start3A_815 = tpu.memref_slice %arg9[%dma_start3A_796, %dma_start3A_812, %dma_start3A_813, %dma_start3A_814] : memref<2x4x8x129xf32, #tpu.memory_space<vmem>> -> memref<1x4x8x128xf32, #tpu.memory_space<vmem>>
      %dma_start3A_816 = tpu.memref_squeeze %dma_start3A_815 : memref<1x4x8x128xf32, #tpu.memory_space<vmem>> -> memref<4x8x128xf32, #tpu.memory_space<vmem>>
      tpu.enqueue_dma source(%dma_start3A_816 : memref<4x8x128xf32, #tpu.memory_space<vmem>>) target(%dma_start3A_811 : memref<4x8x128xf32, #tpu.memory_space<hbm>>) target_semaphore(%arg13 : memref<!tpu.dma_semaphore, #tpu.memory_space<semaphore_mem>>)
    }
    %scan3A_49 = arith.constant 12 : i32
    %dma_wait3A = arith.constant 0 : i32
    %dma_wait3A_50 = arith.constant 0 : i32
    %dma_wait3A_51 = tpu.memref_slice %arg3[%dma_wait3A, %dma_wait3A_50] : memref<100001x32xf32, #tpu.memory_space<hbm>> -> memref<256x32xf32, #tpu.memory_space<hbm>>
    %dma_wait3A_52 = arith.constant 0 : i32
    %dma_wait3A_53 = arith.constant 0 : i32
    %dma_wait3A_54 = tpu.memref_slice %arg3[%dma_wait3A_52, %dma_wait3A_53] : memref<100001x32xf32, #tpu.memory_space<hbm>> -> memref<256x32xf32, #tpu.memory_space<hbm>>
    tpu.wait_dma2 semaphore(%arg10 : memref<!tpu.dma_semaphore, #tpu.memory_space<semaphore_mem>>) src(%dma_wait3A_54 : memref<256x32xf32, #tpu.memory_space<hbm>>) dst(%arg6 : memref<256x32xf32, #tpu.memory_space<vmem>>)
    %dma_wait3A_55 = arith.constant 0 : i32
    %dma_wait3A_56 = arith.constant 0 : i32
    %dma_wait3A_57 = arith.constant 0 : i32
    %dma_wait3A_58 = arith.constant 0 : i32
    %dma_wait3A_59 = arith.constant 0 : i32
    %dma_wait3A_60 = arith.constant 0 : i32
    %dma_wait3A_61 = tpu.memref_slice %arg8[%dma_wait3A_55, %dma_wait3A_58, %dma_wait3A_59, %dma_wait3A_60] : memref<2x4x8x129xf32, #tpu.memory_space<vmem>> -> memref<1x4x8x128xf32, #tpu.memory_space<vmem>>
    %dma_wait3A_62 = tpu.memref_squeeze %dma_wait3A_61 : memref<1x4x8x128xf32, #tpu.memory_space<vmem>> -> memref<4x8x128xf32, #tpu.memory_space<vmem>>
    %dma_wait3A_63 = arith.constant 0 : i32
    %dma_wait3A_64 = arith.constant 0 : i32
    %dma_wait3A_65 = arith.constant 0 : i32
    %dma_wait3A_66 = tpu.memref_slice %arg4[%dma_wait3A_56, %dma_wait3A_63, %dma_wait3A_57, %dma_wait3A_64, %dma_wait3A_65] : memref<400x4x8x8x128xf32, #tpu.memory_space<hbm>> -> memref<1x4x1x8x128xf32, #tpu.memory_space<hbm>>
    %dma_wait3A_67 = tpu.memref_squeeze %dma_wait3A_66 : memref<1x4x1x8x128xf32, #tpu.memory_space<hbm>> -> memref<4x8x128xf32, #tpu.memory_space<hbm>>
    %dma_wait3A_68 = arith.constant 0 : i32
    %dma_wait3A_69 = arith.constant 0 : i32
    %dma_wait3A_70 = arith.constant 0 : i32
    %dma_wait3A_71 = tpu.memref_slice %arg4[%dma_wait3A_56, %dma_wait3A_68, %dma_wait3A_57, %dma_wait3A_69, %dma_wait3A_70] : memref<400x4x8x8x128xf32, #tpu.memory_space<hbm>> -> memref<1x4x1x8x128xf32, #tpu.memory_space<hbm>>
    %dma_wait3A_72 = tpu.memref_squeeze %dma_wait3A_71 : memref<1x4x1x8x128xf32, #tpu.memory_space<hbm>> -> memref<4x8x128xf32, #tpu.memory_space<hbm>>
    %dma_wait3A_73 = arith.constant 0 : i32
    %dma_wait3A_74 = arith.constant 0 : i32
    %dma_wait3A_75 = arith.constant 0 : i32
    %dma_wait3A_76 = tpu.memref_slice %arg8[%dma_wait3A_55, %dma_wait3A_73, %dma_wait3A_74, %dma_wait3A_75] : memref<2x4x8x129xf32, #tpu.memory_space<vmem>> -> memref<1x4x8x128xf32, #tpu.memory_space<vmem>>
    %dma_wait3A_77 = tpu.memref_squeeze %dma_wait3A_76 : memref<1x4x8x128xf32, #tpu.memory_space<vmem>> -> memref<4x8x128xf32, #tpu.memory_space<vmem>>
    tpu.wait_dma2 semaphore(%arg12 : memref<!tpu.dma_semaphore, #tpu.memory_space<semaphore_mem>>) src(%dma_wait3A_77 : memref<4x8x128xf32, #tpu.memory_space<vmem>>) dst(%dma_wait3A_72 : memref<4x8x128xf32, #tpu.memory_space<hbm>>)
    %dma_wait3A_78 = arith.constant 0 : i32
    %dma_wait3A_79 = arith.constant 0 : i32
    %dma_wait3A_80 = arith.constant 0 : i32
    %dma_wait3A_81 = arith.constant 0 : i32
    %dma_wait3A_82 = arith.constant 0 : i32
    %dma_wait3A_83 = arith.constant 0 : i32
    %dma_wait3A_84 = tpu.memref_slice %arg8[%dma_wait3A_78, %dma_wait3A_81, %dma_wait3A_82, %dma_wait3A_83] : memref<2x4x8x129xf32, #tpu.memory_space<vmem>> -> memref<1x4x8x128xf32, #tpu.memory_space<vmem>>
    %dma_wait3A_85 = tpu.memref_squeeze %dma_wait3A_84 : memref<1x4x8x128xf32, #tpu.memory_space<vmem>> -> memref<4x8x128xf32, #tpu.memory_space<vmem>>
    %dma_wait3A_86 = arith.constant 0 : i32
    %dma_wait3A_87 = arith.constant 0 : i32
    %dma_wait3A_88 = arith.constant 0 : i32
    %dma_wait3A_89 = tpu.memref_slice %arg4[%dma_wait3A_79, %dma_wait3A_86, %dma_wait3A_80, %dma_wait3A_87, %dma_wait3A_88] : memref<400x4x8x8x128xf32, #tpu.memory_space<hbm>> -> memref<1x4x1x8x128xf32, #tpu.memory_space<hbm>>
    %dma_wait3A_90 = tpu.memref_squeeze %dma_wait3A_89 : memref<1x4x1x8x128xf32, #tpu.memory_space<hbm>> -> memref<4x8x128xf32, #tpu.memory_space<hbm>>
    %dma_wait3A_91 = arith.constant 0 : i32
    %dma_wait3A_92 = arith.constant 0 : i32
    %dma_wait3A_93 = arith.constant 0 : i32
    %dma_wait3A_94 = tpu.memref_slice %arg4[%dma_wait3A_79, %dma_wait3A_91, %dma_wait3A_80, %dma_wait3A_92, %dma_wait3A_93] : memref<400x4x8x8x128xf32, #tpu.memory_space<hbm>> -> memref<1x4x1x8x128xf32, #tpu.memory_space<hbm>>
    %dma_wait3A_95 = tpu.memref_squeeze %dma_wait3A_94 : memref<1x4x1x8x128xf32, #tpu.memory_space<hbm>> -> memref<4x8x128xf32, #tpu.memory_space<hbm>>
    %dma_wait3A_96 = arith.constant 0 : i32
    %dma_wait3A_97 = arith.constant 0 : i32
    %dma_wait3A_98 = arith.constant 0 : i32
    %dma_wait3A_99 = tpu.memref_slice %arg8[%dma_wait3A_78, %dma_wait3A_96, %dma_wait3A_97, %dma_wait3A_98] : memref<2x4x8x129xf32, #tpu.memory_space<vmem>> -> memref<1x4x8x128xf32, #tpu.memory_space<vmem>>
    %dma_wait3A_100 = tpu.memref_squeeze %dma_wait3A_99 : memref<1x4x8x128xf32, #tpu.memory_space<vmem>> -> memref<4x8x128xf32, #tpu.memory_space<vmem>>
    tpu.wait_dma2 semaphore(%arg12 : memref<!tpu.dma_semaphore, #tpu.memory_space<semaphore_mem>>) src(%dma_wait3A_100 : memref<4x8x128xf32, #tpu.memory_space<vmem>>) dst(%dma_wait3A_95 : memref<4x8x128xf32, #tpu.memory_space<hbm>>)
    %dma_wait3A_101 = arith.constant 0 : i32
    %dma_wait3A_102 = arith.constant 0 : i32
    %dma_wait3A_103 = arith.constant 0 : i32
    %dma_wait3A_104 = arith.constant 0 : i32
    %dma_wait3A_105 = arith.constant 0 : i32
    %dma_wait3A_106 = arith.constant 0 : i32
    %dma_wait3A_107 = tpu.memref_slice %arg8[%dma_wait3A_101, %dma_wait3A_104, %dma_wait3A_105, %dma_wait3A_106] : memref<2x4x8x129xf32, #tpu.memory_space<vmem>> -> memref<1x4x8x128xf32, #tpu.memory_space<vmem>>
    %dma_wait3A_108 = tpu.memref_squeeze %dma_wait3A_107 : memref<1x4x8x128xf32, #tpu.memory_space<vmem>> -> memref<4x8x128xf32, #tpu.memory_space<vmem>>
    %dma_wait3A_109 = arith.constant 0 : i32
    %dma_wait3A_110 = arith.constant 0 : i32
    %dma_wait3A_111 = arith.constant 0 : i32
    %dma_wait3A_112 = tpu.memref_slice %arg4[%dma_wait3A_102, %dma_wait3A_109, %dma_wait3A_103, %dma_wait3A_110, %dma_wait3A_111] : memref<400x4x8x8x128xf32, #tpu.memory_space<hbm>> -> memref<1x4x1x8x128xf32, #tpu.memory_space<hbm>>
    %dma_wait3A_113 = tpu.memref_squeeze %dma_wait3A_112 : memref<1x4x1x8x128xf32, #tpu.memory_space<hbm>> -> memref<4x8x128xf32, #tpu.memory_space<hbm>>
    %dma_wait3A_114 = arith.constant 0 : i32
    %dma_wait3A_115 = arith.constant 0 : i32
    %dma_wait3A_116 = arith.constant 0 : i32
    %dma_wait3A_117 = tpu.memref_slice %arg4[%dma_wait3A_102, %dma_wait3A_114, %dma_wait3A_103, %dma_wait3A_115, %dma_wait3A_116] : memref<400x4x8x8x128xf32, #tpu.memory_space<hbm>> -> memref<1x4x1x8x128xf32, #tpu.memory_space<hbm>>
    %dma_wait3A_118 = tpu.memref_squeeze %dma_wait3A_117 : memref<1x4x1x8x128xf32, #tpu.memory_space<hbm>> -> memref<4x8x128xf32, #tpu.memory_space<hbm>>
    %dma_wait3A_119 = arith.constant 0 : i32
    %dma_wait3A_120 = arith.constant 0 : i32
    %dma_wait3A_121 = arith.constant 0 : i32
    %dma_wait3A_122 = tpu.memref_slice %arg8[%dma_wait3A_101, %dma_wait3A_119, %dma_wait3A_120, %dma_wait3A_121] : memref<2x4x8x129xf32, #tpu.memory_space<vmem>> -> memref<1x4x8x128xf32, #tpu.memory_space<vmem>>
    %dma_wait3A_123 = tpu.memref_squeeze %dma_wait3A_122 : memref<1x4x8x128xf32, #tpu.memory_space<vmem>> -> memref<4x8x128xf32, #tpu.memory_space<vmem>>
    tpu.wait_dma2 semaphore(%arg12 : memref<!tpu.dma_semaphore, #tpu.memory_space<semaphore_mem>>) src(%dma_wait3A_123 : memref<4x8x128xf32, #tpu.memory_space<vmem>>) dst(%dma_wait3A_118 : memref<4x8x128xf32, #tpu.memory_space<hbm>>)
    %dma_wait3A_124 = arith.constant 0 : i32
    %dma_wait3A_125 = arith.constant 0 : i32
    %dma_wait3A_126 = arith.constant 0 : i32
    %dma_wait3A_127 = arith.constant 0 : i32
    %dma_wait3A_128 = arith.constant 0 : i32
    %dma_wait3A_129 = arith.constant 0 : i32
    %dma_wait3A_130 = tpu.memref_slice %arg8[%dma_wait3A_124, %dma_wait3A_127, %dma_wait3A_128, %dma_wait3A_129] : memref<2x4x8x129xf32, #tpu.memory_space<vmem>> -> memref<1x4x8x128xf32, #tpu.memory_space<vmem>>
    %dma_wait3A_131 = tpu.memref_squeeze %dma_wait3A_130 : memref<1x4x8x128xf32, #tpu.memory_space<vmem>> -> memref<4x8x128xf32, #tpu.memory_space<vmem>>
    %dma_wait3A_132 = arith.constant 0 : i32
    %dma_wait3A_133 = arith.constant 0 : i32
    %dma_wait3A_134 = arith.constant 0 : i32
    %dma_wait3A_135 = tpu.memref_slice %arg4[%dma_wait3A_125, %dma_wait3A_132, %dma_wait3A_126, %dma_wait3A_133, %dma_wait3A_134] : memref<400x4x8x8x128xf32, #tpu.memory_space<hbm>> -> memref<1x4x1x8x128xf32, #tpu.memory_space<hbm>>
    %dma_wait3A_136 = tpu.memref_squeeze %dma_wait3A_135 : memref<1x4x1x8x128xf32, #tpu.memory_space<hbm>> -> memref<4x8x128xf32, #tpu.memory_space<hbm>>
    %dma_wait3A_137 = arith.constant 0 : i32
    %dma_wait3A_138 = arith.constant 0 : i32
    %dma_wait3A_139 = arith.constant 0 : i32
    %dma_wait3A_140 = tpu.memref_slice %arg4[%dma_wait3A_125, %dma_wait3A_137, %dma_wait3A_126, %dma_wait3A_138, %dma_wait3A_139] : memref<400x4x8x8x128xf32, #tpu.memory_space<hbm>> -> memref<1x4x1x8x128xf32, #tpu.memory_space<hbm>>
    %dma_wait3A_141 = tpu.memref_squeeze %dma_wait3A_140 : memref<1x4x1x8x128xf32, #tpu.memory_space<hbm>> -> memref<4x8x128xf32, #tpu.memory_space<hbm>>
    %dma_wait3A_142 = arith.constant 0 : i32
    %dma_wait3A_143 = arith.constant 0 : i32
    %dma_wait3A_144 = arith.constant 0 : i32
    %dma_wait3A_145 = tpu.memref_slice %arg8[%dma_wait3A_124, %dma_wait3A_142, %dma_wait3A_143, %dma_wait3A_144] : memref<2x4x8x129xf32, #tpu.memory_space<vmem>> -> memref<1x4x8x128xf32, #tpu.memory_space<vmem>>
    %dma_wait3A_146 = tpu.memref_squeeze %dma_wait3A_145 : memref<1x4x8x128xf32, #tpu.memory_space<vmem>> -> memref<4x8x128xf32, #tpu.memory_space<vmem>>
    tpu.wait_dma2 semaphore(%arg12 : memref<!tpu.dma_semaphore, #tpu.memory_space<semaphore_mem>>) src(%dma_wait3A_146 : memref<4x8x128xf32, #tpu.memory_space<vmem>>) dst(%dma_wait3A_141 : memref<4x8x128xf32, #tpu.memory_space<hbm>>)
    %parallel_loop3A = arith.constant 0 : i32
    %parallel_loop3A_147 = arith.constant 256 : i32
    %parallel_loop3A_148 = arith.constant 1 : i32
    scf.for %parallel_loop3A_479 = %parallel_loop3A to %parallel_loop3A_147 step %parallel_loop3A_148  : i32 {
      %parallel_loop3A_480 = arith.constant 128 : i32
      %parallel_loop3A_481 = arith.divsi %parallel_loop3A_479, %parallel_loop3A_480 : i32
      %parallel_loop3A_482 = arith.constant 0 : i32
      %parallel_loop3A_483 = arith.cmpi sgt, %parallel_loop3A_479, %parallel_loop3A_482 : i32
      %parallel_loop3A_484 = arith.extui %parallel_loop3A_483 : i1 to i32
      %parallel_loop3A_485 = arith.constant 0 : i32
      %parallel_loop3A_486 = arith.cmpi slt, %parallel_loop3A_479, %parallel_loop3A_485 : i32
      %parallel_loop3A_487 = arith.extui %parallel_loop3A_486 : i1 to i32
      %parallel_loop3A_488 = arith.subi %parallel_loop3A_484, %parallel_loop3A_487 : i32
      %parallel_loop3A_489 = arith.constant 0 : i32
      %parallel_loop3A_490 = arith.cmpi sgt, %parallel_loop3A_480, %parallel_loop3A_489 : i32
      %parallel_loop3A_491 = arith.extui %parallel_loop3A_490 : i1 to i32
      %parallel_loop3A_492 = arith.constant 0 : i32
      %parallel_loop3A_493 = arith.cmpi slt, %parallel_loop3A_480, %parallel_loop3A_492 : i32
      %parallel_loop3A_494 = arith.extui %parallel_loop3A_493 : i1 to i32
      %parallel_loop3A_495 = arith.subi %parallel_loop3A_491, %parallel_loop3A_494 : i32
      %parallel_loop3A_496 = arith.cmpi ne, %parallel_loop3A_488, %parallel_loop3A_495 : i32
      %parallel_loop3A_497 = arith.remsi %parallel_loop3A_479, %parallel_loop3A_480 : i32
      %parallel_loop3A_498 = arith.constant 0 : i32
      %parallel_loop3A_499 = arith.cmpi ne, %parallel_loop3A_497, %parallel_loop3A_498 : i32
      %parallel_loop3A_500 = arith.andi %parallel_loop3A_496, %parallel_loop3A_499 : i1
      %parallel_loop3A_501 = arith.constant 1 : i32
      %parallel_loop3A_502 = arith.subi %parallel_loop3A_481, %parallel_loop3A_501 : i32
      %parallel_loop3A_503 = arith.select %parallel_loop3A_500, %parallel_loop3A_502, %parallel_loop3A_481 : i32
      %parallel_loop3A_504 = arith.constant 128 : i32
      %parallel_loop3A_505 = arith.muli %parallel_loop3A_503, %parallel_loop3A_504 : i32
      %parallel_loop3A_506 = arith.subi %parallel_loop3A_479, %parallel_loop3A_505 : i32
      %parallel_loop3A_507 = vector.broadcast %parallel_loop3A_503 : i32 to vector<16xi32>
      %parallel_loop3A_508 = arith.addi %broadcast_in_dim3A_35, %parallel_loop3A_507 : vector<16xi32>
      %parallel_loop3A_509 = vector.broadcast %parallel_loop3A_506 : i32 to vector<16xi32>
      %parallel_loop3A_510 = arith.addi %broadcast_in_dim3A_35, %parallel_loop3A_509 : vector<16xi32>
      %parallel_loop3A_511 = arith.index_cast %parallel_loop3A_479 : i32 to index
      %parallel_loop3A_512 = arith.constant 0 : index
      %parallel_loop3A_513 = tpu.vector_load %arg6[%parallel_loop3A_511, %parallel_loop3A_512] {strides = array<i32>} : memref<256x32xf32, #tpu.memory_space<vmem>>, vector<16xf32>,
      %parallel_loop3A_514 = arith.index_cast %parallel_loop3A_479 : i32 to index
      %parallel_loop3A_515 = arith.constant 16 : index
      %parallel_loop3A_516 = tpu.vector_load %arg6[%parallel_loop3A_514, %parallel_loop3A_515] {strides = array<i32>} : memref<256x32xf32, #tpu.memory_space<vmem>>, vector<16xf32>,
      tpu.vector_store_idx %arg8[%parallel_loop3A_508, %select_n3A, %sub3A_34, %parallel_loop3A_510], %parallel_loop3A_513 : memref<2x4x8x129xf32, #tpu.memory_space<vmem>>[vector<16xi32>, vector<16xi32>, vector<16xi32>, vector<16xi32>], vector<16xf32>,
      tpu.vector_store_idx %arg8[%parallel_loop3A_508, %add3A_30, %sub3A_34, %parallel_loop3A_510], %parallel_loop3A_516 : memref<2x4x8x129xf32, #tpu.memory_space<vmem>>[vector<16xi32>, vector<16xi32>, vector<16xi32>, vector<16xi32>], vector<16xf32>,
    } {sc.loop_unroll_factor = 8 : i64, sc.parallel_access}
    %add3A_149 = arith.constant 24 : i32
    %add3A_150 = arith.addi %mul3A_2, %add3A_149 : i32
    %jit3A_151 = arith.constant 4 : i32
    %div3A_152 = arith.divsi %add3A_150, %jit3A_151 : i32
    %sign3A_153 = arith.constant 0 : i32
    %sign3A_154 = arith.cmpi sgt, %add3A_150, %sign3A_153 : i32
    %sign3A_155 = arith.extui %sign3A_154 : i1 to i32
    %sign3A_156 = arith.constant 0 : i32
    %sign3A_157 = arith.cmpi slt, %add3A_150, %sign3A_156 : i32
    %sign3A_158 = arith.extui %sign3A_157 : i1 to i32
    %sign3A_159 = arith.subi %sign3A_155, %sign3A_158 : i32
    %sign3A_160 = arith.constant 0 : i32
    %sign3A_161 = arith.cmpi sgt, %jit3A_151, %sign3A_160 : i32
    %sign3A_162 = arith.extui %sign3A_161 : i1 to i32
    %sign3A_163 = arith.constant 0 : i32
    %sign3A_164 = arith.cmpi slt, %jit3A_151, %sign3A_163 : i32
    %sign3A_165 = arith.extui %sign3A_164 : i1 to i32
    %sign3A_166 = arith.subi %sign3A_162, %sign3A_165 : i32
    %ne3A_167 = arith.cmpi ne, %sign3A_159, %sign3A_166 : i32
    %rem3A_168 = arith.remsi %add3A_150, %jit3A_151 : i32
    %ne3A_169 = arith.constant 0 : i32
    %ne3A_170 = arith.cmpi ne, %rem3A_168, %ne3A_169 : i32
    %and3A_171 = arith.andi %ne3A_167, %ne3A_170 : i1
    %sub3A_172 = arith.constant 1 : i32
    %sub3A_173 = arith.subi %div3A_152, %sub3A_172 : i32
    %select_n3A_174 = arith.select %and3A_171, %sub3A_173, %div3A_152 : i32
    %jit3A_175 = arith.constant 4 : i32
    %eq3A = arith.constant 0 : i32
    %eq3A_176 = arith.cmpi eq, %jit3A_175, %eq3A : i32
    %jit3A_177 = arith.constant 1 : i32
    %select_n3A_178 = arith.select %eq3A_176, %jit3A_177, %jit3A_175 : i32
    %rem3A_179 = arith.remsi %add3A_150, %select_n3A_178 : i32
    %ne3A_180 = arith.constant 0 : i32
    %ne3A_181 = arith.cmpi ne, %rem3A_179, %ne3A_180 : i32
    %lt3A = arith.constant 0 : i32
    %lt3A_182 = arith.cmpi slt, %rem3A_179, %lt3A : i32
    %lt3A_183 = arith.constant 0 : i32
    %lt3A_184 = arith.cmpi slt, %select_n3A_178, %lt3A_183 : i32
    %ne3A_185 = arith.xori %lt3A_182, %lt3A_184 : i1
    %and3A_186 = arith.andi %ne3A_185, %ne3A_181 : i1
    %add3A_187 = arith.addi %rem3A_179, %select_n3A_178 : i32
    %select_n3A_188 = arith.select %and3A_186, %add3A_187, %rem3A_179 : i32
    %mul3A_189 = arith.constant 2 : i32
    %mul3A_190 = arith.muli %select_n3A_188, %mul3A_189 : i32
    %mul3A_191 = arith.constant 2 : i32
    %mul3A_192 = arith.muli %mul3A_191, %select_n3A_174 : i32
    %add3A_193 = arith.constant 0 : i32
    %add3A_194 = arith.addi %mul3A_190, %add3A_193 : i32
    %dma_start3A_195 = arith.constant 0 : i32
    %dma_start3A_196 = arith.constant 0 : i32
    %dma_start3A_197 = arith.constant 0 : i32
    %dma_start3A_198 = arith.constant 0 : i32
    %dma_start3A_199 = tpu.memref_slice %arg8[%dma_start3A_195, %dma_start3A_196, %dma_start3A_197, %dma_start3A_198] : memref<2x4x8x129xf32, #tpu.memory_space<vmem>> -> memref<1x4x8x128xf32, #tpu.memory_space<vmem>>
    %dma_start3A_200 = tpu.memref_squeeze %dma_start3A_199 : memref<1x4x8x128xf32, #tpu.memory_space<vmem>> -> memref<4x8x128xf32, #tpu.memory_space<vmem>>
    %dma_start3A_201 = arith.constant 0 : i32
    %dma_start3A_202 = arith.constant 0 : i32
    %dma_start3A_203 = arith.constant 0 : i32
    %dma_start3A_204 = tpu.memref_slice %arg4[%mul3A_192, %dma_start3A_201, %add3A_194, %dma_start3A_202, %dma_start3A_203] : memref<400x4x8x8x128xf32, #tpu.memory_space<hbm>> -> memref<1x4x1x8x128xf32, #tpu.memory_space<hbm>>
    %dma_start3A_205 = tpu.memref_squeeze %dma_start3A_204 : memref<1x4x1x8x128xf32, #tpu.memory_space<hbm>> -> memref<4x8x128xf32, #tpu.memory_space<hbm>>
    %dma_start3A_206 = arith.constant 0 : i32
    %dma_start3A_207 = arith.constant 0 : i32
    %dma_start3A_208 = arith.constant 0 : i32
    %dma_start3A_209 = tpu.memref_slice %arg4[%mul3A_192, %dma_start3A_206, %add3A_194, %dma_start3A_207, %dma_start3A_208] : memref<400x4x8x8x128xf32, #tpu.memory_space<hbm>> -> memref<1x4x1x8x128xf32, #tpu.memory_space<hbm>>
    %dma_start3A_210 = tpu.memref_squeeze %dma_start3A_209 : memref<1x4x1x8x128xf32, #tpu.memory_space<hbm>> -> memref<4x8x128xf32, #tpu.memory_space<hbm>>
    %dma_start3A_211 = arith.constant 0 : i32
    %dma_start3A_212 = arith.constant 0 : i32
    %dma_start3A_213 = arith.constant 0 : i32
    %dma_start3A_214 = tpu.memref_slice %arg8[%dma_start3A_195, %dma_start3A_211, %dma_start3A_212, %dma_start3A_213] : memref<2x4x8x129xf32, #tpu.memory_space<vmem>> -> memref<1x4x8x128xf32, #tpu.memory_space<vmem>>
    %dma_start3A_215 = tpu.memref_squeeze %dma_start3A_214 : memref<1x4x8x128xf32, #tpu.memory_space<vmem>> -> memref<4x8x128xf32, #tpu.memory_space<vmem>>
    tpu.enqueue_dma source(%dma_start3A_215 : memref<4x8x128xf32, #tpu.memory_space<vmem>>) target(%dma_start3A_210 : memref<4x8x128xf32, #tpu.memory_space<hbm>>) target_semaphore(%arg12 : memref<!tpu.dma_semaphore, #tpu.memory_space<semaphore_mem>>)
    %mul3A_216 = arith.constant 2 : i32
    %mul3A_217 = arith.muli %mul3A_216, %select_n3A_174 : i32
    %add3A_218 = arith.constant 1 : i32
    %add3A_219 = arith.addi %mul3A_217, %add3A_218 : i32
    %add3A_220 = arith.constant 0 : i32
    %add3A_221 = arith.addi %mul3A_190, %add3A_220 : i32
    %dma_start3A_222 = arith.constant 0 : i32
    %dma_start3A_223 = arith.constant 0 : i32
    %dma_start3A_224 = arith.constant 0 : i32
    %dma_start3A_225 = arith.constant 0 : i32
    %dma_start3A_226 = tpu.memref_slice %arg8[%dma_start3A_222, %dma_start3A_223, %dma_start3A_224, %dma_start3A_225] : memref<2x4x8x129xf32, #tpu.memory_space<vmem>> -> memref<1x4x8x128xf32, #tpu.memory_space<vmem>>
    %dma_start3A_227 = tpu.memref_squeeze %dma_start3A_226 : memref<1x4x8x128xf32, #tpu.memory_space<vmem>> -> memref<4x8x128xf32, #tpu.memory_space<vmem>>
    %dma_start3A_228 = arith.constant 0 : i32
    %dma_start3A_229 = arith.constant 0 : i32
    %dma_start3A_230 = arith.constant 0 : i32
    %dma_start3A_231 = tpu.memref_slice %arg4[%add3A_219, %dma_start3A_228, %add3A_221, %dma_start3A_229, %dma_start3A_230] : memref<400x4x8x8x128xf32, #tpu.memory_space<hbm>> -> memref<1x4x1x8x128xf32, #tpu.memory_space<hbm>>
    %dma_start3A_232 = tpu.memref_squeeze %dma_start3A_231 : memref<1x4x1x8x128xf32, #tpu.memory_space<hbm>> -> memref<4x8x128xf32, #tpu.memory_space<hbm>>
    %dma_start3A_233 = arith.constant 0 : i32
    %dma_start3A_234 = arith.constant 0 : i32
    %dma_start3A_235 = arith.constant 0 : i32
    %dma_start3A_236 = tpu.memref_slice %arg4[%add3A_219, %dma_start3A_233, %add3A_221, %dma_start3A_234, %dma_start3A_235] : memref<400x4x8x8x128xf32, #tpu.memory_space<hbm>> -> memref<1x4x1x8x128xf32, #tpu.memory_space<hbm>>
    %dma_start3A_237 = tpu.memref_squeeze %dma_start3A_236 : memref<1x4x1x8x128xf32, #tpu.memory_space<hbm>> -> memref<4x8x128xf32, #tpu.memory_space<hbm>>
    %dma_start3A_238 = arith.constant 0 : i32
    %dma_start3A_239 = arith.constant 0 : i32
    %dma_start3A_240 = arith.constant 0 : i32
    %dma_start3A_241 = tpu.memref_slice %arg8[%dma_start3A_222, %dma_start3A_238, %dma_start3A_239, %dma_start3A_240] : memref<2x4x8x129xf32, #tpu.memory_space<vmem>> -> memref<1x4x8x128xf32, #tpu.memory_space<vmem>>
    %dma_start3A_242 = tpu.memref_squeeze %dma_start3A_241 : memref<1x4x8x128xf32, #tpu.memory_space<vmem>> -> memref<4x8x128xf32, #tpu.memory_space<vmem>>
    tpu.enqueue_dma source(%dma_start3A_242 : memref<4x8x128xf32, #tpu.memory_space<vmem>>) target(%dma_start3A_237 : memref<4x8x128xf32, #tpu.memory_space<hbm>>) target_semaphore(%arg12 : memref<!tpu.dma_semaphore, #tpu.memory_space<semaphore_mem>>)
    %mul3A_243 = arith.constant 2 : i32
    %mul3A_244 = arith.muli %mul3A_243, %select_n3A_174 : i32
    %add3A_245 = arith.constant 1 : i32
    %add3A_246 = arith.addi %mul3A_190, %add3A_245 : i32
    %dma_start3A_247 = arith.constant 1 : i32
    %dma_start3A_248 = arith.constant 0 : i32
    %dma_start3A_249 = arith.constant 0 : i32
    %dma_start3A_250 = arith.constant 0 : i32
    %dma_start3A_251 = tpu.memref_slice %arg8[%dma_start3A_247, %dma_start3A_248, %dma_start3A_249, %dma_start3A_250] : memref<2x4x8x129xf32, #tpu.memory_space<vmem>> -> memref<1x4x8x128xf32, #tpu.memory_space<vmem>>
    %dma_start3A_252 = tpu.memref_squeeze %dma_start3A_251 : memref<1x4x8x128xf32, #tpu.memory_space<vmem>> -> memref<4x8x128xf32, #tpu.memory_space<vmem>>
    %dma_start3A_253 = arith.constant 0 : i32
    %dma_start3A_254 = arith.constant 0 : i32
    %dma_start3A_255 = arith.constant 0 : i32
    %dma_start3A_256 = tpu.memref_slice %arg4[%mul3A_244, %dma_start3A_253, %add3A_246, %dma_start3A_254, %dma_start3A_255] : memref<400x4x8x8x128xf32, #tpu.memory_space<hbm>> -> memref<1x4x1x8x128xf32, #tpu.memory_space<hbm>>
    %dma_start3A_257 = tpu.memref_squeeze %dma_start3A_256 : memref<1x4x1x8x128xf32, #tpu.memory_space<hbm>> -> memref<4x8x128xf32, #tpu.memory_space<hbm>>
    %dma_start3A_258 = arith.constant 0 : i32
    %dma_start3A_259 = arith.constant 0 : i32
    %dma_start3A_260 = arith.constant 0 : i32
    %dma_start3A_261 = tpu.memref_slice %arg4[%mul3A_244, %dma_start3A_258, %add3A_246, %dma_start3A_259, %dma_start3A_260] : memref<400x4x8x8x128xf32, #tpu.memory_space<hbm>> -> memref<1x4x1x8x128xf32, #tpu.memory_space<hbm>>
    %dma_start3A_262 = tpu.memref_squeeze %dma_start3A_261 : memref<1x4x1x8x128xf32, #tpu.memory_space<hbm>> -> memref<4x8x128xf32, #tpu.memory_space<hbm>>
    %dma_start3A_263 = arith.constant 0 : i32
    %dma_start3A_264 = arith.constant 0 : i32
    %dma_start3A_265 = arith.constant 0 : i32
    %dma_start3A_266 = tpu.memref_slice %arg8[%dma_start3A_247, %dma_start3A_263, %dma_start3A_264, %dma_start3A_265] : memref<2x4x8x129xf32, #tpu.memory_space<vmem>> -> memref<1x4x8x128xf32, #tpu.memory_space<vmem>>
    %dma_start3A_267 = tpu.memref_squeeze %dma_start3A_266 : memref<1x4x8x128xf32, #tpu.memory_space<vmem>> -> memref<4x8x128xf32, #tpu.memory_space<vmem>>
    tpu.enqueue_dma source(%dma_start3A_267 : memref<4x8x128xf32, #tpu.memory_space<vmem>>) target(%dma_start3A_262 : memref<4x8x128xf32, #tpu.memory_space<hbm>>) target_semaphore(%arg12 : memref<!tpu.dma_semaphore, #tpu.memory_space<semaphore_mem>>)
    %mul3A_268 = arith.constant 2 : i32
    %mul3A_269 = arith.muli %mul3A_268, %select_n3A_174 : i32
    %add3A_270 = arith.constant 1 : i32
    %add3A_271 = arith.addi %mul3A_269, %add3A_270 : i32
    %add3A_272 = arith.constant 1 : i32
    %add3A_273 = arith.addi %mul3A_190, %add3A_272 : i32
    %dma_start3A_274 = arith.constant 1 : i32
    %dma_start3A_275 = arith.constant 0 : i32
    %dma_start3A_276 = arith.constant 0 : i32
    %dma_start3A_277 = arith.constant 0 : i32
    %dma_start3A_278 = tpu.memref_slice %arg8[%dma_start3A_274, %dma_start3A_275, %dma_start3A_276, %dma_start3A_277] : memref<2x4x8x129xf32, #tpu.memory_space<vmem>> -> memref<1x4x8x128xf32, #tpu.memory_space<vmem>>
    %dma_start3A_279 = tpu.memref_squeeze %dma_start3A_278 : memref<1x4x8x128xf32, #tpu.memory_space<vmem>> -> memref<4x8x128xf32, #tpu.memory_space<vmem>>
    %dma_start3A_280 = arith.constant 0 : i32
    %dma_start3A_281 = arith.constant 0 : i32
    %dma_start3A_282 = arith.constant 0 : i32
    %dma_start3A_283 = tpu.memref_slice %arg4[%add3A_271, %dma_start3A_280, %add3A_273, %dma_start3A_281, %dma_start3A_282] : memref<400x4x8x8x128xf32, #tpu.memory_space<hbm>> -> memref<1x4x1x8x128xf32, #tpu.memory_space<hbm>>
    %dma_start3A_284 = tpu.memref_squeeze %dma_start3A_283 : memref<1x4x1x8x128xf32, #tpu.memory_space<hbm>> -> memref<4x8x128xf32, #tpu.memory_space<hbm>>
    %dma_start3A_285 = arith.constant 0 : i32
    %dma_start3A_286 = arith.constant 0 : i32
    %dma_start3A_287 = arith.constant 0 : i32
    %dma_start3A_288 = tpu.memref_slice %arg4[%add3A_271, %dma_start3A_285, %add3A_273, %dma_start3A_286, %dma_start3A_287] : memref<400x4x8x8x128xf32, #tpu.memory_space<hbm>> -> memref<1x4x1x8x128xf32, #tpu.memory_space<hbm>>
    %dma_start3A_289 = tpu.memref_squeeze %dma_start3A_288 : memref<1x4x1x8x128xf32, #tpu.memory_space<hbm>> -> memref<4x8x128xf32, #tpu.memory_space<hbm>>
    %dma_start3A_290 = arith.constant 0 : i32
    %dma_start3A_291 = arith.constant 0 : i32
    %dma_start3A_292 = arith.constant 0 : i32
    %dma_start3A_293 = tpu.memref_slice %arg8[%dma_start3A_274, %dma_start3A_290, %dma_start3A_291, %dma_start3A_292] : memref<2x4x8x129xf32, #tpu.memory_space<vmem>> -> memref<1x4x8x128xf32, #tpu.memory_space<vmem>>
    %dma_start3A_294 = tpu.memref_squeeze %dma_start3A_293 : memref<1x4x8x128xf32, #tpu.memory_space<vmem>> -> memref<4x8x128xf32, #tpu.memory_space<vmem>>
    tpu.enqueue_dma source(%dma_start3A_294 : memref<4x8x128xf32, #tpu.memory_space<vmem>>) target(%dma_start3A_289 : memref<4x8x128xf32, #tpu.memory_space<hbm>>) target_semaphore(%arg12 : memref<!tpu.dma_semaphore, #tpu.memory_space<semaphore_mem>>)
    %dma_wait3A_295 = arith.constant 0 : i32
    %dma_wait3A_296 = arith.constant 0 : i32
    %dma_wait3A_297 = arith.constant 0 : i32
    %dma_wait3A_298 = arith.constant 0 : i32
    %dma_wait3A_299 = arith.constant 0 : i32
    %dma_wait3A_300 = arith.constant 0 : i32
    %dma_wait3A_301 = tpu.memref_slice %arg9[%dma_wait3A_295, %dma_wait3A_298, %dma_wait3A_299, %dma_wait3A_300] : memref<2x4x8x129xf32, #tpu.memory_space<vmem>> -> memref<1x4x8x128xf32, #tpu.memory_space<vmem>>
    %dma_wait3A_302 = tpu.memref_squeeze %dma_wait3A_301 : memref<1x4x8x128xf32, #tpu.memory_space<vmem>> -> memref<4x8x128xf32, #tpu.memory_space<vmem>>
    %dma_wait3A_303 = arith.constant 0 : i32
    %dma_wait3A_304 = arith.constant 0 : i32
    %dma_wait3A_305 = arith.constant 0 : i32
    %dma_wait3A_306 = tpu.memref_slice %arg4[%dma_wait3A_296, %dma_wait3A_303, %dma_wait3A_297, %dma_wait3A_304, %dma_wait3A_305] : memref<400x4x8x8x128xf32, #tpu.memory_space<hbm>> -> memref<1x4x1x8x128xf32, #tpu.memory_space<hbm>>
    %dma_wait3A_307 = tpu.memref_squeeze %dma_wait3A_306 : memref<1x4x1x8x128xf32, #tpu.memory_space<hbm>> -> memref<4x8x128xf32, #tpu.memory_space<hbm>>
    %dma_wait3A_308 = arith.constant 0 : i32
    %dma_wait3A_309 = arith.constant 0 : i32
    %dma_wait3A_310 = arith.constant 0 : i32
    %dma_wait3A_311 = tpu.memref_slice %arg4[%dma_wait3A_296, %dma_wait3A_308, %dma_wait3A_297, %dma_wait3A_309, %dma_wait3A_310] : memref<400x4x8x8x128xf32, #tpu.memory_space<hbm>> -> memref<1x4x1x8x128xf32, #tpu.memory_space<hbm>>
    %dma_wait3A_312 = tpu.memref_squeeze %dma_wait3A_311 : memref<1x4x1x8x128xf32, #tpu.memory_space<hbm>> -> memref<4x8x128xf32, #tpu.memory_space<hbm>>
    %dma_wait3A_313 = arith.constant 0 : i32
    %dma_wait3A_314 = arith.constant 0 : i32
    %dma_wait3A_315 = arith.constant 0 : i32
    %dma_wait3A_316 = tpu.memref_slice %arg9[%dma_wait3A_295, %dma_wait3A_313, %dma_wait3A_314, %dma_wait3A_315] : memref<2x4x8x129xf32, #tpu.memory_space<vmem>> -> memref<1x4x8x128xf32, #tpu.memory_space<vmem>>
    %dma_wait3A_317 = tpu.memref_squeeze %dma_wait3A_316 : memref<1x4x8x128xf32, #tpu.memory_space<vmem>> -> memref<4x8x128xf32, #tpu.memory_space<vmem>>
    tpu.wait_dma2 semaphore(%arg13 : memref<!tpu.dma_semaphore, #tpu.memory_space<semaphore_mem>>) src(%dma_wait3A_317 : memref<4x8x128xf32, #tpu.memory_space<vmem>>) dst(%dma_wait3A_312 : memref<4x8x128xf32, #tpu.memory_space<hbm>>)
    %dma_wait3A_318 = arith.constant 0 : i32
    %dma_wait3A_319 = arith.constant 0 : i32
    %dma_wait3A_320 = arith.constant 0 : i32
    %dma_wait3A_321 = arith.constant 0 : i32
    %dma_wait3A_322 = arith.constant 0 : i32
    %dma_wait3A_323 = arith.constant 0 : i32
    %dma_wait3A_324 = tpu.memref_slice %arg9[%dma_wait3A_318, %dma_wait3A_321, %dma_wait3A_322, %dma_wait3A_323] : memref<2x4x8x129xf32, #tpu.memory_space<vmem>> -> memref<1x4x8x128xf32, #tpu.memory_space<vmem>>
    %dma_wait3A_325 = tpu.memref_squeeze %dma_wait3A_324 : memref<1x4x8x128xf32, #tpu.memory_space<vmem>> -> memref<4x8x128xf32, #tpu.memory_space<vmem>>
    %dma_wait3A_326 = arith.constant 0 : i32
    %dma_wait3A_327 = arith.constant 0 : i32
    %dma_wait3A_328 = arith.constant 0 : i32
    %dma_wait3A_329 = tpu.memref_slice %arg4[%dma_wait3A_319, %dma_wait3A_326, %dma_wait3A_320, %dma_wait3A_327, %dma_wait3A_328] : memref<400x4x8x8x128xf32, #tpu.memory_space<hbm>> -> memref<1x4x1x8x128xf32, #tpu.memory_space<hbm>>
    %dma_wait3A_330 = tpu.memref_squeeze %dma_wait3A_329 : memref<1x4x1x8x128xf32, #tpu.memory_space<hbm>> -> memref<4x8x128xf32, #tpu.memory_space<hbm>>
    %dma_wait3A_331 = arith.constant 0 : i32
    %dma_wait3A_332 = arith.constant 0 : i32
    %dma_wait3A_333 = arith.constant 0 : i32
    %dma_wait3A_334 = tpu.memref_slice %arg4[%dma_wait3A_319, %dma_wait3A_331, %dma_wait3A_320, %dma_wait3A_332, %dma_wait3A_333] : memref<400x4x8x8x128xf32, #tpu.memory_space<hbm>> -> memref<1x4x1x8x128xf32, #tpu.memory_space<hbm>>
    %dma_wait3A_335 = tpu.memref_squeeze %dma_wait3A_334 : memref<1x4x1x8x128xf32, #tpu.memory_space<hbm>> -> memref<4x8x128xf32, #tpu.memory_space<hbm>>
    %dma_wait3A_336 = arith.constant 0 : i32
    %dma_wait3A_337 = arith.constant 0 : i32
    %dma_wait3A_338 = arith.constant 0 : i32
    %dma_wait3A_339 = tpu.memref_slice %arg9[%dma_wait3A_318, %dma_wait3A_336, %dma_wait3A_337, %dma_wait3A_338] : memref<2x4x8x129xf32, #tpu.memory_space<vmem>> -> memref<1x4x8x128xf32, #tpu.memory_space<vmem>>
    %dma_wait3A_340 = tpu.memref_squeeze %dma_wait3A_339 : memref<1x4x8x128xf32, #tpu.memory_space<vmem>> -> memref<4x8x128xf32, #tpu.memory_space<vmem>>
    tpu.wait_dma2 semaphore(%arg13 : memref<!tpu.dma_semaphore, #tpu.memory_space<semaphore_mem>>) src(%dma_wait3A_340 : memref<4x8x128xf32, #tpu.memory_space<vmem>>) dst(%dma_wait3A_335 : memref<4x8x128xf32, #tpu.memory_space<hbm>>)
    %dma_wait3A_341 = arith.constant 0 : i32
    %dma_wait3A_342 = arith.constant 0 : i32
    %dma_wait3A_343 = arith.constant 0 : i32
    %dma_wait3A_344 = arith.constant 0 : i32
    %dma_wait3A_345 = arith.constant 0 : i32
    %dma_wait3A_346 = arith.constant 0 : i32
    %dma_wait3A_347 = tpu.memref_slice %arg9[%dma_wait3A_341, %dma_wait3A_344, %dma_wait3A_345, %dma_wait3A_346] : memref<2x4x8x129xf32, #tpu.memory_space<vmem>> -> memref<1x4x8x128xf32, #tpu.memory_space<vmem>>
    %dma_wait3A_348 = tpu.memref_squeeze %dma_wait3A_347 : memref<1x4x8x128xf32, #tpu.memory_space<vmem>> -> memref<4x8x128xf32, #tpu.memory_space<vmem>>
    %dma_wait3A_349 = arith.constant 0 : i32
    %dma_wait3A_350 = arith.constant 0 : i32
    %dma_wait3A_351 = arith.constant 0 : i32
    %dma_wait3A_352 = tpu.memref_slice %arg4[%dma_wait3A_342, %dma_wait3A_349, %dma_wait3A_343, %dma_wait3A_350, %dma_wait3A_351] : memref<400x4x8x8x128xf32, #tpu.memory_space<hbm>> -> memref<1x4x1x8x128xf32, #tpu.memory_space<hbm>>
    %dma_wait3A_353 = tpu.memref_squeeze %dma_wait3A_352 : memref<1x4x1x8x128xf32, #tpu.memory_space<hbm>> -> memref<4x8x128xf32, #tpu.memory_space<hbm>>
    %dma_wait3A_354 = arith.constant 0 : i32
    %dma_wait3A_355 = arith.constant 0 : i32
    %dma_wait3A_356 = arith.constant 0 : i32
    %dma_wait3A_357 = tpu.memref_slice %arg4[%dma_wait3A_342, %dma_wait3A_354, %dma_wait3A_343, %dma_wait3A_355, %dma_wait3A_356] : memref<400x4x8x8x128xf32, #tpu.memory_space<hbm>> -> memref<1x4x1x8x128xf32, #tpu.memory_space<hbm>>
    %dma_wait3A_358 = tpu.memref_squeeze %dma_wait3A_357 : memref<1x4x1x8x128xf32, #tpu.memory_space<hbm>> -> memref<4x8x128xf32, #tpu.memory_space<hbm>>
    %dma_wait3A_359 = arith.constant 0 : i32
    %dma_wait3A_360 = arith.constant 0 : i32
    %dma_wait3A_361 = arith.constant 0 : i32
    %dma_wait3A_362 = tpu.memref_slice %arg9[%dma_wait3A_341, %dma_wait3A_359, %dma_wait3A_360, %dma_wait3A_361] : memref<2x4x8x129xf32, #tpu.memory_space<vmem>> -> memref<1x4x8x128xf32, #tpu.memory_space<vmem>>
    %dma_wait3A_363 = tpu.memref_squeeze %dma_wait3A_362 : memref<1x4x8x128xf32, #tpu.memory_space<vmem>> -> memref<4x8x128xf32, #tpu.memory_space<vmem>>
    tpu.wait_dma2 semaphore(%arg13 : memref<!tpu.dma_semaphore, #tpu.memory_space<semaphore_mem>>) src(%dma_wait3A_363 : memref<4x8x128xf32, #tpu.memory_space<vmem>>) dst(%dma_wait3A_358 : memref<4x8x128xf32, #tpu.memory_space<hbm>>)
    %dma_wait3A_364 = arith.constant 0 : i32
    %dma_wait3A_365 = arith.constant 0 : i32
    %dma_wait3A_366 = arith.constant 0 : i32
    %dma_wait3A_367 = arith.constant 0 : i32
    %dma_wait3A_368 = arith.constant 0 : i32
    %dma_wait3A_369 = arith.constant 0 : i32
    %dma_wait3A_370 = tpu.memref_slice %arg9[%dma_wait3A_364, %dma_wait3A_367, %dma_wait3A_368, %dma_wait3A_369] : memref<2x4x8x129xf32, #tpu.memory_space<vmem>> -> memref<1x4x8x128xf32, #tpu.memory_space<vmem>>
    %dma_wait3A_371 = tpu.memref_squeeze %dma_wait3A_370 : memref<1x4x8x128xf32, #tpu.memory_space<vmem>> -> memref<4x8x128xf32, #tpu.memory_space<vmem>>
    %dma_wait3A_372 = arith.constant 0 : i32
    %dma_wait3A_373 = arith.constant 0 : i32
    %dma_wait3A_374 = arith.constant 0 : i32
    %dma_wait3A_375 = tpu.memref_slice %arg4[%dma_wait3A_365, %dma_wait3A_372, %dma_wait3A_366, %dma_wait3A_373, %dma_wait3A_374] : memref<400x4x8x8x128xf32, #tpu.memory_space<hbm>> -> memref<1x4x1x8x128xf32, #tpu.memory_space<hbm>>
    %dma_wait3A_376 = tpu.memref_squeeze %dma_wait3A_375 : memref<1x4x1x8x128xf32, #tpu.memory_space<hbm>> -> memref<4x8x128xf32, #tpu.memory_space<hbm>>
    %dma_wait3A_377 = arith.constant 0 : i32
    %dma_wait3A_378 = arith.constant 0 : i32
    %dma_wait3A_379 = arith.constant 0 : i32
    %dma_wait3A_380 = tpu.memref_slice %arg4[%dma_wait3A_365, %dma_wait3A_377, %dma_wait3A_366, %dma_wait3A_378, %dma_wait3A_379] : memref<400x4x8x8x128xf32, #tpu.memory_space<hbm>> -> memref<1x4x1x8x128xf32, #tpu.memory_space<hbm>>
    %dma_wait3A_381 = tpu.memref_squeeze %dma_wait3A_380 : memref<1x4x1x8x128xf32, #tpu.memory_space<hbm>> -> memref<4x8x128xf32, #tpu.memory_space<hbm>>
    %dma_wait3A_382 = arith.constant 0 : i32
    %dma_wait3A_383 = arith.constant 0 : i32
    %dma_wait3A_384 = arith.constant 0 : i32
    %dma_wait3A_385 = tpu.memref_slice %arg9[%dma_wait3A_364, %dma_wait3A_382, %dma_wait3A_383, %dma_wait3A_384] : memref<2x4x8x129xf32, #tpu.memory_space<vmem>> -> memref<1x4x8x128xf32, #tpu.memory_space<vmem>>
    %dma_wait3A_386 = tpu.memref_squeeze %dma_wait3A_385 : memref<1x4x8x128xf32, #tpu.memory_space<vmem>> -> memref<4x8x128xf32, #tpu.memory_space<vmem>>
    tpu.wait_dma2 semaphore(%arg13 : memref<!tpu.dma_semaphore, #tpu.memory_space<semaphore_mem>>) src(%dma_wait3A_386 : memref<4x8x128xf32, #tpu.memory_space<vmem>>) dst(%dma_wait3A_381 : memref<4x8x128xf32, #tpu.memory_space<hbm>>)
    %dma_wait3A_387 = arith.constant 0 : i32
    %dma_wait3A_388 = arith.constant 0 : i32
    %dma_wait3A_389 = arith.constant 0 : i32
    %dma_wait3A_390 = arith.constant 0 : i32
    %dma_wait3A_391 = arith.constant 0 : i32
    %dma_wait3A_392 = arith.constant 0 : i32
    %dma_wait3A_393 = tpu.memref_slice %arg8[%dma_wait3A_387, %dma_wait3A_390, %dma_wait3A_391, %dma_wait3A_392] : memref<2x4x8x129xf32, #tpu.memory_space<vmem>> -> memref<1x4x8x128xf32, #tpu.memory_space<vmem>>
    %dma_wait3A_394 = tpu.memref_squeeze %dma_wait3A_393 : memref<1x4x8x128xf32, #tpu.memory_space<vmem>> -> memref<4x8x128xf32, #tpu.memory_space<vmem>>
    %dma_wait3A_395 = arith.constant 0 : i32
    %dma_wait3A_396 = arith.constant 0 : i32
    %dma_wait3A_397 = arith.constant 0 : i32
    %dma_wait3A_398 = tpu.memref_slice %arg4[%dma_wait3A_388, %dma_wait3A_395, %dma_wait3A_389, %dma_wait3A_396, %dma_wait3A_397] : memref<400x4x8x8x128xf32, #tpu.memory_space<hbm>> -> memref<1x4x1x8x128xf32, #tpu.memory_space<hbm>>
    %dma_wait3A_399 = tpu.memref_squeeze %dma_wait3A_398 : memref<1x4x1x8x128xf32, #tpu.memory_space<hbm>> -> memref<4x8x128xf32, #tpu.memory_space<hbm>>
    %dma_wait3A_400 = arith.constant 0 : i32
    %dma_wait3A_401 = arith.constant 0 : i32
    %dma_wait3A_402 = arith.constant 0 : i32
    %dma_wait3A_403 = tpu.memref_slice %arg4[%dma_wait3A_388, %dma_wait3A_400, %dma_wait3A_389, %dma_wait3A_401, %dma_wait3A_402] : memref<400x4x8x8x128xf32, #tpu.memory_space<hbm>> -> memref<1x4x1x8x128xf32, #tpu.memory_space<hbm>>
    %dma_wait3A_404 = tpu.memref_squeeze %dma_wait3A_403 : memref<1x4x1x8x128xf32, #tpu.memory_space<hbm>> -> memref<4x8x128xf32, #tpu.memory_space<hbm>>
    %dma_wait3A_405 = arith.constant 0 : i32
    %dma_wait3A_406 = arith.constant 0 : i32
    %dma_wait3A_407 = arith.constant 0 : i32
    %dma_wait3A_408 = tpu.memref_slice %arg8[%dma_wait3A_387, %dma_wait3A_405, %dma_wait3A_406, %dma_wait3A_407] : memref<2x4x8x129xf32, #tpu.memory_space<vmem>> -> memref<1x4x8x128xf32, #tpu.memory_space<vmem>>
    %dma_wait3A_409 = tpu.memref_squeeze %dma_wait3A_408 : memref<1x4x8x128xf32, #tpu.memory_space<vmem>> -> memref<4x8x128xf32, #tpu.memory_space<vmem>>
    tpu.wait_dma2 semaphore(%arg12 : memref<!tpu.dma_semaphore, #tpu.memory_space<semaphore_mem>>) src(%dma_wait3A_409 : memref<4x8x128xf32, #tpu.memory_space<vmem>>) dst(%dma_wait3A_404 : memref<4x8x128xf32, #tpu.memory_space<hbm>>)
    %dma_wait3A_410 = arith.constant 0 : i32
    %dma_wait3A_411 = arith.constant 0 : i32
    %dma_wait3A_412 = arith.constant 0 : i32
    %dma_wait3A_413 = arith.constant 0 : i32
    %dma_wait3A_414 = arith.constant 0 : i32
    %dma_wait3A_415 = arith.constant 0 : i32
    %dma_wait3A_416 = tpu.memref_slice %arg8[%dma_wait3A_410, %dma_wait3A_413, %dma_wait3A_414, %dma_wait3A_415] : memref<2x4x8x129xf32, #tpu.memory_space<vmem>> -> memref<1x4x8x128xf32, #tpu.memory_space<vmem>>
    %dma_wait3A_417 = tpu.memref_squeeze %dma_wait3A_416 : memref<1x4x8x128xf32, #tpu.memory_space<vmem>> -> memref<4x8x128xf32, #tpu.memory_space<vmem>>
    %dma_wait3A_418 = arith.constant 0 : i32
    %dma_wait3A_419 = arith.constant 0 : i32
    %dma_wait3A_420 = arith.constant 0 : i32
    %dma_wait3A_421 = tpu.memref_slice %arg4[%dma_wait3A_411, %dma_wait3A_418, %dma_wait3A_412, %dma_wait3A_419, %dma_wait3A_420] : memref<400x4x8x8x128xf32, #tpu.memory_space<hbm>> -> memref<1x4x1x8x128xf32, #tpu.memory_space<hbm>>
    %dma_wait3A_422 = tpu.memref_squeeze %dma_wait3A_421 : memref<1x4x1x8x128xf32, #tpu.memory_space<hbm>> -> memref<4x8x128xf32, #tpu.memory_space<hbm>>
    %dma_wait3A_423 = arith.constant 0 : i32
    %dma_wait3A_424 = arith.constant 0 : i32
    %dma_wait3A_425 = arith.constant 0 : i32
    %dma_wait3A_426 = tpu.memref_slice %arg4[%dma_wait3A_411, %dma_wait3A_423, %dma_wait3A_412, %dma_wait3A_424, %dma_wait3A_425] : memref<400x4x8x8x128xf32, #tpu.memory_space<hbm>> -> memref<1x4x1x8x128xf32, #tpu.memory_space<hbm>>
    %dma_wait3A_427 = tpu.memref_squeeze %dma_wait3A_426 : memref<1x4x1x8x128xf32, #tpu.memory_space<hbm>> -> memref<4x8x128xf32, #tpu.memory_space<hbm>>
    %dma_wait3A_428 = arith.constant 0 : i32
    %dma_wait3A_429 = arith.constant 0 : i32
    %dma_wait3A_430 = arith.constant 0 : i32
    %dma_wait3A_431 = tpu.memref_slice %arg8[%dma_wait3A_410, %dma_wait3A_428, %dma_wait3A_429, %dma_wait3A_430] : memref<2x4x8x129xf32, #tpu.memory_space<vmem>> -> memref<1x4x8x128xf32, #tpu.memory_space<vmem>>
    %dma_wait3A_432 = tpu.memref_squeeze %dma_wait3A_431 : memref<1x4x8x128xf32, #tpu.memory_space<vmem>> -> memref<4x8x128xf32, #tpu.memory_space<vmem>>
    tpu.wait_dma2 semaphore(%arg12 : memref<!tpu.dma_semaphore, #tpu.memory_space<semaphore_mem>>) src(%dma_wait3A_432 : memref<4x8x128xf32, #tpu.memory_space<vmem>>) dst(%dma_wait3A_427 : memref<4x8x128xf32, #tpu.memory_space<hbm>>)
    %dma_wait3A_433 = arith.constant 0 : i32
    %dma_wait3A_434 = arith.constant 0 : i32
    %dma_wait3A_435 = arith.constant 0 : i32
    %dma_wait3A_436 = arith.constant 0 : i32
    %dma_wait3A_437 = arith.constant 0 : i32
    %dma_wait3A_438 = arith.constant 0 : i32
    %dma_wait3A_439 = tpu.memref_slice %arg8[%dma_wait3A_433, %dma_wait3A_436, %dma_wait3A_437, %dma_wait3A_438] : memref<2x4x8x129xf32, #tpu.memory_space<vmem>> -> memref<1x4x8x128xf32, #tpu.memory_space<vmem>>
    %dma_wait3A_440 = tpu.memref_squeeze %dma_wait3A_439 : memref<1x4x8x128xf32, #tpu.memory_space<vmem>> -> memref<4x8x128xf32, #tpu.memory_space<vmem>>
    %dma_wait3A_441 = arith.constant 0 : i32
    %dma_wait3A_442 = arith.constant 0 : i32
    %dma_wait3A_443 = arith.constant 0 : i32
    %dma_wait3A_444 = tpu.memref_slice %arg4[%dma_wait3A_434, %dma_wait3A_441, %dma_wait3A_435, %dma_wait3A_442, %dma_wait3A_443] : memref<400x4x8x8x128xf32, #tpu.memory_space<hbm>> -> memref<1x4x1x8x128xf32, #tpu.memory_space<hbm>>
    %dma_wait3A_445 = tpu.memref_squeeze %dma_wait3A_444 : memref<1x4x1x8x128xf32, #tpu.memory_space<hbm>> -> memref<4x8x128xf32, #tpu.memory_space<hbm>>
    %dma_wait3A_446 = arith.constant 0 : i32
    %dma_wait3A_447 = arith.constant 0 : i32
    %dma_wait3A_448 = arith.constant 0 : i32
    %dma_wait3A_449 = tpu.memref_slice %arg4[%dma_wait3A_434, %dma_wait3A_446, %dma_wait3A_435, %dma_wait3A_447, %dma_wait3A_448] : memref<400x4x8x8x128xf32, #tpu.memory_space<hbm>> -> memref<1x4x1x8x128xf32, #tpu.memory_space<hbm>>
    %dma_wait3A_450 = tpu.memref_squeeze %dma_wait3A_449 : memref<1x4x1x8x128xf32, #tpu.memory_space<hbm>> -> memref<4x8x128xf32, #tpu.memory_space<hbm>>
    %dma_wait3A_451 = arith.constant 0 : i32
    %dma_wait3A_452 = arith.constant 0 : i32
    %dma_wait3A_453 = arith.constant 0 : i32
    %dma_wait3A_454 = tpu.memref_slice %arg8[%dma_wait3A_433, %dma_wait3A_451, %dma_wait3A_452, %dma_wait3A_453] : memref<2x4x8x129xf32, #tpu.memory_space<vmem>> -> memref<1x4x8x128xf32, #tpu.memory_space<vmem>>
    %dma_wait3A_455 = tpu.memref_squeeze %dma_wait3A_454 : memref<1x4x8x128xf32, #tpu.memory_space<vmem>> -> memref<4x8x128xf32, #tpu.memory_space<vmem>>
    tpu.wait_dma2 semaphore(%arg12 : memref<!tpu.dma_semaphore, #tpu.memory_space<semaphore_mem>>) src(%dma_wait3A_455 : memref<4x8x128xf32, #tpu.memory_space<vmem>>) dst(%dma_wait3A_450 : memref<4x8x128xf32, #tpu.memory_space<hbm>>)
    %dma_wait3A_456 = arith.constant 0 : i32
    %dma_wait3A_457 = arith.constant 0 : i32
    %dma_wait3A_458 = arith.constant 0 : i32
    %dma_wait3A_459 = arith.constant 0 : i32
    %dma_wait3A_460 = arith.constant 0 : i32
    %dma_wait3A_461 = arith.constant 0 : i32
    %dma_wait3A_462 = tpu.memref_slice %arg8[%dma_wait3A_456, %dma_wait3A_459, %dma_wait3A_460, %dma_wait3A_461] : memref<2x4x8x129xf32, #tpu.memory_space<vmem>> -> memref<1x4x8x128xf32, #tpu.memory_space<vmem>>
    %dma_wait3A_463 = tpu.memref_squeeze %dma_wait3A_462 : memref<1x4x8x128xf32, #tpu.memory_space<vmem>> -> memref<4x8x128xf32, #tpu.memory_space<vmem>>
    %dma_wait3A_464 = arith.constant 0 : i32
    %dma_wait3A_465 = arith.constant 0 : i32
    %dma_wait3A_466 = arith.constant 0 : i32
    %dma_wait3A_467 = tpu.memref_slice %arg4[%dma_wait3A_457, %dma_wait3A_464, %dma_wait3A_458, %dma_wait3A_465, %dma_wait3A_466] : memref<400x4x8x8x128xf32, #tpu.memory_space<hbm>> -> memref<1x4x1x8x128xf32, #tpu.memory_space<hbm>>
    %dma_wait3A_468 = tpu.memref_squeeze %dma_wait3A_467 : memref<1x4x1x8x128xf32, #tpu.memory_space<hbm>> -> memref<4x8x128xf32, #tpu.memory_space<hbm>>
    %dma_wait3A_469 = arith.constant 0 : i32
    %dma_wait3A_470 = arith.constant 0 : i32
    %dma_wait3A_471 = arith.constant 0 : i32
    %dma_wait3A_472 = tpu.memref_slice %arg4[%dma_wait3A_457, %dma_wait3A_469, %dma_wait3A_458, %dma_wait3A_470, %dma_wait3A_471] : memref<400x4x8x8x128xf32, #tpu.memory_space<hbm>> -> memref<1x4x1x8x128xf32, #tpu.memory_space<hbm>>
    %dma_wait3A_473 = tpu.memref_squeeze %dma_wait3A_472 : memref<1x4x1x8x128xf32, #tpu.memory_space<hbm>> -> memref<4x8x128xf32, #tpu.memory_space<hbm>>
    %dma_wait3A_474 = arith.constant 0 : i32
    %dma_wait3A_475 = arith.constant 0 : i32
    %dma_wait3A_476 = arith.constant 0 : i32
    %dma_wait3A_477 = tpu.memref_slice %arg8[%dma_wait3A_456, %dma_wait3A_474, %dma_wait3A_475, %dma_wait3A_476] : memref<2x4x8x129xf32, #tpu.memory_space<vmem>> -> memref<1x4x8x128xf32, #tpu.memory_space<vmem>>
    %dma_wait3A_478 = tpu.memref_squeeze %dma_wait3A_477 : memref<1x4x8x128xf32, #tpu.memory_space<vmem>> -> memref<4x8x128xf32, #tpu.memory_space<vmem>>
    tpu.wait_dma2 semaphore(%arg12 : memref<!tpu.dma_semaphore, #tpu.memory_space<semaphore_mem>>) src(%dma_wait3A_478 : memref<4x8x128xf32, #tpu.memory_space<vmem>>) dst(%dma_wait3A_473 : memref<4x8x128xf32, #tpu.memory_space<hbm>>)
    return
  }
}

</mosaic_0001>

<sc_bundles>
// kernel: kernel.3.cloned.1.call-start
scs
__scs_entry_jumppad:
0x0: {  	(pc) =	sbr.rel $0x88, $3  }
0x1: {  	(tag) =	ssettag $0x0;
	lr =	simm.s32 $0x1  }
0x2: {  	[smem:$0x3F9F] =	sst lr;
	_ =	strace $0xD0000000  }
0x3: {  	_ = 	snop  }
0x4: {  	_ = 	snop  }
0x5: {  	_ = 	snop  }
0x6: {  	_ = 	snop  }
0x7: {  	_ = 	snop  }
__scs_overlays_trampoline_lowered:
0x8: {  	[smem:$0x3FAE] =	sst s0  }
0x9: {  	[smem:$0x3FAF] =	sst s1  }
0xa: {  	[smem:$0x3FB0] =	sst s2  }
0xb: {  	[smem:$0x3FB1] =	sst s3  }
0xc: {  	[smem:$0x3FB2] =	sst s4  }
0xd: {  	[smem:$0x3FB3] =	sst s5  }
0xe: {  	[smem:$0x3FB4] =	sst s6  }
0xf: {  	[smem:$0x3FB5] =	sst s7  }
0x10: {  	[smem:$0x3FB6] =	sst s8  }
0x11: {  	[smem:$0x3FB7] =	sst s9;
	s0 =	simm.s32 @!p0 $0x0  }
0x12: {  	s1 =	sld [smem:$0x3F9D];
	s0 =	simm.s32 @p0 $0x1  }
0x13: {  	[smem:$0x3FB8] =	sst s0;
	s0 =	simm.s32 @!p1 $0x0  }
0x14: {  	s2 =	sld [smem:$0x3F9C];
	s0 =	simm.s32 @p1 $0x1  }
0x15: {  	[smem:$0x3FB9] =	sst s0;
	s0 =	simm.s32 @!p2 $0x0  }
0x16: {  	s3 =	sld [smem:$0x3FDB];
	s0 =	simm.s32 @p2 $0x1  }
0x17: {  	s4 =	simm.s32 $0x1BF5;
	[smem:$0x3FBB] =	sst s0  }
0x18: {  	s0 =	sld [smem:$0x3F9E];
	_ =	swait.ge [sflag:s4], $0x0  }
0x19: {  	s7 =	sld [smem:$0x3F9F]  }
0x1a: {  	s8 =	sadd.s32 $0xFFFFE003, lr  }
0x1b: {  	s9 =	sadd.s32 $0xFFFFFEF7, lr;
	s5 =	simm.s32 $0xFFFFFFFF;
	p2 =	slt.u32 s8, $0xFFFFF086  }
0x1c: {  	p1 =	slt.u32 s9, $0xF7A;
	s5 =	simm.s32 @!p2 $0x0  }
0x1d: {  	s5 =	simm.s32 @p1 $0x1;
	p0 =	seq.s32 s7, s2  }
0x1e: {  	s7 =	smul.u32 @!p0 $0xF7A, s2;
	p2 =	seq.s32 @!p0 s5, $0x0  }
0x1f: {  	s9 =	smul.u32 $0xF7A, s1;
	s8 =	simm.s32 @!p0 $0x1BF5;
	p2 =	por !p2, p0  }
0x20: {  	[sflag:s8] =	ssyncset.s32 @!p0 $0xFFFFF086;
	s6 =	sadd.s32 @!p0 s3, s7;
	s7 =	simm.s32 @!p0 $0x108  }
0x21: {  	s3 =	sadd.s32 s3, s9;
	s6 =	sadd.s32 @!p0 $0x88, s6;
	s7 =	simm.s32 @p2 $0x1082  }
0x22: {  	[simem:s7], [sflag:s8] =	dma.local @!p0 [hbm:s6], $0xF7A  }
0x23: {  	s9 =	sor.u32 $0xD0000000, s2;
	s6 =	simm.s32 $0x108;
	_ =	swait.ge @!p0 [sflag:s8], $0x0  }
0x24: {  	s3 =	sadd.s32 $0x88, s3;
	s6 =	simm.s32 @!p1 $0x1082;
	[sflag:s4] =	ssyncset.s32 $0xFFFFF086  }
0x25: {  	[simem:s6], [sflag:s4] =	dma.local [hbm:s3], $0xF7A  }
0x26: {  	[smem:$0x3F9F] =	sst s1;
	(tag) =	ssettag s2;
	_ =	strace s9  }
0x27: {  	s1 =	sld [smem:$0x3FAF]  }
0x28: {  	s2 =	sld [smem:$0x3FB0]  }
0x29: {  	s4 =	sld [smem:$0x3FB2]  }
0x2a: {  	p0 =	seq.s32 s5, $0x0;
	s5 =	sld [smem:$0x3FB3]  }
0x2b: {  	s6 =	sld [smem:$0x3FB4]  }
0x2c: {  	s7 =	sld [smem:$0x3FB5]  }
0x2d: {  	s3 =	simm.s32 $0x108;
	s8 =	sld [smem:$0x3FB6]  }
0x2e: {  	s3 =	simm.s32 @!p0 $0x1082;
	s9 =	sld [smem:$0x3FB7]  }
0x2f: {  	lr =	sadd.s32 s0, s3;
	s0 =	sld [smem:$0x3FAE]  }
0x30: {  	s3 =	sld [smem:$0x3FB1]  }
0x31: {  	[smem:$0x3FBA] =	sst s10  }
0x32: {  	s10 =	sld [smem:$0x3FB8];
	_ =	sdelay $0x3  }
0x33: {  	p0 =	seq.s32 s10, $0x1;
	s10 =	sld [smem:$0x3FBA];
	_ =	sdelay $0x3  }
0x34: {  	[smem:$0x3FBA] =	sst s10  }
0x35: {  	s10 =	sld [smem:$0x3FB9];
	_ =	sdelay $0x3  }
0x36: {  	p1 =	seq.s32 s10, $0x1;
	s10 =	sld [smem:$0x3FBA];
	_ =	sdelay $0x3  }
0x37: {  	[smem:$0x3FBA] =	sst s10  }
0x38: {  	s10 =	sld [smem:$0x3FBB]  }
0x39: {  	_ = 	snop;
	(pc) =	sbr.ind lr, $3  }
0x3a: {  	_ = 	snop  }
0x3b: {  	_ = 	snop  }
0x3c: {  	p2 =	seq.s32 s10, $0x1;
	s10 =	sld [smem:$0x3FBA]  }
0x3d: {  	_ =	shalt  }
0x3e: {  	_ =	shalt  }
0x3f: {  	_ =	shalt  }
0x40: {  	_ =	shalt  }
0x41: {  	_ =	shalt  }
0x42: {  	_ =	shalt  }
0x43: {  	_ =	shalt  }
0x44: {  	_ =	shalt  }
0x45: {  	_ =	shalt  }
0x46: {  	_ =	shalt  }
0x47: {  	_ =	shalt  }
0x48: {  	_ =	shalt  }
0x49: {  	_ =	shalt  }
0x4a: {  	_ =	shalt  }
0x4b: {  	_ =	shalt  }
0x4c: {  	_ =	shalt  }
0x4d: {  	_ =	shalt  }
0x4e: {  	_ =	shalt  }
0x4f: {  	_ =	shalt  }
0x50: {  	_ =	shalt  }
0x51: {  	_ =	shalt  }
0x52: {  	_ =	shalt  }
0x53: {  	_ =	shalt  }
0x54: {  	_ =	shalt  }
0x55: {  	_ =	shalt  }
0x56: {  	_ =	shalt  }
0x57: {  	_ =	shalt  }
0x58: {  	_ =	shalt  }
0x59: {  	_ =	shalt  }
0x5a: {  	_ =	shalt  }
0x5b: {  	_ =	shalt  }
0x5c: {  	_ =	shalt  }
0x5d: {  	_ =	shalt  }
0x5e: {  	_ =	shalt  }
0x5f: {  	_ =	shalt  }
0x60: {  	_ =	shalt  }
0x61: {  	_ =	shalt  }
0x62: {  	_ =	shalt  }
0x63: {  	_ =	shalt  }
0x64: {  	_ =	shalt  }
0x65: {  	_ =	shalt  }
0x66: {  	_ =	shalt  }
0x67: {  	_ =	shalt  }
0x68: {  	_ =	shalt  }
0x69: {  	_ =	shalt  }
0x6a: {  	_ =	shalt  }
0x6b: {  	_ =	shalt  }
0x6c: {  	_ =	shalt  }
0x6d: {  	_ =	shalt  }
0x6e: {  	_ =	shalt  }
0x6f: {  	_ =	shalt  }
0x70: {  	_ =	shalt  }
0x71: {  	_ =	shalt  }
0x72: {  	_ =	shalt  }
0x73: {  	_ =	shalt  }
0x74: {  	_ =	shalt  }
0x75: {  	_ =	shalt  }
0x76: {  	_ =	shalt  }
0x77: {  	_ =	shalt  }
0x78: {  	_ =	shalt  }
0x79: {  	_ =	shalt  }
0x7a: {  	_ =	shalt  }
0x7b: {  	_ =	shalt  }
0x7c: {  	_ =	shalt  }
0x7d: {  	_ =	shalt  }
0x7e: {  	_ =	shalt  }
0x7f: {  	_ =	shalt  }
0x80: {  	_ =	shalt  }
0x81: {  	_ =	shalt  }
0x82: {  	_ =	shalt  }
0x83: {  	_ =	shalt  }
0x84: {  	_ =	shalt  }
0x85: {  	_ =	shalt  }
0x86: {  	_ =	shalt  }
0x87: {  	_ =	shalt  }
.Lfunc_end0:
.L_simem_size_0:
called_computation_lowered:
.L_overlay_start_0:
0x88: {  	s2 =	sld [smem:$0x3FD9]  }
0x89: {  	s3 =	sld [smem:$0x3FFE];
	_ =	sdelay $0x1  }
0x8a: {  	s1 =	srdreg.scid  }
0x8b: {  	s0 =	sand.u32 $0x1, s1  }
0x8c: {  	s17 =	sshll.u32 s0, $0xA;
	s2 =	sadd.s32 s3, s2  }
0x8d: {  	s2 =	sadd.s32 s2, s17  }
0x8e: {  	[smem:$0x3FC6] =	sst s2  }
0x8f: {  	_ = 	snop  }
0x90: {  	s2 =	sld [smem:$0x3FD0];
	(tm) =	ssettm $0x1  }
0x91: {  	s18 =	sld [smem:$0x3FFB];
	_ =	sdelay $0x3  }
0x92: {  	_ =	strace s18  }
0x93: {  	s3 =	sld [smem:$0x3FFC];
	_ =	sdelay $0x3  }
0x94: {  	_ =	strace s3  }
0x95: {  	s3 =	sld [smem:$0x3FFD];
	_ =	sdelay $0x3  }
0x96: {  	_ =	strace s3  }
0x97: {  	_ =	strace $0x8FFFFFFF  }
0x98: {  	s19 =	sld [smem:$0x3FDB];
	_ =	sdelay $0x1  }
0x99: {  	s4 =	simm.s32 $_scs_section_size  }
0x9a: {  	s5 =	simm.s32 $_size__tile_overlayer_lowered;
	s6 =	simm.s32 $_tile_overlayer_lowered  }
0x9b: {  	s22 =	simm.s32 $0x1BFF;
	s21 =	sshll.u32 s6, $0x1;
	s3 =	sadd.s32 s4, s19  }
0x9c: {  	s7 =	simm.s32 $0x0;
	s20 =	sshll.u32 s5, $0x1;
	s5 =	sadd.s32 s21, s3  }
0x9d: {  	[timem:s7], [sflag:s22] =	dma.local [hbm:s5], s20  }
0x9e: {  	_ =	swait.ge [sflag:s22], s20  }
0x9f: {  	s4 =	ssub.s32 $0x0, s20;
	[sflag:s22] =	ssyncset.done $0x0  }
0xa0: {  	[sflag:s22] =	ssyncadd.s32 s4;
	_ =	sdelay $0x1  }
0xa1: {  	s23 =	simm.s32 $0x1B8B  }
0xa2: {  	_ =	swait.ge [sflag:s23], $0x1  }
0xa3: {  	[sflag:s23] =	ssyncset.done $0x0  }
0xa4: {  	s25 =	simm.s32 $0x1B8E;
	s24 =	sld [smem:$0x3FFE];
	[sflag:s23] =	ssyncadd.s32 $0xFFFFFFFF  }
0xa5: {  	s26 =	simm.s32 $execute0_lowered;
	[smem:$0x3FD2] =	sst s25  }
0xa6: {  	s5 =	sshll.u32 s26, $0x1;
	_ =	strace $0x80000046;
	[dreg:$0x1] =	wrdreg $0xFFFFFFFF  }
0xa7: {  	s28 =	simm.s32 $_size_execute0_lowered;
	s3 =	sadd.s32 s3, s5;
	[dreg:$0x0] =	wrdreg $0x0  }
0xa8: {  	s5 =	sshll.u32 s28, $0x1;
	[dreg:$0x2] =	wrdreg s3  }
0xa9: {  	[dreg:$0x3] =	wrdreg s5  }
0xaa: {  	[dreg:$0x4] =	wrdreg $0xC0  }
0xab: {  	_ =	task [dreg:s7], $0x5FFFF  }
0xac: {  	[dreg:$0x1] =	wrdreg $0xFFFFFFFF  }
0xad: {  	[dreg:$0x0] =	wrdreg $0x60  }
0xae: {  	[dreg:$0x2] =	wrdreg s24  }
0xaf: {  	[dreg:$0x3] =	wrdreg s2  }
0xb0: {  	[dreg:$0x4] =	wrdreg $0x9  }
0xb1: {  	_ =	task.clear_ibuf [dreg:s7], $0x5FFFF;
	_ =	strace $0x90000046  }
0xb2: {  	s29 =	simm.s32 $0x9;
	_ =	strace $0x80000048  }
0xb3: {  	_ =	swait.ge [sflag:s29], $0x1  }
0xb4: {  	[sflag:s29] =	ssyncadd.s32 $0xFFFFFFFF  }
0xb5: {  	_ =	strace $0x90000048  }
0xb6: {  	_ =	sfence  }
0xb7: {  	s30 =	sld [smem:$0x0];
	_ =	sdelay $0x2  }
0xb8: {  	s31 =	sshll.u32 s1, $0xD;
	s1 =	sshrl.u32 s1, $0x2  }
0xb9: {  	s3 =	sand.u32 $0x4000, s31;
	s1 =	sadd.s32 s1, s30  }
0xba: {  	s0 =	sor.u32 s3, s0;
	s1 =	sshll.u32 s1, $0x11  }
0xbb: {  	s0 =	sor.u32 s1, s0  }
0xbc: {  	s0 =	sadd.s32 $0x8F2B, s0  }
0xbd: {  	[sflag:s0] =	ssyncadd.remote.s32 $0x1  }
0xbe: {  	_ =	sfence.sel $0xFFFF  }
0xbf: {  	[dreg:$0x0] =	wrdreg $0xFFFFFFFF;
	(pc) =	sbr.abs _section_cstart, $3  }
0xc0: {  	[dreg:$0x1] =	wrdreg $0xFFFFFFFF  }
0xc1: {  	_ =	task.clear_ibuf [dreg:s7], $0x2FFFF;
	_ =	strace $0x9FFFFFFF  }
0xc2: {  	(tm) =	ssettm $0x7FFFFFFF  }
0xc3: {  	_ =	shalt  }
tec
execute0_lowered:
.L_overlay_start_1:
0x0: {  	(tag) =	ssettag $0x1  }
0x1: {  	s0 =	srdreg.scid;
	s2 =	stileid.u32  }
0x2: {  	s1 =	rddreg [dreg:$0x0];
	s0 =	sand.u32 $0x1, s0;
	s3 =	sshll.u32 s2, $0x1  }
0x3: {  	s24 =	rddreg [dreg:$0x1];
	s5 =	sor.u32 s0, s3  }
0x4: {  	s3 =	simm.s32 $0x0;
	s0 =	ssub.s32 $0x2, s0;
	s4 =	smul.u32 $0x320, s5  }
0x5: {  	[smem:$0x7FF] =	sst s3;
	s6 =	smul.u32 $0x64000, s5;
	s25 =	sshll.u32 s5, $0xB  }
0x6: {  	s8 =	sshrl.u32 s0, $0x1;
	s5 =	smul.u32 $0x19, s5;
	_ =	strace $0x80000047  }
0x7: {  	s9 =	sand.u32 $0x1800, s25;
	s0 =	ssub.s32 s0, s8;
	s7 =	sadd.s32 s4, s1  }
0x8: {  	s6 =	sadd.s32 $0x60000, s6;
	s1 =	sadd.s32 $0x6800, s1;
	[dreg:$0x9] =	wrdreg s5  }
0x9: {  	s29 =	sor.u32 $0x400, s9;
	s0 =	smax.u32 s0, $0x1;
	[dreg:$0xa] =	wrdreg s1  }
0xa: {  	s6 =	sand.u32 $0x1FF0000, s6;
	s7 =	sadd.s32 $0x400, s7;
	[dreg:$0x8] =	wrdreg s0  }
0xb: {  	s26 =	sor.u32 s9, s6;
	[dreg:$0x3] =	wrdreg s7;
	s28 =	sor.u32 $0x8000, s6  }
0xc: {  	s6 =	sor.u32 s29, s6;
	s1 =	sshrl.u32 s26, $0x3;
	s30 =	sor.u32 s9, s28  }
0xd: {  	s6 =	sshrl.u32 s6, $0x3;
	s1 =	sadd.s32 s24, s1;
	s31 =	sshrl.u32 s30, $0x3  }
0xe: {  	v0 =	vlaneseq.u32;
	s6 =	sadd.s32 s24, s6;
	[dreg:$0x4] =	wrdreg s1;
	s1 =	sor.u32 s29, s28  }
0xf: {  	v0 =	vmul.u32 $0x88, v0;
	s7 =	sadd.s32 s24, s31;
	[dreg:$0x6] =	wrdreg s6;
	s1 =	sshrl.u32 s1, $0x3  }
0x10: {  	s17 =	simm.s32 $0x5900;
	v1 =	vimm.s32 $0x0;
	vm0 =	vcmask $0x300;
	[dreg:$0x5] =	wrdreg s7;
	s1 =	sadd.s32 s24, s1  }
0x11: {  	v1 =	vsel vm0, $0x3, v1;
	s2 =	simm.s32 $0x0;
	v2 =	vadd.s32 $0x880, v0;
	s0 =	simm.s32 $0x7B00;
	[dreg:$0x7] =	wrdreg s1  }
.LBB2_1:
0x12: {  	[dreg:$0xb] =	wrdreg s2  }
0x13: {  	s9 =	rddreg [dreg:$0x3];
	s29 =	simm.s32 $0x5  }
0x14: {  	[tilespmem:s3], [sflag:$0x5] =	stream.linear.gather [hbm4b:s9+s3], $0x1900, $0x38;
	[tilespmem:$0x9D00] =	vst v63  }
0x15: {  	_ =	swait.ge [sflag:s29], $0x1900  }
0x16: {  	s30 =	simm.s32 $0x100;
	[sflag:s29] =	ssyncset.done $0x0  }
0x17: {  	s10 =	simm.s32 $0x1900;
	s1 =	rddreg [dreg:$0xa];
	[sflag:s29] =	ssyncadd.s32 $0xFFFFE700  }
0x18: {  	[tilespmem:s10], [sflag:$0x1] =	stream.indirect.gather [hbm4b:s1+s30], $0x20, s3, s30, $0xb8;
	[tilespmem:$0x9D00] =	vst v63  }
0x19: {  	s31 =	simm.s32 $0x3900  }
0x1a: {  	[tilespmem:s31], [sflag:$0x2] =	stream.indirect.gather [hbm4b:s1+s30], $0x20, s30, s30, $0xb8;
	[tilespmem:$0x9D00] =	vst v63  }
0x1b: {  	s1 =	simm.s32 $0x0  }
.LBB2_2:
0x1c: {  	s6 =	simm.s32 $0x1  }
0x1d: {  	_ =	swait.ge [sflag:s6], $0x2000  }
0x1e: {  	p0 =	seq.s32 s1, $0x0;
	[sflag:s6] =	ssyncset.done $0x0  }
0x1f: {  	s9 =	simm.s32 @!p0 $0x3;
	[sflag:s6] =	ssyncadd.s32 $0xFFFFE000  }
0x20: {  	_ =	swait.ge @!p0 [sflag:s9], $0x1000  }
0x21: {  	[sflag:s9] =	ssyncset.done @!p0 $0x0  }
0x22: {  	s10 =	simm.s32 $0x0;
	[sflag:s9] =	ssyncadd.s32 @!p0 $0xFFFFF000  }
0x23: {  	s14 =	simm.s32 $0x0;
	s10 =	sand.u32 $0xFFFFFF80, s10;
	_ =	swait.ge @!p0 [sflag:s9], $0x1000  }
0x24: {  	v3 =	vmov s14;
	s26 =	ssub.s32 $0x0, s10;
	s10 =	ssub.s32 $0xFFFFFFF8, s10;
	[sflag:s9] =	ssyncset.done @!p0 $0x0  }
0x25: {  	v3 =	vmul.u32 $0x1100, v3;
	s24 =	sadd.s32 $0x1, s26;
	s28 =	sadd.s32 $0xF, s10;
	[sflag:s9] =	ssyncadd.s32 @!p0 $0xFFFFF000  }
0x26: {  	s29 =	sadd.s32 $0x2, s26;
	s25 =	sadd.s32 $0xB, s10;
	v4 =	vmov s24;
	v5 =	vmov s28;
	_ =	swait.ge @!p0 [sflag:s9], $0x1000  }
0x27: {  	s10 =	sadd.s32 $0xC, s10;
	s30 =	sadd.s32 $0x5, s26;
	v6 =	vmov s29;
	v7 =	vmov s25;
	v3 =	vbroadcast v3, $0x0;
	[sflag:s9] =	ssyncset.done @!p0 $0x0  }
0x28: {  	s26 =	sadd.s32 $0x6, s26;
	v8 =	vmov s10;
	v9 =	vmov s30;
	v5 =	vshrl.u32 v5, $0x3;
	[sflag:s9] =	ssyncadd.s32 @!p0 $0xFFFFF000  }
0x29: {  	v10 =	vmov s26;
	v4 =	vshrl.u32 v4, $0x3;
	v5 =	vshll.u32 v5, v1;
	_ =	swait.ge @!p0 [sflag:s9], $0x1000  }
0x2a: {  	v12 =	vshrl.u32 v6, $0x3;
	v7 =	vshrl.u32 v7, $0x3;
	v11 =	vbroadcast v5, $0x0;
	[sflag:s9] =	ssyncset.done @!p0 $0x0  }
0x2b: {  	s26 =	simm.s32 $0x1980;
	v8 =	vshrl.u32 v8, $0x3;
	v9 =	vshrl.u32 v9, $0x3;
	v5 =	vadd.s32 v0, v3;
	[sflag:s9] =	ssyncadd.s32 @!p0 $0xFFFFF000  }
0x2c: {  	v10 =	vshrl.u32 v10, $0x3;
	v6 =	vadd.s32 v2, v3;
	v3 =	vadd.s32 v5, v11;
	v15 =	vld [tilespmem:s26+$0x60]  }
0x2d: {  	s14 =	simm.s32 $0x0;
	v13 =	vshll.u32 v4, v1;
	v17 =	vor.u32 $0x7, v3;
	v3 =	vadd.s32 v6, v11;
	v18 =	vld [tilespmem:s26+$0x70]  }
0x2e: {  	s31 =	sand.u32 $0x78, s14;
	v12 =	vshll.u32 v12, v1;
	v14 =	vshll.u32 v7, v1;
	v19 =	vor.u32 $0x7, v3;
	v3 =	vld [tilespmem:s26+$0xFFFFFF80]  }
0x2f: {  	v16 =	vshll.u32 v8, v1;
	v20 =	vshll.u32 v9, v1;
	v11 =	vmov s31;
	v4 =	vld [tilespmem:s26+$0xFFFFFF90]  }
0x30: {  	v12 =	vbroadcast v12, $0x0;
	v14 =	vbroadcast v14, $0x0;
	v8 =	vshrl.u32 v11, $0x3;
	v7 =	vld [tilespmem:s26+$0xFFFFFFA0]  }
0x31: {  	v11 =	vbroadcast v13, $0x0;
	v13 =	vshll.u32 v10, v1;
	v10 =	vshll.u32 v8, v1;
	v8 =	vld [tilespmem:s26+$0xFFFFFFB0]  }
0x32: {  	v22 =	vbroadcast v16, $0x0;
	v20 =	vbroadcast v20, $0x0;
	v30 =	vadd.s32 v5, v12;
	v9 =	vld [tilespmem:s26+$0xFFFFFFC0]  }
0x33: {  	v31 =	vadd.s32 v6, v12;
	v32 =	vadd.s32 v5, v14;
	v16 =	vbroadcast v10, $0x0;
	v10 =	vld [tilespmem:s26+$0xFFFFFFD0]  }
0x34: {  	v33 =	vadd.s32 v6, v14;
	v34 =	vadd.s32 v5, v22;
	v24 =	vbroadcast v13, $0x0;
	v13 =	vld [tilespmem:s26+$0xFFFFFFE0]  }
0x35: {  	v35 =	vadd.s32 v6, v22;
	v21 =	vadd.s32 v5, v11;
	v23 =	vadd.s32 v6, v11;
	v11 =	vld [tilespmem:s26+$0xFFFFFFF0]  }
0x36: {  	v29 =	vadd.s32 v5, v20;
	v28 =	vadd.s32 v6, v20;
	v22 =	vor.u32 $0x2, v31;
	v12 =	vld [tilespmem:s26+$0x0]  }
0x37: {  	v20 =	vor.u32 $0x3, v32;
	v27 =	vadd.s32 v5, v24;
	v25 =	vor.u32 $0x1, v21;
	v14 =	vld [tilespmem:s26+$0x10]  }
0x38: {  	v23 =	vor.u32 $0x1, v23;
	v26 =	vadd.s32 v6, v24;
	v24 =	vor.u32 $0x2, v30;
	[tilespmem:v17+s17+$0x0] =	vst.idx.msk $0xffff, v15;
	v15 =	vld [tilespmem:s26+$0x20]  }
0x39: {  	s2 =	sshll.u32 s1, $0x1;
	s28 =	simm.s32 $0x8;
	v21 =	vor.u32 $0x3, v33;
	v17 =	vld [tilespmem:s26+$0x30];
	[tilespmem:v19+s17+$0x0] =	vst.idx.msk $0xffff, v18;
	v19 =	vor.u32 $0x4, v34;
	v18 =	vor.u32 $0x4, v35  }
.LBB2_3:
0x3a: {  	s10 =	sand.u32 $0xFFFFFF80, s28;
	v29 =	vor.u32 $0x5, v29;
	v28 =	vor.u32 $0x5, v28;
	v30 =	vld [tilespmem:s26+$0x40];
	v27 =	vor.u32 $0x6, v27;
	s29 =	smov.u32 s14;
	s14 =	sadd.s32 $0x8, s14  }
0x3b: {  	v31 =	vadd.s32 v16, v5;
	v32 =	vadd.s32 v16, v6;
	v26 =	vor.u32 $0x6, v26;
	s11 =	sshrl.u32 s14, $0x7;
	s30 =	ssub.s32 s14, s10;
	s10 =	ssub.s32 s29, s10;
	v33 =	vld [tilespmem:s26+$0x50]  }
0x3c: {  	v5 =	vmov s11;
	s11 =	sadd.s32 $0x1, s30;
	s29 =	sadd.s32 $0x2, s30;
	s18 =	sadd.s32 $0xF, s10;
	[tilespmem:v25+s17+$0x0] =	vst.idx.msk $0xffff, v7  }
0x3d: {  	s31 =	sadd.s32 $0x5, s30;
	v5 =	vmul.u32 $0x1100, v5;
	v6 =	vmov s11;
	s11 =	sadd.s32 $0xB, s10;
	s10 =	sadd.s32 $0xC, s10;
	v7 =	vmov s18;
	[tilespmem:v23+s17+$0x0] =	vst.idx.msk $0xffff, v8  }
0x3e: {  	p1 =	slt.u32 s14, $0xF8;
	s18 =	sand.u32 $0x78, s14;
	v8 =	vmov s29;
	v16 =	vmov s11;
	s11 =	sadd.s32 $0x6, s30;
	v7 =	vshrl.u32 v7, $0x3;
	[tilespmem:v24+s17+$0x0] =	vst.idx.msk $0xffff, v9  }
0x3f: {  	v23 =	vmov s10;
	v9 =	vbroadcast v5, $0x0;
	v5 =	vshll.u32 v7, v1;
	[tilespmem:v22+s17+$0x0] =	vst.idx.msk $0xffff, v10  }
0x40: {  	v7 =	vmov s31;
	v10 =	vmov s11;
	v22 =	vbroadcast v5, $0x0;
	[tilespmem:v20+s17+$0x0] =	vst.idx.msk $0xffff, v13  }
0x41: {  	v8 =	vshrl.u32 v8, $0x3;
	v13 =	vshrl.u32 v6, $0x3;
	v5 =	vadd.s32 v0, v9;
	[tilespmem:v21+s17+$0x0] =	vst.idx.msk $0xffff, v11  }
0x42: {  	s26 =	sadd.s32 $0x100, s26;
	v6 =	vadd.s32 v2, v9;
	v9 =	vshrl.u32 v16, $0x3;
	v11 =	vadd.s32 v5, v22;
	[tilespmem:v19+s17+$0x0] =	vst.idx.msk $0xffff, v12  }
0x43: {  	v12 =	vshrl.u32 v23, $0x3;
	v19 =	vadd.s32 v6, v22;
	v16 =	vld [tilespmem:s26+$0x60];
	v11 =	vor.u32 $0x7, v11;
	[tilespmem:v18+s17+$0x0] =	vst.idx.msk $0xffff, v14  }
0x44: {  	v7 =	vshrl.u32 v7, $0x3;
	v10 =	vshrl.u32 v10, $0x3;
	v18 =	vor.u32 $0x7, v19;
	v14 =	vld [tilespmem:s26+$0x70];
	[tilespmem:v29+s17+$0x0] =	vst.idx.msk $0xffff, v15  }
0x45: {  	v20 =	vshll.u32 v8, v1;
	v13 =	vshll.u32 v13, v1;
	v15 =	vmov s18;
	v19 =	vld [tilespmem:s26+$0xFFFFFF80];
	[tilespmem:v28+s17+$0x0] =	vst.idx.msk $0xffff, v17  }
0x46: {  	v21 =	vshll.u32 v7, v1;
	v9 =	vshll.u32 v9, v1;
	v12 =	vshll.u32 v12, v1;
	v17 =	vld [tilespmem:s26+$0xFFFFFF90]  }
0x47: {  	v13 =	vbroadcast v13, $0x0;
	v8 =	vshrl.u32 v15, $0x3;
	v15 =	vshll.u32 v10, v1;
	v7 =	vld [tilespmem:s26+$0xFFFFFFA0];
	[tilespmem:v27+s17+$0x0] =	vst.idx.msk $0xffff, v30  }
0x48: {  	v20 =	vbroadcast v20, $0x0;
	v22 =	vbroadcast v9, $0x0;
	v10 =	vshll.u32 v8, v1;
	v8 =	vld [tilespmem:s26+$0xFFFFFFB0];
	[tilespmem:v11+s17+$0x0] =	vst.idx.msk $0xffff, v16  }
0x49: {  	v21 =	vbroadcast v21, $0x0;
	v23 =	vadd.s32 v5, v13;
	v12 =	vbroadcast v12, $0x0;
	v9 =	vld [tilespmem:s26+$0xFFFFFFC0];
	[tilespmem:v18+s17+$0x0] =	vst.idx.msk $0xffff, v14  }
0x4a: {  	v15 =	vbroadcast v15, $0x0;
	v16 =	vbroadcast v10, $0x0;
	v14 =	vadd.s32 v6, v13;
	v10 =	vld [tilespmem:s26+$0xFFFFFFD0];
	[tilespmem:v26+s17+$0x0] =	vst.idx.msk $0xffff, v33  }
0x4b: {  	v30 =	vadd.s32 v5, v22;
	v18 =	vadd.s32 v5, v20;
	v20 =	vadd.s32 v6, v20;
	v13 =	vld [tilespmem:s26+$0xFFFFFFE0]  }
.Ltmp0:
0x4c: {  	v34 =	vadd.s32 v5, v12;
	v35 =	vadd.s32 v6, v12;
	v33 =	vadd.s32 v6, v22;
	v11 =	vld [tilespmem:s26+$0xFFFFFFF0];
	(pc) =	sbr.rel @p1 .LBB2_3-.Ltmp0, $4  }
0x4d: {  	v29 =	vadd.s32 v5, v21;
	v28 =	vadd.s32 v6, v21;
	v27 =	vadd.s32 v5, v15;
	v12 =	vld [tilespmem:s26+$0x0]  }
0x4e: {  	v25 =	vor.u32 $0x1, v23;
	v23 =	vor.u32 $0x1, v14;
	v26 =	vadd.s32 v6, v15;
	v14 =	vld [tilespmem:s26+$0x10];
	[tilespmem:v31+s17+$0x0] =	vst.idx.msk $0xffff, v3;
	v3 =	vmovc v19  }
0x4f: {  	v24 =	vor.u32 $0x2, v18;
	v22 =	vor.u32 $0x2, v20;
	v20 =	vor.u32 $0x3, v30;
	v15 =	vld [tilespmem:s26+$0x20];
	[tilespmem:v32+s17+$0x0] =	vst.idx.msk $0xffff, v4;
	v4 =	vmovc v17  }
0x50: {  	s28 =	sadd.s32 $0x8, s28;
	v18 =	vor.u32 $0x4, v35;
	v21 =	vor.u32 $0x3, v33;
	v19 =	vor.u32 $0x4, v34;
	v17 =	vld [tilespmem:s26+$0x30]  }
0x51: {  	_ =	sdelay $0x3  }
0x52: {  	[tilespmem:v25+s17+$0x0] =	vst.idx.msk $0xffff, v7  }
0x53: {  	[tilespmem:v24+s17+$0x0] =	vst.idx.msk $0xffff, v9  }
0x54: {  	[tilespmem:v20+s17+$0x0] =	vst.idx.msk $0xffff, v13  }
0x55: {  	v7 =	vor.u32 $0x5, v29;
	[tilespmem:v23+s17+$0x0] =	vst.idx.msk $0xffff, v8  }
0x56: {  	[tilespmem:v22+s17+$0x0] =	vst.idx.msk $0xffff, v10;
	v8 =	vor.u32 $0x5, v28  }
0x57: {  	v9 =	vld [tilespmem:s26+$0x40];
	v10 =	vor.u32 $0x6, v27;
	[tilespmem:v21+s17+$0x0] =	vst.idx.msk $0xffff, v11  }
0x58: {  	v13 =	vor.u32 $0x6, v26;
	v11 =	vld [tilespmem:s26+$0x50];
	[tilespmem:v19+s17+$0x0] =	vst.idx.msk $0xffff, v12  }
0x59: {  	[tilespmem:v18+s17+$0x0] =	vst.idx.msk $0xffff, v14  }
0x5a: {  	v5 =	vadd.s32 v16, v5;
	[tilespmem:v7+s17+$0x0] =	vst.idx.msk $0xffff, v15  }
0x5b: {  	v6 =	vadd.s32 v16, v6;
	[tilespmem:v8+s17+$0x0] =	vst.idx.msk $0xffff, v17  }
0x5c: {  	[tilespmem:v10+s17+$0x0] =	vst.idx.msk $0xffff, v9  }
0x5d: {  	[tilespmem:v13+s17+$0x0] =	vst.idx.msk $0xffff, v11  }
0x5e: {  	[dreg:$0xc] =	wrdreg s1  }
0x5f: {  	[tilespmem:v5+s17+$0x0] =	vst.idx.msk $0xffff, v3  }
0x60: {  	s10 =	sshll.u32 s1, $0x9;
	[tilespmem:v6+s17+$0x0] =	vst.idx.msk $0xffff, v4  }
0x61: {  	s11 =	simm.s32 $0x100;
	s1 =	sand.u32 $0x3FFFFE00, s10;
	s30 =	rddreg [dreg:$0xa]  }
0x62: {  	s13 =	simm.s32 $0x1900;
	s10 =	sadd.s32 $0x200, s1;
	s31 =	rddreg [dreg:$0x9]  }
0x63: {  	[tilespmem:s13], [sflag:$0x1] =	stream.indirect.gather [hbm4b:s30+s11], $0x20, s10, s11, $0xb8;
	[tilespmem:$0x9D00] =	vst v63  }
0x64: {  	[dreg:$0xd] =	wrdreg s2;
	s2 =	sadd.s32 s31, s2  }
0x65: {  	s4 =	sshll.u32 s2, $0xB;
	s14 =	sshll.u32 s2, $0xE  }
0x66: {  	s10 =	sand.u32 $0x1800, s4;
	s14 =	sand.u32 $0x7FFF0000, s14  }
0x67: {  	s11 =	sor.u32 s10, s14  }
0x68: {  	s9 =	rddreg [dreg:$0x1];
	s11 =	sshrl.u32 s11, $0x3  }
0x69: {  	s11 =	sadd.s32 s9, s11  }
0x6a: {  	[hbm4b:s11+s3] =	stream.linear.scatter [tilespmem:s17], [sflag:$0x3], $0x80, $0x38;
	[tilespmem:$0x9D00] =	vst v63  }
0x6b: {  	s13 =	simm.s32 $0x5988;
	s18 =	sadd.s32 $0x10, s11  }
0x6c: {  	[hbm4b:s18+s3] =	stream.linear.scatter [tilespmem:s13], [sflag:$0x3], $0x80, $0x38;
	[tilespmem:$0x9D00] =	vst v63  }
0x6d: {  	s29 =	simm.s32 $0x5A10;
	s5 =	sadd.s32 $0x20, s11  }
0x6e: {  	[hbm4b:s5+s3] =	stream.linear.scatter [tilespmem:s29], [sflag:$0x3], $0x80, $0x38;
	[tilespmem:$0x9D00] =	vst v63  }
0x6f: {  	s30 =	simm.s32 $0x5A98;
	s6 =	sadd.s32 $0x30, s11  }
0x70: {  	[hbm4b:s6+s3] =	stream.linear.scatter [tilespmem:s30], [sflag:$0x3], $0x80, $0x38;
	[tilespmem:$0x9D00] =	vst v63  }
0x71: {  	s31 =	simm.s32 $0x5B20;
	s7 =	sadd.s32 $0x40, s11  }
0x72: {  	[hbm4b:s7+s3] =	stream.linear.scatter [tilespmem:s31], [sflag:$0x3], $0x80, $0x38;
	[tilespmem:$0x9D00] =	vst v63  }
0x73: {  	s19 =	simm.s32 $0x5BA8;
	s8 =	sadd.s32 $0x50, s11  }
0x74: {  	[hbm4b:s8+s3] =	stream.linear.scatter [tilespmem:s19], [sflag:$0x3], $0x80, $0x38;
	[tilespmem:$0x9D00] =	vst v63  }
0x75: {  	s9 =	sadd.s32 $0x60, s11;
	s6 =	simm.s32 $0x5C30  }
0x76: {  	[hbm4b:s9+s3] =	stream.linear.scatter [tilespmem:s6], [sflag:$0x3], $0x80, $0x38;
	[tilespmem:$0x9D00] =	vst v63  }
0x77: {  	s20 =	simm.s32 $0x5CB8;
	s12 =	sadd.s32 $0x70, s11  }
0x78: {  	[hbm4b:s12+s3] =	stream.linear.scatter [tilespmem:s20], [sflag:$0x3], $0x80, $0x38;
	[tilespmem:$0x9D00] =	vst v63  }
0x79: {  	s15 =	sadd.s32 $0x400, s11;
	s7 =	simm.s32 $0x5D40  }
0x7a: {  	[hbm4b:s15+s3] =	stream.linear.scatter [tilespmem:s7], [sflag:$0x3], $0x80, $0x38;
	[tilespmem:$0x9D00] =	vst v63  }
0x7b: {  	s21 =	simm.s32 $0x5DC8;
	s16 =	sadd.s32 $0x410, s11  }
0x7c: {  	[hbm4b:s16+s3] =	stream.linear.scatter [tilespmem:s21], [sflag:$0x3], $0x80, $0x38;
	[tilespmem:$0x9D00] =	vst v63  }
0x7d: {  	s22 =	sadd.s32 $0x420, s11;
	s12 =	simm.s32 $0x5E50  }
0x7e: {  	[hbm4b:s22+s3] =	stream.linear.scatter [tilespmem:s12], [sflag:$0x3], $0x80, $0x38;
	[tilespmem:$0x9D00] =	vst v63  }
0x7f: {  	s23 =	sadd.s32 $0x430, s11;
	s22 =	simm.s32 $0x5ED8  }
0x80: {  	[hbm4b:s23+s3] =	stream.linear.scatter [tilespmem:s22], [sflag:$0x3], $0x80, $0x38;
	[tilespmem:$0x9D00] =	vst v63  }
0x81: {  	s24 =	sadd.s32 $0x440, s11;
	s23 =	simm.s32 $0x5F60  }
0x82: {  	[hbm4b:s24+s3] =	stream.linear.scatter [tilespmem:s23], [sflag:$0x3], $0x80, $0x38;
	[tilespmem:$0x9D00] =	vst v63  }
0x83: {  	s25 =	sadd.s32 $0x450, s11;
	s8 =	simm.s32 $0x5FE8  }
0x84: {  	[hbm4b:s25+s3] =	stream.linear.scatter [tilespmem:s8], [sflag:$0x3], $0x80, $0x38;
	[tilespmem:$0x9D00] =	vst v63  }
0x85: {  	s26 =	sadd.s32 $0x460, s11;
	s24 =	simm.s32 $0x6070  }
0x86: {  	[hbm4b:s26+s3] =	stream.linear.scatter [tilespmem:s24], [sflag:$0x3], $0x80, $0x38;
	[tilespmem:$0x9D00] =	vst v63  }
0x87: {  	[dreg:$0xe] =	wrdreg s1;
	s1 =	sadd.s32 $0x470, s11;
	s15 =	simm.s32 $0x60F8  }
0x88: {  	[hbm4b:s1+s3] =	stream.linear.scatter [tilespmem:s15], [sflag:$0x3], $0x80, $0x38;
	[tilespmem:$0x9D00] =	vst v63  }
0x89: {  	s2 =	sadd.s32 $0x800, s11;
	s16 =	simm.s32 $0x6180  }
0x8a: {  	[hbm4b:s2+s3] =	stream.linear.scatter [tilespmem:s16], [sflag:$0x3], $0x80, $0x38;
	[tilespmem:$0x9D00] =	vst v63  }
0x8b: {  	s4 =	sadd.s32 $0x810, s11;
	s5 =	simm.s32 $0x6208  }
0x8c: {  	[hbm4b:s4+s3] =	stream.linear.scatter [tilespmem:s5], [sflag:$0x3], $0x80, $0x38;
	[tilespmem:$0x9D00] =	vst v63  }
0x8d: {  	s9 =	sadd.s32 $0x820, s11;
	s5 =	simm.s32 $0x6290  }
0x8e: {  	[hbm4b:s9+s3] =	stream.linear.scatter [tilespmem:s5], [sflag:$0x3], $0x80, $0x38;
	[tilespmem:$0x9D00] =	vst v63  }
0x8f: {  	s25 =	sadd.s32 $0x830, s11;
	s4 =	simm.s32 $0x6318  }
0x90: {  	[hbm4b:s25+s3] =	stream.linear.scatter [tilespmem:s4], [sflag:$0x3], $0x80, $0x38;
	[tilespmem:$0x9D00] =	vst v63  }
0x91: {  	s26 =	sadd.s32 $0x840, s11;
	s2 =	simm.s32 $0x63A0  }
0x92: {  	[hbm4b:s26+s3] =	stream.linear.scatter [tilespmem:s2], [sflag:$0x3], $0x80, $0x38;
	[tilespmem:$0x9D00] =	vst v63  }
0x93: {  	s1 =	sadd.s32 $0x850, s11;
	s26 =	simm.s32 $0x6428  }
0x94: {  	[hbm4b:s1+s3] =	stream.linear.scatter [tilespmem:s26], [sflag:$0x3], $0x80, $0x38;
	[tilespmem:$0x9D00] =	vst v63  }
0x95: {  	s9 =	sadd.s32 $0x860, s11;
	s25 =	simm.s32 $0x64B0  }
0x96: {  	[hbm4b:s9+s3] =	stream.linear.scatter [tilespmem:s25], [sflag:$0x3], $0x80, $0x38;
	[tilespmem:$0x9D00] =	vst v63  }
0x97: {  	s1 =	sadd.s32 $0x870, s11;
	s9 =	simm.s32 $0x6538  }
0x98: {  	[hbm4b:s1+s3] =	stream.linear.scatter [tilespmem:s9], [sflag:$0x3], $0x80, $0x38;
	[tilespmem:$0x9D00] =	vst v63  }
0x99: {  	s18 =	sadd.s32 $0xC00, s11;
	s1 =	simm.s32 $0x65C0  }
0x9a: {  	[hbm4b:s18+s3] =	stream.linear.scatter [tilespmem:s1], [sflag:$0x3], $0x80, $0x38;
	[tilespmem:$0x9D00] =	vst v63  }
0x9b: {  	s18 =	sadd.s32 $0xC10, s11;
	s1 =	simm.s32 $0x6648  }
0x9c: {  	[hbm4b:s18+s3] =	stream.linear.scatter [tilespmem:s1], [sflag:$0x3], $0x80, $0x38;
	[tilespmem:$0x9D00] =	vst v63  }
0x9d: {  	s18 =	sadd.s32 $0xC20, s11;
	s1 =	simm.s32 $0x66D0  }
0x9e: {  	[hbm4b:s18+s3] =	stream.linear.scatter [tilespmem:s1], [sflag:$0x3], $0x80, $0x38;
	[tilespmem:$0x9D00] =	vst v63  }
0x9f: {  	s18 =	sadd.s32 $0xC30, s11;
	s1 =	simm.s32 $0x6758  }
0xa0: {  	[hbm4b:s18+s3] =	stream.linear.scatter [tilespmem:s1], [sflag:$0x3], $0x80, $0x38;
	[tilespmem:$0x9D00] =	vst v63  }
0xa1: {  	s18 =	sadd.s32 $0xC40, s11;
	s1 =	simm.s32 $0x67E0  }
0xa2: {  	[hbm4b:s18+s3] =	stream.linear.scatter [tilespmem:s1], [sflag:$0x3], $0x80, $0x38;
	[tilespmem:$0x9D00] =	vst v63  }
0xa3: {  	s18 =	sadd.s32 $0xC50, s11;
	s1 =	simm.s32 $0x6868  }
0xa4: {  	[hbm4b:s18+s3] =	stream.linear.scatter [tilespmem:s1], [sflag:$0x3], $0x80, $0x38;
	[tilespmem:$0x9D00] =	vst v63  }
0xa5: {  	s28 =	sor.u32 $0x8000, s14;
	s18 =	sadd.s32 $0xC60, s11;
	s1 =	simm.s32 $0x68F0  }
0xa6: {  	[hbm4b:s18+s3] =	stream.linear.scatter [tilespmem:s1], [sflag:$0x3], $0x80, $0x38;
	[tilespmem:$0x9D00] =	vst v63  }
0xa7: {  	s11 =	sadd.s32 $0xC70, s11;
	s18 =	simm.s32 $0x6978;
	s1 =	sor.u32 s10, s28  }
0xa8: {  	[hbm4b:s11+s3] =	stream.linear.scatter [tilespmem:s18], [sflag:$0x3], $0x80, $0x38;
	[tilespmem:$0x9D00] =	vst v63  }
0xa9: {  	s11 =	sshrl.u32 s1, $0x3;
	s1 =	rddreg [dreg:$0x1]  }
0xaa: {  	s11 =	sadd.s32 s1, s11  }
0xab: {  	[hbm4b:s11+s3] =	stream.linear.scatter [tilespmem:s17], [sflag:$0x3], $0x80, $0x38;
	[tilespmem:$0x9D00] =	vst v63  }
0xac: {  	s18 =	sadd.s32 $0x10, s11  }
0xad: {  	[hbm4b:s18+s3] =	stream.linear.scatter [tilespmem:s13], [sflag:$0x3], $0x80, $0x38;
	[tilespmem:$0x9D00] =	vst v63  }
0xae: {  	s13 =	sadd.s32 $0x20, s11  }
0xaf: {  	[hbm4b:s13+s3] =	stream.linear.scatter [tilespmem:s29], [sflag:$0x3], $0x80, $0x38;
	[tilespmem:$0x9D00] =	vst v63  }
0xb0: {  	s29 =	sadd.s32 $0x30, s11  }
0xb1: {  	[hbm4b:s29+s3] =	stream.linear.scatter [tilespmem:s30], [sflag:$0x3], $0x80, $0x38;
	[tilespmem:$0x9D00] =	vst v63  }
0xb2: {  	s30 =	sadd.s32 $0x40, s11  }
0xb3: {  	[hbm4b:s30+s3] =	stream.linear.scatter [tilespmem:s31], [sflag:$0x3], $0x80, $0x38;
	[tilespmem:$0x9D00] =	vst v63  }
0xb4: {  	s13 =	sadd.s32 $0x50, s11  }
0xb5: {  	[hbm4b:s13+s3] =	stream.linear.scatter [tilespmem:s19], [sflag:$0x3], $0x80, $0x38;
	[tilespmem:$0x9D00] =	vst v63  }
0xb6: {  	s29 =	sadd.s32 $0x60, s11  }
0xb7: {  	[hbm4b:s29+s3] =	stream.linear.scatter [tilespmem:s6], [sflag:$0x3], $0x80, $0x38;
	[tilespmem:$0x9D00] =	vst v63  }
0xb8: {  	s30 =	sadd.s32 $0x70, s11  }
0xb9: {  	[hbm4b:s30+s3] =	stream.linear.scatter [tilespmem:s20], [sflag:$0x3], $0x80, $0x38;
	[tilespmem:$0x9D00] =	vst v63  }
0xba: {  	s31 =	sadd.s32 $0x400, s11  }
0xbb: {  	[hbm4b:s31+s3] =	stream.linear.scatter [tilespmem:s7], [sflag:$0x3], $0x80, $0x38;
	[tilespmem:$0x9D00] =	vst v63  }
0xbc: {  	s6 =	sadd.s32 $0x410, s11  }
0xbd: {  	[hbm4b:s6+s3] =	stream.linear.scatter [tilespmem:s21], [sflag:$0x3], $0x80, $0x38;
	[tilespmem:$0x9D00] =	vst v63  }
0xbe: {  	s7 =	sadd.s32 $0x420, s11  }
0xbf: {  	[hbm4b:s7+s3] =	stream.linear.scatter [tilespmem:s12], [sflag:$0x3], $0x80, $0x38;
	[tilespmem:$0x9D00] =	vst v63  }
0xc0: {  	s13 =	sadd.s32 $0x430, s11  }
0xc1: {  	[hbm4b:s13+s3] =	stream.linear.scatter [tilespmem:s22], [sflag:$0x3], $0x80, $0x38;
	[tilespmem:$0x9D00] =	vst v63  }
0xc2: {  	s19 =	sadd.s32 $0x440, s11  }
0xc3: {  	[hbm4b:s19+s3] =	stream.linear.scatter [tilespmem:s23], [sflag:$0x3], $0x80, $0x38;
	[tilespmem:$0x9D00] =	vst v63  }
0xc4: {  	s20 =	sadd.s32 $0x450, s11  }
0xc5: {  	[hbm4b:s20+s3] =	stream.linear.scatter [tilespmem:s8], [sflag:$0x3], $0x80, $0x38;
	[tilespmem:$0x9D00] =	vst v63  }
0xc6: {  	s21 =	sadd.s32 $0x460, s11  }
0xc7: {  	[hbm4b:s21+s3] =	stream.linear.scatter [tilespmem:s24], [sflag:$0x3], $0x80, $0x38;
	[tilespmem:$0x9D00] =	vst v63  }
0xc8: {  	s22 =	sadd.s32 $0x470, s11  }
0xc9: {  	[hbm4b:s22+s3] =	stream.linear.scatter [tilespmem:s15], [sflag:$0x3], $0x80, $0x38;
	[tilespmem:$0x9D00] =	vst v63  }
0xca: {  	s23 =	sadd.s32 $0x800, s11  }
0xcb: {  	[hbm4b:s23+s3] =	stream.linear.scatter [tilespmem:s16], [sflag:$0x3], $0x80, $0x38;
	[tilespmem:$0x9D00] =	vst v63  }
0xcc: {  	s29 =	simm.s32 $0x6208;
	s24 =	sadd.s32 $0x810, s11  }
0xcd: {  	[hbm4b:s24+s3] =	stream.linear.scatter [tilespmem:s29], [sflag:$0x3], $0x80, $0x38;
	[tilespmem:$0x9D00] =	vst v63  }
0xce: {  	s30 =	sadd.s32 $0x820, s11  }
0xcf: {  	[hbm4b:s30+s3] =	stream.linear.scatter [tilespmem:s5], [sflag:$0x3], $0x80, $0x38;
	[tilespmem:$0x9D00] =	vst v63  }
0xd0: {  	s31 =	sadd.s32 $0x830, s11  }
0xd1: {  	[hbm4b:s31+s3] =	stream.linear.scatter [tilespmem:s4], [sflag:$0x3], $0x80, $0x38;
	[tilespmem:$0x9D00] =	vst v63  }
0xd2: {  	s5 =	sadd.s32 $0x840, s11  }
0xd3: {  	[hbm4b:s5+s3] =	stream.linear.scatter [tilespmem:s2], [sflag:$0x3], $0x80, $0x38;
	[tilespmem:$0x9D00] =	vst v63  }
0xd4: {  	s6 =	sadd.s32 $0x850, s11  }
0xd5: {  	[hbm4b:s6+s3] =	stream.linear.scatter [tilespmem:s26], [sflag:$0x3], $0x80, $0x38;
	[tilespmem:$0x9D00] =	vst v63  }
0xd6: {  	s7 =	sadd.s32 $0x860, s11  }
0xd7: {  	[hbm4b:s7+s3] =	stream.linear.scatter [tilespmem:s25], [sflag:$0x3], $0x80, $0x38;
	[tilespmem:$0x9D00] =	vst v63  }
0xd8: {  	s8 =	sadd.s32 $0x870, s11  }
0xd9: {  	[hbm4b:s8+s3] =	stream.linear.scatter [tilespmem:s9], [sflag:$0x3], $0x80, $0x38;
	[tilespmem:$0x9D00] =	vst v63  }
0xda: {  	s12 =	simm.s32 $0x65C0;
	s9 =	sadd.s32 $0xC00, s11  }
0xdb: {  	[hbm4b:s9+s3] =	stream.linear.scatter [tilespmem:s12], [sflag:$0x3], $0x80, $0x38;
	[tilespmem:$0x9D00] =	vst v63  }
0xdc: {  	s13 =	sadd.s32 $0xC10, s11;
	s15 =	simm.s32 $0x6648  }
0xdd: {  	[hbm4b:s13+s3] =	stream.linear.scatter [tilespmem:s15], [sflag:$0x3], $0x80, $0x38;
	[tilespmem:$0x9D00] =	vst v63  }
0xde: {  	s19 =	simm.s32 $0x66D0;
	s16 =	sadd.s32 $0xC20, s11  }
0xdf: {  	[hbm4b:s16+s3] =	stream.linear.scatter [tilespmem:s19], [sflag:$0x3], $0x80, $0x38;
	[tilespmem:$0x9D00] =	vst v63  }
0xe0: {  	s20 =	sadd.s32 $0xC30, s11;
	s21 =	simm.s32 $0x6758  }
0xe1: {  	[hbm4b:s20+s3] =	stream.linear.scatter [tilespmem:s21], [sflag:$0x3], $0x80, $0x38;
	[tilespmem:$0x9D00] =	vst v63  }
0xe2: {  	s22 =	sadd.s32 $0xC40, s11;
	s23 =	simm.s32 $0x67E0  }
0xe3: {  	[hbm4b:s22+s3] =	stream.linear.scatter [tilespmem:s23], [sflag:$0x3], $0x80, $0x38;
	[tilespmem:$0x9D00] =	vst v63  }
0xe4: {  	s24 =	sadd.s32 $0xC50, s11;
	s25 =	simm.s32 $0x6868  }
0xe5: {  	[hbm4b:s24+s3] =	stream.linear.scatter [tilespmem:s25], [sflag:$0x3], $0x80, $0x38;
	[tilespmem:$0x9D00] =	vst v63  }
0xe6: {  	s10 =	sor.u32 $0x400, s10;
	s29 =	simm.s32 $0x68F0;
	s26 =	sadd.s32 $0xC60, s11  }
0xe7: {  	[hbm4b:s26+s3] =	stream.linear.scatter [tilespmem:s29], [sflag:$0x3], $0x80, $0x38;
	[tilespmem:$0x9D00] =	vst v63  }
0xe8: {  	s30 =	simm.s32 $0x6978;
	s31 =	sor.u32 s14, s10;
	s11 =	sadd.s32 $0xC70, s11  }
0xe9: {  	[hbm4b:s11+s3] =	stream.linear.scatter [tilespmem:s30], [sflag:$0x3], $0x80, $0x38;
	[tilespmem:$0x9D00] =	vst v63  }
0xea: {  	s11 =	sshrl.u32 s31, $0x3  }
0xeb: {  	s2 =	simm.s32 $0x6A00;
	s11 =	sadd.s32 s1, s11  }
0xec: {  	[hbm4b:s11+s3] =	stream.linear.scatter [tilespmem:s2], [sflag:$0x3], $0x80, $0x38;
	[tilespmem:$0x9D00] =	vst v63  }
0xed: {  	s4 =	sadd.s32 $0x10, s11;
	s2 =	simm.s32 $0x6A88  }
0xee: {  	[hbm4b:s4+s3] =	stream.linear.scatter [tilespmem:s2], [sflag:$0x3], $0x80, $0x38;
	[tilespmem:$0x9D00] =	vst v63  }
0xef: {  	s5 =	sadd.s32 $0x20, s11;
	s4 =	simm.s32 $0x6B10  }
0xf0: {  	[hbm4b:s5+s3] =	stream.linear.scatter [tilespmem:s4], [sflag:$0x3], $0x80, $0x38;
	[tilespmem:$0x9D00] =	vst v63  }
0xf1: {  	s6 =	sadd.s32 $0x30, s11;
	s5 =	simm.s32 $0x6B98  }
0xf2: {  	[hbm4b:s6+s3] =	stream.linear.scatter [tilespmem:s5], [sflag:$0x3], $0x80, $0x38;
	[tilespmem:$0x9D00] =	vst v63  }
0xf3: {  	s7 =	sadd.s32 $0x40, s11;
	s6 =	simm.s32 $0x6C20  }
0xf4: {  	[hbm4b:s7+s3] =	stream.linear.scatter [tilespmem:s6], [sflag:$0x3], $0x80, $0x38;
	[tilespmem:$0x9D00] =	vst v63  }
0xf5: {  	s8 =	sadd.s32 $0x50, s11;
	s7 =	simm.s32 $0x6CA8  }
0xf6: {  	[hbm4b:s8+s3] =	stream.linear.scatter [tilespmem:s7], [sflag:$0x3], $0x80, $0x38;
	[tilespmem:$0x9D00] =	vst v63  }
0xf7: {  	s9 =	sadd.s32 $0x60, s11;
	s8 =	simm.s32 $0x6D30  }
0xf8: {  	[hbm4b:s9+s3] =	stream.linear.scatter [tilespmem:s8], [sflag:$0x3], $0x80, $0x38;
	[tilespmem:$0x9D00] =	vst v63  }
0xf9: {  	s12 =	sadd.s32 $0x70, s11;
	s9 =	simm.s32 $0x6DB8  }
0xfa: {  	[hbm4b:s12+s3] =	stream.linear.scatter [tilespmem:s9], [sflag:$0x3], $0x80, $0x38;
	[tilespmem:$0x9D00] =	vst v63  }
0xfb: {  	s13 =	sadd.s32 $0x400, s11;
	s12 =	simm.s32 $0x6E40  }
0xfc: {  	[hbm4b:s13+s3] =	stream.linear.scatter [tilespmem:s12], [sflag:$0x3], $0x80, $0x38;
	[tilespmem:$0x9D00] =	vst v63  }
0xfd: {  	s15 =	sadd.s32 $0x410, s11;
	s13 =	simm.s32 $0x6EC8  }
0xfe: {  	[hbm4b:s15+s3] =	stream.linear.scatter [tilespmem:s13], [sflag:$0x3], $0x80, $0x38;
	[tilespmem:$0x9D00] =	vst v63  }
0xff: {  	s16 =	sadd.s32 $0x420, s11;
	s15 =	simm.s32 $0x6F50  }
0x100: {  	[hbm4b:s16+s3] =	stream.linear.scatter [tilespmem:s15], [sflag:$0x3], $0x80, $0x38;
	[tilespmem:$0x9D00] =	vst v63  }
0x101: {  	s18 =	sadd.s32 $0x430, s11;
	s16 =	simm.s32 $0x6FD8  }
0x102: {  	[hbm4b:s18+s3] =	stream.linear.scatter [tilespmem:s16], [sflag:$0x3], $0x80, $0x38;
	[tilespmem:$0x9D00] =	vst v63  }
0x103: {  	s19 =	sadd.s32 $0x440, s11;
	s18 =	simm.s32 $0x7060  }
0x104: {  	[hbm4b:s19+s3] =	stream.linear.scatter [tilespmem:s18], [sflag:$0x3], $0x80, $0x38;
	[tilespmem:$0x9D00] =	vst v63  }
0x105: {  	s20 =	sadd.s32 $0x450, s11;
	s19 =	simm.s32 $0x70E8  }
0x106: {  	[hbm4b:s20+s3] =	stream.linear.scatter [tilespmem:s19], [sflag:$0x3], $0x80, $0x38;
	[tilespmem:$0x9D00] =	vst v63  }
0x107: {  	s21 =	sadd.s32 $0x460, s11;
	s20 =	simm.s32 $0x7170  }
0x108: {  	[hbm4b:s21+s3] =	stream.linear.scatter [tilespmem:s20], [sflag:$0x3], $0x80, $0x38;
	[tilespmem:$0x9D00] =	vst v63  }
0x109: {  	s22 =	sadd.s32 $0x470, s11;
	s21 =	simm.s32 $0x71F8  }
0x10a: {  	[hbm4b:s22+s3] =	stream.linear.scatter [tilespmem:s21], [sflag:$0x3], $0x80, $0x38;
	[tilespmem:$0x9D00] =	vst v63  }
0x10b: {  	s23 =	sadd.s32 $0x800, s11;
	s22 =	simm.s32 $0x7280  }
0x10c: {  	[hbm4b:s23+s3] =	stream.linear.scatter [tilespmem:s22], [sflag:$0x3], $0x80, $0x38;
	[tilespmem:$0x9D00] =	vst v63  }
0x10d: {  	s24 =	sadd.s32 $0x810, s11;
	s23 =	simm.s32 $0x7308  }
0x10e: {  	[hbm4b:s24+s3] =	stream.linear.scatter [tilespmem:s23], [sflag:$0x3], $0x80, $0x38;
	[tilespmem:$0x9D00] =	vst v63  }
0x10f: {  	s25 =	sadd.s32 $0x820, s11;
	s24 =	simm.s32 $0x7390  }
0x110: {  	[hbm4b:s25+s3] =	stream.linear.scatter [tilespmem:s24], [sflag:$0x3], $0x80, $0x38;
	[tilespmem:$0x9D00] =	vst v63  }
0x111: {  	s26 =	sadd.s32 $0x830, s11;
	s25 =	simm.s32 $0x7418  }
0x112: {  	[hbm4b:s26+s3] =	stream.linear.scatter [tilespmem:s25], [sflag:$0x3], $0x80, $0x38;
	[tilespmem:$0x9D00] =	vst v63  }
0x113: {  	s29 =	sadd.s32 $0x840, s11;
	s26 =	simm.s32 $0x74A0  }
0x114: {  	[hbm4b:s29+s3] =	stream.linear.scatter [tilespmem:s26], [sflag:$0x3], $0x80, $0x38;
	[tilespmem:$0x9D00] =	vst v63  }
0x115: {  	s30 =	sadd.s32 $0x850, s11;
	s29 =	simm.s32 $0x7528  }
0x116: {  	[hbm4b:s30+s3] =	stream.linear.scatter [tilespmem:s29], [sflag:$0x3], $0x80, $0x38;
	[tilespmem:$0x9D00] =	vst v63  }
0x117: {  	s31 =	sadd.s32 $0x860, s11;
	s30 =	simm.s32 $0x75B0  }
0x118: {  	[hbm4b:s31+s3] =	stream.linear.scatter [tilespmem:s30], [sflag:$0x3], $0x80, $0x38;
	[tilespmem:$0x9D00] =	vst v63  }
0x119: {  	s1 =	sadd.s32 $0x870, s11;
	s31 =	simm.s32 $0x7638  }
0x11a: {  	[hbm4b:s1+s3] =	stream.linear.scatter [tilespmem:s31], [sflag:$0x3], $0x80, $0x38;
	[tilespmem:$0x9D00] =	vst v63  }
0x11b: {  	s14 =	sadd.s32 $0xC00, s11;
	s1 =	simm.s32 $0x76C0  }
0x11c: {  	[hbm4b:s14+s3] =	stream.linear.scatter [tilespmem:s1], [sflag:$0x3], $0x80, $0x38;
	[tilespmem:$0x9D00] =	vst v63  }
0x11d: {  	s14 =	sadd.s32 $0xC10, s11;
	s1 =	simm.s32 $0x7748  }
0x11e: {  	[hbm4b:s14+s3] =	stream.linear.scatter [tilespmem:s1], [sflag:$0x3], $0x80, $0x38;
	[tilespmem:$0x9D00] =	vst v63  }
0x11f: {  	s14 =	sadd.s32 $0xC20, s11;
	s1 =	simm.s32 $0x77D0  }
0x120: {  	[hbm4b:s14+s3] =	stream.linear.scatter [tilespmem:s1], [sflag:$0x3], $0x80, $0x38;
	[tilespmem:$0x9D00] =	vst v63  }
0x121: {  	s14 =	sadd.s32 $0xC30, s11;
	s1 =	simm.s32 $0x7858  }
0x122: {  	[hbm4b:s14+s3] =	stream.linear.scatter [tilespmem:s1], [sflag:$0x3], $0x80, $0x38;
	[tilespmem:$0x9D00] =	vst v63  }
0x123: {  	s14 =	sadd.s32 $0xC40, s11;
	s1 =	simm.s32 $0x78E0  }
0x124: {  	[hbm4b:s14+s3] =	stream.linear.scatter [tilespmem:s1], [sflag:$0x3], $0x80, $0x38;
	[tilespmem:$0x9D00] =	vst v63  }
0x125: {  	s14 =	sadd.s32 $0xC50, s11;
	s1 =	simm.s32 $0x7968  }
0x126: {  	[hbm4b:s14+s3] =	stream.linear.scatter [tilespmem:s1], [sflag:$0x3], $0x80, $0x38;
	[tilespmem:$0x9D00] =	vst v63  }
0x127: {  	s14 =	sadd.s32 $0xC60, s11;
	s1 =	simm.s32 $0x79F0  }
0x128: {  	[hbm4b:s14+s3] =	stream.linear.scatter [tilespmem:s1], [sflag:$0x3], $0x80, $0x38;
	[tilespmem:$0x9D00] =	vst v63  }
0x129: {  	s10 =	sor.u32 s10, s28;
	s11 =	sadd.s32 $0xC70, s11;
	s14 =	simm.s32 $0x7A78  }
0x12a: {  	[hbm4b:s11+s3] =	stream.linear.scatter [tilespmem:s14], [sflag:$0x3], $0x80, $0x38;
	[tilespmem:$0x9D00] =	vst v63  }
0x12b: {  	s10 =	sshrl.u32 s10, $0x3;
	s11 =	rddreg [dreg:$0x1]  }
0x12c: {  	s10 =	sadd.s32 s11, s10;
	s11 =	simm.s32 $0x6A00  }
0x12d: {  	[hbm4b:s10+s3] =	stream.linear.scatter [tilespmem:s11], [sflag:$0x3], $0x80, $0x38;
	[tilespmem:$0x9D00] =	vst v63  }
0x12e: {  	s1 =	sadd.s32 $0x10, s10  }
0x12f: {  	[hbm4b:s1+s3] =	stream.linear.scatter [tilespmem:s2], [sflag:$0x3], $0x80, $0x38;
	[tilespmem:$0x9D00] =	vst v63  }
0x130: {  	s2 =	sadd.s32 $0x20, s10  }
0x131: {  	[hbm4b:s2+s3] =	stream.linear.scatter [tilespmem:s4], [sflag:$0x3], $0x80, $0x38;
	[tilespmem:$0x9D00] =	vst v63  }
0x132: {  	s4 =	sadd.s32 $0x30, s10  }
0x133: {  	[hbm4b:s4+s3] =	stream.linear.scatter [tilespmem:s5], [sflag:$0x3], $0x80, $0x38;
	[tilespmem:$0x9D00] =	vst v63  }
0x134: {  	s5 =	sadd.s32 $0x40, s10  }
0x135: {  	[hbm4b:s5+s3] =	stream.linear.scatter [tilespmem:s6], [sflag:$0x3], $0x80, $0x38;
	[tilespmem:$0x9D00] =	vst v63  }
0x136: {  	s6 =	sadd.s32 $0x50, s10  }
0x137: {  	[hbm4b:s6+s3] =	stream.linear.scatter [tilespmem:s7], [sflag:$0x3], $0x80, $0x38;
	[tilespmem:$0x9D00] =	vst v63  }
0x138: {  	s7 =	sadd.s32 $0x60, s10  }
0x139: {  	[hbm4b:s7+s3] =	stream.linear.scatter [tilespmem:s8], [sflag:$0x3], $0x80, $0x38;
	[tilespmem:$0x9D00] =	vst v63  }
0x13a: {  	s8 =	sadd.s32 $0x70, s10  }
0x13b: {  	[hbm4b:s8+s3] =	stream.linear.scatter [tilespmem:s9], [sflag:$0x3], $0x80, $0x38;
	[tilespmem:$0x9D00] =	vst v63  }
0x13c: {  	s9 =	sadd.s32 $0x400, s10  }
0x13d: {  	[hbm4b:s9+s3] =	stream.linear.scatter [tilespmem:s12], [sflag:$0x3], $0x80, $0x38;
	[tilespmem:$0x9D00] =	vst v63  }
0x13e: {  	s12 =	sadd.s32 $0x410, s10  }
0x13f: {  	[hbm4b:s12+s3] =	stream.linear.scatter [tilespmem:s13], [sflag:$0x3], $0x80, $0x38;
	[tilespmem:$0x9D00] =	vst v63  }
0x140: {  	s13 =	sadd.s32 $0x420, s10  }
0x141: {  	[hbm4b:s13+s3] =	stream.linear.scatter [tilespmem:s15], [sflag:$0x3], $0x80, $0x38;
	[tilespmem:$0x9D00] =	vst v63  }
0x142: {  	s15 =	sadd.s32 $0x430, s10  }
0x143: {  	[hbm4b:s15+s3] =	stream.linear.scatter [tilespmem:s16], [sflag:$0x3], $0x80, $0x38;
	[tilespmem:$0x9D00] =	vst v63  }
0x144: {  	s16 =	sadd.s32 $0x440, s10  }
0x145: {  	[hbm4b:s16+s3] =	stream.linear.scatter [tilespmem:s18], [sflag:$0x3], $0x80, $0x38;
	[tilespmem:$0x9D00] =	vst v63  }
0x146: {  	s18 =	sadd.s32 $0x450, s10  }
0x147: {  	[hbm4b:s18+s3] =	stream.linear.scatter [tilespmem:s19], [sflag:$0x3], $0x80, $0x38;
	[tilespmem:$0x9D00] =	vst v63  }
0x148: {  	s19 =	sadd.s32 $0x460, s10  }
0x149: {  	[hbm4b:s19+s3] =	stream.linear.scatter [tilespmem:s20], [sflag:$0x3], $0x80, $0x38;
	[tilespmem:$0x9D00] =	vst v63  }
0x14a: {  	s20 =	sadd.s32 $0x470, s10  }
0x14b: {  	[hbm4b:s20+s3] =	stream.linear.scatter [tilespmem:s21], [sflag:$0x3], $0x80, $0x38;
	[tilespmem:$0x9D00] =	vst v63  }
0x14c: {  	s21 =	sadd.s32 $0x800, s10  }
0x14d: {  	[hbm4b:s21+s3] =	stream.linear.scatter [tilespmem:s22], [sflag:$0x3], $0x80, $0x38;
	[tilespmem:$0x9D00] =	vst v63  }
0x14e: {  	s22 =	sadd.s32 $0x810, s10  }
0x14f: {  	[hbm4b:s22+s3] =	stream.linear.scatter [tilespmem:s23], [sflag:$0x3], $0x80, $0x38;
	[tilespmem:$0x9D00] =	vst v63  }
0x150: {  	s23 =	sadd.s32 $0x820, s10  }
0x151: {  	[hbm4b:s23+s3] =	stream.linear.scatter [tilespmem:s24], [sflag:$0x3], $0x80, $0x38;
	[tilespmem:$0x9D00] =	vst v63  }
0x152: {  	s24 =	sadd.s32 $0x830, s10  }
0x153: {  	[hbm4b:s24+s3] =	stream.linear.scatter [tilespmem:s25], [sflag:$0x3], $0x80, $0x38;
	[tilespmem:$0x9D00] =	vst v63  }
0x154: {  	s25 =	sadd.s32 $0x840, s10  }
0x155: {  	[hbm4b:s25+s3] =	stream.linear.scatter [tilespmem:s26], [sflag:$0x3], $0x80, $0x38;
	[tilespmem:$0x9D00] =	vst v63  }
0x156: {  	s26 =	sadd.s32 $0x850, s10  }
0x157: {  	[hbm4b:s26+s3] =	stream.linear.scatter [tilespmem:s29], [sflag:$0x3], $0x80, $0x38;
	[tilespmem:$0x9D00] =	vst v63  }
0x158: {  	s29 =	sadd.s32 $0x860, s10  }
0x159: {  	[hbm4b:s29+s3] =	stream.linear.scatter [tilespmem:s30], [sflag:$0x3], $0x80, $0x38;
	[tilespmem:$0x9D00] =	vst v63  }
0x15a: {  	s1 =	sadd.s32 $0x870, s10  }
0x15b: {  	[hbm4b:s1+s3] =	stream.linear.scatter [tilespmem:s31], [sflag:$0x3], $0x80, $0x38;
	[tilespmem:$0x9D00] =	vst v63  }
0x15c: {  	s2 =	sadd.s32 $0xC00, s10;
	s4 =	simm.s32 $0x76C0  }
0x15d: {  	[hbm4b:s2+s3] =	stream.linear.scatter [tilespmem:s4], [sflag:$0x3], $0x80, $0x38;
	[tilespmem:$0x9D00] =	vst v63  }
0x15e: {  	s5 =	sadd.s32 $0xC10, s10;
	s6 =	simm.s32 $0x7748  }
0x15f: {  	[hbm4b:s5+s3] =	stream.linear.scatter [tilespmem:s6], [sflag:$0x3], $0x80, $0x38;
	[tilespmem:$0x9D00] =	vst v63  }
0x160: {  	s7 =	sadd.s32 $0xC20, s10;
	s8 =	simm.s32 $0x77D0  }
0x161: {  	[hbm4b:s7+s3] =	stream.linear.scatter [tilespmem:s8], [sflag:$0x3], $0x80, $0x38;
	[tilespmem:$0x9D00] =	vst v63  }
0x162: {  	s9 =	sadd.s32 $0xC30, s10;
	s12 =	simm.s32 $0x7858  }
0x163: {  	[hbm4b:s9+s3] =	stream.linear.scatter [tilespmem:s12], [sflag:$0x3], $0x80, $0x38;
	[tilespmem:$0x9D00] =	vst v63  }
0x164: {  	s13 =	sadd.s32 $0xC40, s10;
	s15 =	simm.s32 $0x78E0  }
0x165: {  	[hbm4b:s13+s3] =	stream.linear.scatter [tilespmem:s15], [sflag:$0x3], $0x80, $0x38;
	[tilespmem:$0x9D00] =	vst v63  }
0x166: {  	s16 =	sadd.s32 $0xC50, s10;
	s18 =	simm.s32 $0x7968  }
0x167: {  	[hbm4b:s16+s3] =	stream.linear.scatter [tilespmem:s18], [sflag:$0x3], $0x80, $0x38;
	[tilespmem:$0x9D00] =	vst v63  }
0x168: {  	s19 =	sadd.s32 $0xC60, s10;
	s20 =	simm.s32 $0x79F0  }
0x169: {  	[hbm4b:s19+s3] =	stream.linear.scatter [tilespmem:s20], [sflag:$0x3], $0x80, $0x38;
	[tilespmem:$0x9D00] =	vst v63  }
0x16a: {  	s21 =	simm.s32 $0x2;
	s10 =	sadd.s32 $0xC70, s10  }
0x16b: {  	[hbm4b:s10+s3] =	stream.linear.scatter [tilespmem:s14], [sflag:$0x3], $0x80, $0x38;
	[tilespmem:$0x9D00] =	vst v63  }
0x16c: {  	_ =	swait.ge [sflag:s21], $0x2000  }
0x16d: {  	[sflag:s21] =	ssyncset.done $0x0  }
0x16e: {  	s10 =	simm.s32 @!p0 $0x4;
	[sflag:s21] =	ssyncadd.s32 $0xFFFFE000  }
0x16f: {  	_ =	swait.ge @!p0 [sflag:s10], $0x1000  }
0x170: {  	[sflag:s10] =	ssyncset.done @!p0 $0x0  }
0x171: {  	s22 =	simm.s32 $0x0;
	s23 =	simm.s32 $0x0;
	[sflag:s10] =	ssyncadd.s32 @!p0 $0xFFFFF000  }
0x172: {  	s11 =	sand.u32 $0xFFFFFF80, s22;
	v3 =	vmov s23;
	_ =	swait.ge @!p0 [sflag:s10], $0x1000  }
0x173: {  	s24 =	ssub.s32 $0x0, s11;
	s11 =	ssub.s32 $0xFFFFFFF8, s11;
	v3 =	vmul.u32 $0x1100, v3;
	[sflag:s10] =	ssyncset.done @!p0 $0x0  }
0x174: {  	s28 =	sadd.s32 $0xF, s11;
	[sflag:s10] =	ssyncadd.s32 @!p0 $0xFFFFF000  }
0x175: {  	s25 =	sadd.s32 $0x1, s24;
	v5 =	vmov s28;
	s28 =	sadd.s32 $0xB, s11;
	v3 =	vbroadcast v3, $0x0;
	_ =	swait.ge @!p0 [sflag:s10], $0x1000  }
0x176: {  	s11 =	sadd.s32 $0xC, s11;
	v4 =	vmov s25;
	v7 =	vmov s28;
	v5 =	vshrl.u32 v5, $0x3;
	[sflag:s10] =	ssyncset.done @!p0 $0x0  }
0x177: {  	v8 =	vmov s11;
	s26 =	sadd.s32 $0x2, s24;
	v5 =	vshll.u32 v5, v1;
	v4 =	vshrl.u32 v4, $0x3;
	[sflag:s10] =	ssyncadd.s32 @!p0 $0xFFFFF000  }
0x178: {  	v7 =	vshrl.u32 v7, $0x3;
	v8 =	vshrl.u32 v8, $0x3;
	v6 =	vmov s26;
	_ =	swait.ge @!p0 [sflag:s10], $0x1000  }
0x179: {  	v11 =	vbroadcast v5, $0x0;
	v5 =	vadd.s32 v0, v3;
	v13 =	vshll.u32 v4, v1;
	[sflag:s10] =	ssyncset.done @!p0 $0x0  }
0x17a: {  	v14 =	vshll.u32 v7, v1;
	v16 =	vshll.u32 v8, v1;
	v12 =	vshrl.u32 v6, $0x3;
	s14 =	simm.s32 $0x3980;
	[sflag:s10] =	ssyncadd.s32 @!p0 $0xFFFFF000  }
0x17b: {  	v6 =	vadd.s32 v2, v3;
	v14 =	vbroadcast v14, $0x0;
	v3 =	vadd.s32 v5, v11;
	v15 =	vld [tilespmem:s14+$0x60]  }
0x17c: {  	s28 =	simm.s32 $0x0;
	s29 =	sadd.s32 $0x5, s24;
	s30 =	sadd.s32 $0x6, s24;
	v22 =	vbroadcast v16, $0x0;
	v17 =	vor.u32 $0x7, v3;
	v3 =	vadd.s32 v6, v11;
	v18 =	vld [tilespmem:s14+$0x70]  }
0x17d: {  	v9 =	vmov s29;
	v10 =	vmov s30;
	s31 =	sand.u32 $0x78, s28;
	v19 =	vor.u32 $0x7, v3;
	v3 =	vld [tilespmem:s14+$0xFFFFFF80]  }
0x17e: {  	v12 =	vshll.u32 v12, v1;
	v9 =	vshrl.u32 v9, $0x3;
	v11 =	vmov s31;
	v4 =	vld [tilespmem:s14+$0xFFFFFF90]  }
0x17f: {  	v10 =	vshrl.u32 v10, $0x3;
	v12 =	vbroadcast v12, $0x0;
	v8 =	vshrl.u32 v11, $0x3;
	v7 =	vld [tilespmem:s14+$0xFFFFFFA0]  }
0x180: {  	v11 =	vbroadcast v13, $0x0;
	v13 =	vshll.u32 v10, v1;
	v10 =	vshll.u32 v8, v1;
	v8 =	vld [tilespmem:s14+$0xFFFFFFB0]  }
0x181: {  	v32 =	vadd.s32 v5, v14;
	v33 =	vadd.s32 v6, v14;
	v20 =	vshll.u32 v9, v1;
	v9 =	vld [tilespmem:s14+$0xFFFFFFC0]  }
0x182: {  	v34 =	vadd.s32 v5, v22;
	v35 =	vadd.s32 v6, v22;
	v16 =	vbroadcast v10, $0x0;
	v10 =	vld [tilespmem:s14+$0xFFFFFFD0]  }
0x183: {  	v20 =	vbroadcast v20, $0x0;
	v30 =	vadd.s32 v5, v12;
	v24 =	vbroadcast v13, $0x0;
	v13 =	vld [tilespmem:s14+$0xFFFFFFE0]  }
0x184: {  	v31 =	vadd.s32 v6, v12;
	v21 =	vadd.s32 v5, v11;
	v23 =	vadd.s32 v6, v11;
	v11 =	vld [tilespmem:s14+$0xFFFFFFF0]  }
0x185: {  	v22 =	vor.u32 $0x2, v31;
	v29 =	vadd.s32 v5, v20;
	v28 =	vadd.s32 v6, v20;
	v12 =	vld [tilespmem:s14+$0x0]  }
0x186: {  	v20 =	vor.u32 $0x3, v32;
	v27 =	vadd.s32 v5, v24;
	v25 =	vor.u32 $0x1, v21;
	v14 =	vld [tilespmem:s14+$0x10]  }
0x187: {  	v23 =	vor.u32 $0x1, v23;
	v26 =	vadd.s32 v6, v24;
	v24 =	vor.u32 $0x2, v30;
	[tilespmem:v17+s0+$0x0] =	vst.idx.msk $0xffff, v15;
	v15 =	vld [tilespmem:s14+$0x20]  }
0x188: {  	v21 =	vor.u32 $0x3, v33;
	s10 =	simm.s32 $0x8;
	v17 =	vld [tilespmem:s14+$0x30];
	[tilespmem:v19+s0+$0x0] =	vst.idx.msk $0xffff, v18;
	v19 =	vor.u32 $0x4, v34;
	v18 =	vor.u32 $0x4, v35  }
.LBB2_5:
0x189: {  	s11 =	sand.u32 $0xFFFFFF80, s10;
	v29 =	vor.u32 $0x5, v29;
	v28 =	vor.u32 $0x5, v28;
	v30 =	vld [tilespmem:s14+$0x40];
	v27 =	vor.u32 $0x6, v27;
	s18 =	smov.u32 s28;
	s28 =	sadd.s32 $0x8, s28  }
0x18a: {  	v31 =	vadd.s32 v16, v5;
	v32 =	vadd.s32 v16, v6;
	v26 =	vor.u32 $0x6, v26;
	s29 =	sshrl.u32 s28, $0x7;
	s30 =	ssub.s32 s28, s11;
	s11 =	ssub.s32 s18, s11;
	v33 =	vld [tilespmem:s14+$0x50]  }
0x18b: {  	v5 =	vmov s29;
	s18 =	sadd.s32 $0x1, s30;
	s29 =	sadd.s32 $0x2, s30;
	s31 =	sadd.s32 $0xF, s11;
	[tilespmem:v25+s0+$0x0] =	vst.idx.msk $0xffff, v7  }
0x18c: {  	s13 =	sadd.s32 $0x5, s30;
	v5 =	vmul.u32 $0x1100, v5;
	v6 =	vmov s18;
	s18 =	sadd.s32 $0xB, s11;
	s11 =	sadd.s32 $0xC, s11;
	v7 =	vmov s31;
	[tilespmem:v23+s0+$0x0] =	vst.idx.msk $0xffff, v8  }
0x18d: {  	p0 =	slt.u32 s28, $0xF8;
	s31 =	sand.u32 $0x78, s28;
	v8 =	vmov s29;
	v16 =	vmov s18;
	s18 =	sadd.s32 $0x6, s30;
	v7 =	vshrl.u32 v7, $0x3;
	[tilespmem:v24+s0+$0x0] =	vst.idx.msk $0xffff, v9  }
0x18e: {  	v23 =	vmov s11;
	v9 =	vbroadcast v5, $0x0;
	v5 =	vshll.u32 v7, v1;
	[tilespmem:v22+s0+$0x0] =	vst.idx.msk $0xffff, v10  }
0x18f: {  	v7 =	vmov s13;
	v10 =	vmov s18;
	v22 =	vbroadcast v5, $0x0;
	[tilespmem:v20+s0+$0x0] =	vst.idx.msk $0xffff, v13  }
0x190: {  	v8 =	vshrl.u32 v8, $0x3;
	v13 =	vshrl.u32 v6, $0x3;
	v5 =	vadd.s32 v0, v9;
	[tilespmem:v21+s0+$0x0] =	vst.idx.msk $0xffff, v11  }
0x191: {  	s14 =	sadd.s32 $0x100, s14;
	v6 =	vadd.s32 v2, v9;
	v9 =	vshrl.u32 v16, $0x3;
	v11 =	vadd.s32 v5, v22;
	[tilespmem:v19+s0+$0x0] =	vst.idx.msk $0xffff, v12  }
0x192: {  	v12 =	vshrl.u32 v23, $0x3;
	v19 =	vadd.s32 v6, v22;
	v16 =	vld [tilespmem:s14+$0x60];
	v11 =	vor.u32 $0x7, v11;
	[tilespmem:v18+s0+$0x0] =	vst.idx.msk $0xffff, v14  }
0x193: {  	v7 =	vshrl.u32 v7, $0x3;
	v10 =	vshrl.u32 v10, $0x3;
	v18 =	vor.u32 $0x7, v19;
	v14 =	vld [tilespmem:s14+$0x70];
	[tilespmem:v29+s0+$0x0] =	vst.idx.msk $0xffff, v15  }
0x194: {  	v20 =	vshll.u32 v8, v1;
	v13 =	vshll.u32 v13, v1;
	v15 =	vmov s31;
	v19 =	vld [tilespmem:s14+$0xFFFFFF80];
	[tilespmem:v28+s0+$0x0] =	vst.idx.msk $0xffff, v17  }
0x195: {  	v21 =	vshll.u32 v7, v1;
	v9 =	vshll.u32 v9, v1;
	v12 =	vshll.u32 v12, v1;
	v17 =	vld [tilespmem:s14+$0xFFFFFF90]  }
0x196: {  	v13 =	vbroadcast v13, $0x0;
	v8 =	vshrl.u32 v15, $0x3;
	v15 =	vshll.u32 v10, v1;
	v7 =	vld [tilespmem:s14+$0xFFFFFFA0];
	[tilespmem:v27+s0+$0x0] =	vst.idx.msk $0xffff, v30  }
0x197: {  	v20 =	vbroadcast v20, $0x0;
	v22 =	vbroadcast v9, $0x0;
	v10 =	vshll.u32 v8, v1;
	v8 =	vld [tilespmem:s14+$0xFFFFFFB0];
	[tilespmem:v11+s0+$0x0] =	vst.idx.msk $0xffff, v16  }
0x198: {  	v21 =	vbroadcast v21, $0x0;
	v23 =	vadd.s32 v5, v13;
	v12 =	vbroadcast v12, $0x0;
	v9 =	vld [tilespmem:s14+$0xFFFFFFC0];
	[tilespmem:v18+s0+$0x0] =	vst.idx.msk $0xffff, v14  }
0x199: {  	v15 =	vbroadcast v15, $0x0;
	v16 =	vbroadcast v10, $0x0;
	v14 =	vadd.s32 v6, v13;
	v10 =	vld [tilespmem:s14+$0xFFFFFFD0];
	[tilespmem:v26+s0+$0x0] =	vst.idx.msk $0xffff, v33  }
0x19a: {  	v30 =	vadd.s32 v5, v22;
	v18 =	vadd.s32 v5, v20;
	v20 =	vadd.s32 v6, v20;
	v13 =	vld [tilespmem:s14+$0xFFFFFFE0]  }
.Ltmp1:
0x19b: {  	v34 =	vadd.s32 v5, v12;
	v35 =	vadd.s32 v6, v12;
	v33 =	vadd.s32 v6, v22;
	v11 =	vld [tilespmem:s14+$0xFFFFFFF0];
	(pc) =	sbr.rel @p0 .LBB2_5-.Ltmp1, $4  }
0x19c: {  	v29 =	vadd.s32 v5, v21;
	v28 =	vadd.s32 v6, v21;
	v27 =	vadd.s32 v5, v15;
	v12 =	vld [tilespmem:s14+$0x0]  }
0x19d: {  	v25 =	vor.u32 $0x1, v23;
	v23 =	vor.u32 $0x1, v14;
	v26 =	vadd.s32 v6, v15;
	v14 =	vld [tilespmem:s14+$0x10];
	[tilespmem:v31+s0+$0x0] =	vst.idx.msk $0xffff, v3;
	v3 =	vmovc v19  }
0x19e: {  	v24 =	vor.u32 $0x2, v18;
	v22 =	vor.u32 $0x2, v20;
	v20 =	vor.u32 $0x3, v30;
	v15 =	vld [tilespmem:s14+$0x20];
	[tilespmem:v32+s0+$0x0] =	vst.idx.msk $0xffff, v4;
	v4 =	vmovc v17  }
0x19f: {  	s10 =	sadd.s32 $0x8, s10;
	v18 =	vor.u32 $0x4, v35;
	v21 =	vor.u32 $0x3, v33;
	v19 =	vor.u32 $0x4, v34;
	v17 =	vld [tilespmem:s14+$0x30]  }
0x1a0: {  	_ =	sdelay $0x3  }
0x1a1: {  	[tilespmem:v25+s0+$0x0] =	vst.idx.msk $0xffff, v7  }
0x1a2: {  	[tilespmem:v24+s0+$0x0] =	vst.idx.msk $0xffff, v9  }
0x1a3: {  	[tilespmem:v20+s0+$0x0] =	vst.idx.msk $0xffff, v13  }
0x1a4: {  	v58 =	vor.u32 $0x5, v29;
	[tilespmem:v23+s0+$0x0] =	vst.idx.msk $0xffff, v8  }
0x1a5: {  	v60 =	vld [tilespmem:s14+$0x40];
	v61 =	vor.u32 $0x6, v27;
	[tilespmem:v22+s0+$0x0] =	vst.idx.msk $0xffff, v10  }
0x1a6: {  	v5 =	vadd.s32 v16, v5;
	[tilespmem:v21+s0+$0x0] =	vst.idx.msk $0xffff, v11  }
0x1a7: {  	v59 =	vor.u32 $0x5, v28;
	[tilespmem:v19+s0+$0x0] =	vst.idx.msk $0xffff, v12  }
0x1a8: {  	v62 =	vld [tilespmem:s14+$0x50];
	v63 =	vor.u32 $0x6, v26;
	[tilespmem:v18+s0+$0x0] =	vst.idx.msk $0xffff, v14  }
0x1a9: {  	v6 =	vadd.s32 v16, v6;
	[tilespmem:v58+s0+$0x0] =	vst.idx.msk $0xffff, v15  }
0x1aa: {  	[tilespmem:v61+s0+$0x0] =	vst.idx.msk $0xffff, v60  }
0x1ab: {  	[tilespmem:v5+s0+$0x0] =	vst.idx.msk $0xffff, v3  }
0x1ac: {  	[tilespmem:v59+s0+$0x0] =	vst.idx.msk $0xffff, v17  }
0x1ad: {  	[tilespmem:v63+s0+$0x0] =	vst.idx.msk $0xffff, v62  }
0x1ae: {  	s1 =	rddreg [dreg:$0xc];
	[tilespmem:v6+s0+$0x0] =	vst.idx.msk $0xffff, v4  }
0x1af: {  	p0 =	seq.s32 s1, $0xB;
	s1 =	rddreg [dreg:$0xe]  }
0x1b0: {  	s31 =	rddreg [dreg:$0x9]  }
0x1b1: {  	s2 =	rddreg [dreg:$0xd];
	s10 =	sadd.s32 @!p0 $0x300, s1;
	s11 =	simm.s32 @!p0 $0x100  }
0x1b2: {  	s13 =	simm.s32 @!p0 $0x3900;
	s1 =	rddreg [dreg:$0xa];
	s9 =	sadd.s32 s2, s31  }
0x1b3: {  	[tilespmem:s13], [sflag:$0x2] =	stream.indirect.gather @!p0 [hbm4b:s1+s11], $0x20, s10, s11, $0xb8;
	[tilespmem:$0x9D00] =	vst v63  }
0x1b4: {  	s9 =	sadd.s32 $0x1, s9  }
0x1b5: {  	s2 =	sshll.u32 s9, $0xB;
	s4 =	sshll.u32 s9, $0xE  }
0x1b6: {  	s9 =	sand.u32 $0x1800, s2;
	s10 =	sand.u32 $0x7FFF0000, s4  }
0x1b7: {  	s11 =	sor.u32 s9, s10  }
0x1b8: {  	s1 =	rddreg [dreg:$0x1];
	s11 =	sshrl.u32 s11, $0x3  }
0x1b9: {  	s11 =	sadd.s32 s1, s11  }
0x1ba: {  	[hbm4b:s11+s3] =	stream.linear.scatter [tilespmem:s0], [sflag:$0x4], $0x80, $0x38;
	[tilespmem:$0x9D00] =	vst v63  }
0x1bb: {  	s2 =	simm.s32 $0x7B88;
	s5 =	sadd.s32 $0x10, s11  }
0x1bc: {  	[hbm4b:s5+s3] =	stream.linear.scatter [tilespmem:s2], [sflag:$0x4], $0x80, $0x38;
	[tilespmem:$0x9D00] =	vst v63  }
0x1bd: {  	s4 =	simm.s32 $0x7C10;
	s6 =	sadd.s32 $0x20, s11  }
0x1be: {  	[hbm4b:s6+s3] =	stream.linear.scatter [tilespmem:s4], [sflag:$0x4], $0x80, $0x38;
	[tilespmem:$0x9D00] =	vst v63  }
0x1bf: {  	s7 =	sadd.s32 $0x30, s11;
	s5 =	simm.s32 $0x7C98  }
0x1c0: {  	[hbm4b:s7+s3] =	stream.linear.scatter [tilespmem:s5], [sflag:$0x4], $0x80, $0x38;
	[tilespmem:$0x9D00] =	vst v63  }
0x1c1: {  	s8 =	sadd.s32 $0x40, s11;
	s6 =	simm.s32 $0x7D20  }
0x1c2: {  	[hbm4b:s8+s3] =	stream.linear.scatter [tilespmem:s6], [sflag:$0x4], $0x80, $0x38;
	[tilespmem:$0x9D00] =	vst v63  }
0x1c3: {  	s12 =	sadd.s32 $0x50, s11;
	s7 =	simm.s32 $0x7DA8  }
0x1c4: {  	[hbm4b:s12+s3] =	stream.linear.scatter [tilespmem:s7], [sflag:$0x4], $0x80, $0x38;
	[tilespmem:$0x9D00] =	vst v63  }
0x1c5: {  	s14 =	sadd.s32 $0x60, s11;
	s8 =	simm.s32 $0x7E30  }
0x1c6: {  	[hbm4b:s14+s3] =	stream.linear.scatter [tilespmem:s8], [sflag:$0x4], $0x80, $0x38;
	[tilespmem:$0x9D00] =	vst v63  }
0x1c7: {  	s15 =	sadd.s32 $0x70, s11;
	s12 =	simm.s32 $0x7EB8  }
0x1c8: {  	[hbm4b:s15+s3] =	stream.linear.scatter [tilespmem:s12], [sflag:$0x4], $0x80, $0x38;
	[tilespmem:$0x9D00] =	vst v63  }
0x1c9: {  	s16 =	sadd.s32 $0x400, s11;
	s15 =	simm.s32 $0x7F40  }
0x1ca: {  	[hbm4b:s16+s3] =	stream.linear.scatter [tilespmem:s15], [sflag:$0x4], $0x80, $0x38;
	[tilespmem:$0x9D00] =	vst v63  }
0x1cb: {  	s18 =	sadd.s32 $0x410, s11;
	s16 =	simm.s32 $0x7FC8  }
0x1cc: {  	[hbm4b:s18+s3] =	stream.linear.scatter [tilespmem:s16], [sflag:$0x4], $0x80, $0x38;
	[tilespmem:$0x9D00] =	vst v63  }
0x1cd: {  	s19 =	sadd.s32 $0x420, s11;
	s18 =	simm.s32 $0x8050  }
0x1ce: {  	[hbm4b:s19+s3] =	stream.linear.scatter [tilespmem:s18], [sflag:$0x4], $0x80, $0x38;
	[tilespmem:$0x9D00] =	vst v63  }
0x1cf: {  	s20 =	sadd.s32 $0x430, s11;
	s19 =	simm.s32 $0x80D8  }
0x1d0: {  	[hbm4b:s20+s3] =	stream.linear.scatter [tilespmem:s19], [sflag:$0x4], $0x80, $0x38;
	[tilespmem:$0x9D00] =	vst v63  }
0x1d1: {  	s21 =	sadd.s32 $0x440, s11;
	s20 =	simm.s32 $0x8160  }
0x1d2: {  	[hbm4b:s21+s3] =	stream.linear.scatter [tilespmem:s20], [sflag:$0x4], $0x80, $0x38;
	[tilespmem:$0x9D00] =	vst v63  }
0x1d3: {  	s22 =	sadd.s32 $0x450, s11;
	s21 =	simm.s32 $0x81E8  }
0x1d4: {  	[hbm4b:s22+s3] =	stream.linear.scatter [tilespmem:s21], [sflag:$0x4], $0x80, $0x38;
	[tilespmem:$0x9D00] =	vst v63  }
0x1d5: {  	s23 =	sadd.s32 $0x460, s11;
	s22 =	simm.s32 $0x8270  }
0x1d6: {  	[hbm4b:s23+s3] =	stream.linear.scatter [tilespmem:s22], [sflag:$0x4], $0x80, $0x38;
	[tilespmem:$0x9D00] =	vst v63  }
0x1d7: {  	s24 =	sadd.s32 $0x470, s11;
	s23 =	simm.s32 $0x82F8  }
0x1d8: {  	[hbm4b:s24+s3] =	stream.linear.scatter [tilespmem:s23], [sflag:$0x4], $0x80, $0x38;
	[tilespmem:$0x9D00] =	vst v63  }
0x1d9: {  	s25 =	sadd.s32 $0x800, s11;
	s24 =	simm.s32 $0x8380  }
0x1da: {  	[hbm4b:s25+s3] =	stream.linear.scatter [tilespmem:s24], [sflag:$0x4], $0x80, $0x38;
	[tilespmem:$0x9D00] =	vst v63  }
0x1db: {  	s26 =	sadd.s32 $0x810, s11;
	s25 =	simm.s32 $0x8408  }
0x1dc: {  	[hbm4b:s26+s3] =	stream.linear.scatter [tilespmem:s25], [sflag:$0x4], $0x80, $0x38;
	[tilespmem:$0x9D00] =	vst v63  }
0x1dd: {  	s28 =	sadd.s32 $0x820, s11;
	s26 =	simm.s32 $0x8490  }
0x1de: {  	[hbm4b:s28+s3] =	stream.linear.scatter [tilespmem:s26], [sflag:$0x4], $0x80, $0x38;
	[tilespmem:$0x9D00] =	vst v63  }
0x1df: {  	s29 =	sadd.s32 $0x830, s11;
	s28 =	simm.s32 $0x8518  }
0x1e0: {  	[hbm4b:s29+s3] =	stream.linear.scatter [tilespmem:s28], [sflag:$0x4], $0x80, $0x38;
	[tilespmem:$0x9D00] =	vst v63  }
0x1e1: {  	s30 =	sadd.s32 $0x840, s11;
	s29 =	simm.s32 $0x85A0  }
0x1e2: {  	[hbm4b:s30+s3] =	stream.linear.scatter [tilespmem:s29], [sflag:$0x4], $0x80, $0x38;
	[tilespmem:$0x9D00] =	vst v63  }
0x1e3: {  	s31 =	sadd.s32 $0x850, s11;
	s30 =	simm.s32 $0x8628  }
0x1e4: {  	[hbm4b:s31+s3] =	stream.linear.scatter [tilespmem:s30], [sflag:$0x4], $0x80, $0x38;
	[tilespmem:$0x9D00] =	vst v63  }
0x1e5: {  	s14 =	sadd.s32 $0x860, s11;
	s31 =	simm.s32 $0x86B0  }
0x1e6: {  	[hbm4b:s14+s3] =	stream.linear.scatter [tilespmem:s31], [sflag:$0x4], $0x80, $0x38;
	[tilespmem:$0x9D00] =	vst v63  }
0x1e7: {  	s13 =	sadd.s32 $0x870, s11;
	s14 =	simm.s32 $0x8738  }
0x1e8: {  	[hbm4b:s13+s3] =	stream.linear.scatter [tilespmem:s14], [sflag:$0x4], $0x80, $0x38;
	[tilespmem:$0x9D00] =	vst v63  }
0x1e9: {  	s13 =	sadd.s32 $0xC00, s11;
	s14 =	simm.s32 $0x87C0  }
0x1ea: {  	[hbm4b:s13+s3] =	stream.linear.scatter [tilespmem:s14], [sflag:$0x4], $0x80, $0x38;
	[tilespmem:$0x9D00] =	vst v63  }
0x1eb: {  	s13 =	sadd.s32 $0xC10, s11;
	s14 =	simm.s32 $0x8848  }
0x1ec: {  	[hbm4b:s13+s3] =	stream.linear.scatter [tilespmem:s14], [sflag:$0x4], $0x80, $0x38;
	[tilespmem:$0x9D00] =	vst v63  }
0x1ed: {  	s13 =	sadd.s32 $0xC20, s11;
	s14 =	simm.s32 $0x88D0  }
0x1ee: {  	[hbm4b:s13+s3] =	stream.linear.scatter [tilespmem:s14], [sflag:$0x4], $0x80, $0x38;
	[tilespmem:$0x9D00] =	vst v63  }
0x1ef: {  	s13 =	sadd.s32 $0xC30, s11;
	s14 =	simm.s32 $0x8958  }
0x1f0: {  	[hbm4b:s13+s3] =	stream.linear.scatter [tilespmem:s14], [sflag:$0x4], $0x80, $0x38;
	[tilespmem:$0x9D00] =	vst v63  }
0x1f1: {  	s13 =	sadd.s32 $0xC40, s11;
	s14 =	simm.s32 $0x89E0  }
0x1f2: {  	[hbm4b:s13+s3] =	stream.linear.scatter [tilespmem:s14], [sflag:$0x4], $0x80, $0x38;
	[tilespmem:$0x9D00] =	vst v63  }
0x1f3: {  	s13 =	sadd.s32 $0xC50, s11;
	s14 =	simm.s32 $0x8A68  }
0x1f4: {  	[hbm4b:s13+s3] =	stream.linear.scatter [tilespmem:s14], [sflag:$0x4], $0x80, $0x38;
	[tilespmem:$0x9D00] =	vst v63  }
0x1f5: {  	s13 =	sadd.s32 $0xC60, s11;
	s14 =	simm.s32 $0x8AF0  }
0x1f6: {  	[hbm4b:s13+s3] =	stream.linear.scatter [tilespmem:s14], [sflag:$0x4], $0x80, $0x38;
	[tilespmem:$0x9D00] =	vst v63  }
0x1f7: {  	s11 =	sadd.s32 $0xC70, s11;
	s14 =	simm.s32 $0x8B78  }
0x1f8: {  	[hbm4b:s11+s3] =	stream.linear.scatter [tilespmem:s14], [sflag:$0x4], $0x80, $0x38;
	[tilespmem:$0x9D00] =	vst v63  }
0x1f9: {  	s14 =	sor.u32 $0x8000, s10  }
0x1fa: {  	s13 =	sor.u32 s9, s14  }
0x1fb: {  	s11 =	sshrl.u32 s13, $0x3  }
0x1fc: {  	s11 =	sadd.s32 s1, s11  }
0x1fd: {  	[hbm4b:s11+s3] =	stream.linear.scatter [tilespmem:s0], [sflag:$0x4], $0x80, $0x38;
	[tilespmem:$0x9D00] =	vst v63  }
0x1fe: {  	s13 =	sadd.s32 $0x10, s11  }
0x1ff: {  	[hbm4b:s13+s3] =	stream.linear.scatter [tilespmem:s2], [sflag:$0x4], $0x80, $0x38;
	[tilespmem:$0x9D00] =	vst v63  }
0x200: {  	s2 =	sadd.s32 $0x20, s11  }
0x201: {  	[hbm4b:s2+s3] =	stream.linear.scatter [tilespmem:s4], [sflag:$0x4], $0x80, $0x38;
	[tilespmem:$0x9D00] =	vst v63  }
0x202: {  	s4 =	sadd.s32 $0x30, s11  }
0x203: {  	[hbm4b:s4+s3] =	stream.linear.scatter [tilespmem:s5], [sflag:$0x4], $0x80, $0x38;
	[tilespmem:$0x9D00] =	vst v63  }
0x204: {  	s5 =	sadd.s32 $0x40, s11  }
0x205: {  	[hbm4b:s5+s3] =	stream.linear.scatter [tilespmem:s6], [sflag:$0x4], $0x80, $0x38;
	[tilespmem:$0x9D00] =	vst v63  }
0x206: {  	s6 =	sadd.s32 $0x50, s11  }
0x207: {  	[hbm4b:s6+s3] =	stream.linear.scatter [tilespmem:s7], [sflag:$0x4], $0x80, $0x38;
	[tilespmem:$0x9D00] =	vst v63  }
0x208: {  	s7 =	sadd.s32 $0x60, s11  }
0x209: {  	[hbm4b:s7+s3] =	stream.linear.scatter [tilespmem:s8], [sflag:$0x4], $0x80, $0x38;
	[tilespmem:$0x9D00] =	vst v63  }
0x20a: {  	s8 =	sadd.s32 $0x70, s11  }
0x20b: {  	[hbm4b:s8+s3] =	stream.linear.scatter [tilespmem:s12], [sflag:$0x4], $0x80, $0x38;
	[tilespmem:$0x9D00] =	vst v63  }
0x20c: {  	s12 =	sadd.s32 $0x400, s11  }
0x20d: {  	[hbm4b:s12+s3] =	stream.linear.scatter [tilespmem:s15], [sflag:$0x4], $0x80, $0x38;
	[tilespmem:$0x9D00] =	vst v63  }
0x20e: {  	s15 =	sadd.s32 $0x410, s11  }
0x20f: {  	[hbm4b:s15+s3] =	stream.linear.scatter [tilespmem:s16], [sflag:$0x4], $0x80, $0x38;
	[tilespmem:$0x9D00] =	vst v63  }
0x210: {  	s16 =	sadd.s32 $0x420, s11  }
0x211: {  	[hbm4b:s16+s3] =	stream.linear.scatter [tilespmem:s18], [sflag:$0x4], $0x80, $0x38;
	[tilespmem:$0x9D00] =	vst v63  }
0x212: {  	s18 =	sadd.s32 $0x430, s11  }
0x213: {  	[hbm4b:s18+s3] =	stream.linear.scatter [tilespmem:s19], [sflag:$0x4], $0x80, $0x38;
	[tilespmem:$0x9D00] =	vst v63  }
0x214: {  	s19 =	sadd.s32 $0x440, s11  }
0x215: {  	[hbm4b:s19+s3] =	stream.linear.scatter [tilespmem:s20], [sflag:$0x4], $0x80, $0x38;
	[tilespmem:$0x9D00] =	vst v63  }
0x216: {  	s20 =	sadd.s32 $0x450, s11  }
0x217: {  	[hbm4b:s20+s3] =	stream.linear.scatter [tilespmem:s21], [sflag:$0x4], $0x80, $0x38;
	[tilespmem:$0x9D00] =	vst v63  }
0x218: {  	s21 =	sadd.s32 $0x460, s11  }
0x219: {  	[hbm4b:s21+s3] =	stream.linear.scatter [tilespmem:s22], [sflag:$0x4], $0x80, $0x38;
	[tilespmem:$0x9D00] =	vst v63  }
0x21a: {  	s22 =	sadd.s32 $0x470, s11  }
0x21b: {  	[hbm4b:s22+s3] =	stream.linear.scatter [tilespmem:s23], [sflag:$0x4], $0x80, $0x38;
	[tilespmem:$0x9D00] =	vst v63  }
0x21c: {  	s23 =	sadd.s32 $0x800, s11  }
0x21d: {  	[hbm4b:s23+s3] =	stream.linear.scatter [tilespmem:s24], [sflag:$0x4], $0x80, $0x38;
	[tilespmem:$0x9D00] =	vst v63  }
0x21e: {  	s24 =	sadd.s32 $0x810, s11  }
0x21f: {  	[hbm4b:s24+s3] =	stream.linear.scatter [tilespmem:s25], [sflag:$0x4], $0x80, $0x38;
	[tilespmem:$0x9D00] =	vst v63  }
0x220: {  	s2 =	sadd.s32 $0x820, s11  }
0x221: {  	[hbm4b:s2+s3] =	stream.linear.scatter [tilespmem:s26], [sflag:$0x4], $0x80, $0x38;
	[tilespmem:$0x9D00] =	vst v63  }
0x222: {  	s4 =	sadd.s32 $0x830, s11  }
0x223: {  	[hbm4b:s4+s3] =	stream.linear.scatter [tilespmem:s28], [sflag:$0x4], $0x80, $0x38;
	[tilespmem:$0x9D00] =	vst v63  }
0x224: {  	s5 =	sadd.s32 $0x840, s11  }
0x225: {  	[hbm4b:s5+s3] =	stream.linear.scatter [tilespmem:s29], [sflag:$0x4], $0x80, $0x38;
	[tilespmem:$0x9D00] =	vst v63  }
0x226: {  	s6 =	sadd.s32 $0x850, s11  }
0x227: {  	[hbm4b:s6+s3] =	stream.linear.scatter [tilespmem:s30], [sflag:$0x4], $0x80, $0x38;
	[tilespmem:$0x9D00] =	vst v63  }
0x228: {  	s7 =	sadd.s32 $0x860, s11  }
0x229: {  	[hbm4b:s7+s3] =	stream.linear.scatter [tilespmem:s31], [sflag:$0x4], $0x80, $0x38;
	[tilespmem:$0x9D00] =	vst v63  }
0x22a: {  	s8 =	sadd.s32 $0x870, s11;
	s12 =	simm.s32 $0x8738  }
0x22b: {  	[hbm4b:s8+s3] =	stream.linear.scatter [tilespmem:s12], [sflag:$0x4], $0x80, $0x38;
	[tilespmem:$0x9D00] =	vst v63  }
0x22c: {  	s15 =	sadd.s32 $0xC00, s11;
	s16 =	simm.s32 $0x87C0  }
0x22d: {  	[hbm4b:s15+s3] =	stream.linear.scatter [tilespmem:s16], [sflag:$0x4], $0x80, $0x38;
	[tilespmem:$0x9D00] =	vst v63  }
0x22e: {  	s18 =	sadd.s32 $0xC10, s11;
	s19 =	simm.s32 $0x8848  }
0x22f: {  	[hbm4b:s18+s3] =	stream.linear.scatter [tilespmem:s19], [sflag:$0x4], $0x80, $0x38;
	[tilespmem:$0x9D00] =	vst v63  }
0x230: {  	s20 =	sadd.s32 $0xC20, s11;
	s21 =	simm.s32 $0x88D0  }
0x231: {  	[hbm4b:s20+s3] =	stream.linear.scatter [tilespmem:s21], [sflag:$0x4], $0x80, $0x38;
	[tilespmem:$0x9D00] =	vst v63  }
0x232: {  	s22 =	sadd.s32 $0xC30, s11;
	s23 =	simm.s32 $0x8958  }
0x233: {  	[hbm4b:s22+s3] =	stream.linear.scatter [tilespmem:s23], [sflag:$0x4], $0x80, $0x38;
	[tilespmem:$0x9D00] =	vst v63  }
0x234: {  	s24 =	sadd.s32 $0xC40, s11;
	s25 =	simm.s32 $0x89E0  }
0x235: {  	[hbm4b:s24+s3] =	stream.linear.scatter [tilespmem:s25], [sflag:$0x4], $0x80, $0x38;
	[tilespmem:$0x9D00] =	vst v63  }
0x236: {  	s9 =	sor.u32 $0x400, s9;
	s26 =	sadd.s32 $0xC50, s11;
	s28 =	simm.s32 $0x8A68  }
0x237: {  	[hbm4b:s26+s3] =	stream.linear.scatter [tilespmem:s28], [sflag:$0x4], $0x80, $0x38;
	[tilespmem:$0x9D00] =	vst v63  }
0x238: {  	s10 =	sor.u32 s10, s9;
	s29 =	sadd.s32 $0xC60, s11;
	s30 =	simm.s32 $0x8AF0  }
0x239: {  	[hbm4b:s29+s3] =	stream.linear.scatter [tilespmem:s30], [sflag:$0x4], $0x80, $0x38;
	[tilespmem:$0x9D00] =	vst v63  }
0x23a: {  	s10 =	sshrl.u32 s10, $0x3;
	s11 =	sadd.s32 $0xC70, s11;
	s31 =	simm.s32 $0x8B78  }
0x23b: {  	[hbm4b:s11+s3] =	stream.linear.scatter [tilespmem:s31], [sflag:$0x4], $0x80, $0x38;
	[tilespmem:$0x9D00] =	vst v63  }
0x23c: {  	s10 =	sadd.s32 s1, s10;
	s2 =	simm.s32 $0x8C00  }
0x23d: {  	[hbm4b:s10+s3] =	stream.linear.scatter [tilespmem:s2], [sflag:$0x4], $0x80, $0x38;
	[tilespmem:$0x9D00] =	vst v63  }
0x23e: {  	s4 =	sadd.s32 $0x10, s10;
	s2 =	simm.s32 $0x8C88  }
0x23f: {  	[hbm4b:s4+s3] =	stream.linear.scatter [tilespmem:s2], [sflag:$0x4], $0x80, $0x38;
	[tilespmem:$0x9D00] =	vst v63  }
0x240: {  	s5 =	sadd.s32 $0x20, s10;
	s4 =	simm.s32 $0x8D10  }
0x241: {  	[hbm4b:s5+s3] =	stream.linear.scatter [tilespmem:s4], [sflag:$0x4], $0x80, $0x38;
	[tilespmem:$0x9D00] =	vst v63  }
0x242: {  	s6 =	sadd.s32 $0x30, s10;
	s5 =	simm.s32 $0x8D98  }
0x243: {  	[hbm4b:s6+s3] =	stream.linear.scatter [tilespmem:s5], [sflag:$0x4], $0x80, $0x38;
	[tilespmem:$0x9D00] =	vst v63  }
0x244: {  	s7 =	sadd.s32 $0x40, s10;
	s6 =	simm.s32 $0x8E20  }
0x245: {  	[hbm4b:s7+s3] =	stream.linear.scatter [tilespmem:s6], [sflag:$0x4], $0x80, $0x38;
	[tilespmem:$0x9D00] =	vst v63  }
0x246: {  	s8 =	sadd.s32 $0x50, s10;
	s7 =	simm.s32 $0x8EA8  }
0x247: {  	[hbm4b:s8+s3] =	stream.linear.scatter [tilespmem:s7], [sflag:$0x4], $0x80, $0x38;
	[tilespmem:$0x9D00] =	vst v63  }
0x248: {  	s12 =	sadd.s32 $0x60, s10;
	s8 =	simm.s32 $0x8F30  }
0x249: {  	[hbm4b:s12+s3] =	stream.linear.scatter [tilespmem:s8], [sflag:$0x4], $0x80, $0x38;
	[tilespmem:$0x9D00] =	vst v63  }
0x24a: {  	s13 =	sadd.s32 $0x70, s10;
	s12 =	simm.s32 $0x8FB8  }
0x24b: {  	[hbm4b:s13+s3] =	stream.linear.scatter [tilespmem:s12], [sflag:$0x4], $0x80, $0x38;
	[tilespmem:$0x9D00] =	vst v63  }
0x24c: {  	s15 =	sadd.s32 $0x400, s10;
	s13 =	simm.s32 $0x9040  }
0x24d: {  	[hbm4b:s15+s3] =	stream.linear.scatter [tilespmem:s13], [sflag:$0x4], $0x80, $0x38;
	[tilespmem:$0x9D00] =	vst v63  }
0x24e: {  	s16 =	sadd.s32 $0x410, s10;
	s15 =	simm.s32 $0x90C8  }
0x24f: {  	[hbm4b:s16+s3] =	stream.linear.scatter [tilespmem:s15], [sflag:$0x4], $0x80, $0x38;
	[tilespmem:$0x9D00] =	vst v63  }
0x250: {  	s18 =	sadd.s32 $0x420, s10;
	s16 =	simm.s32 $0x9150  }
0x251: {  	[hbm4b:s18+s3] =	stream.linear.scatter [tilespmem:s16], [sflag:$0x4], $0x80, $0x38;
	[tilespmem:$0x9D00] =	vst v63  }
0x252: {  	s19 =	sadd.s32 $0x430, s10;
	s18 =	simm.s32 $0x91D8  }
0x253: {  	[hbm4b:s19+s3] =	stream.linear.scatter [tilespmem:s18], [sflag:$0x4], $0x80, $0x38;
	[tilespmem:$0x9D00] =	vst v63  }
0x254: {  	s20 =	sadd.s32 $0x440, s10;
	s19 =	simm.s32 $0x9260  }
0x255: {  	[hbm4b:s20+s3] =	stream.linear.scatter [tilespmem:s19], [sflag:$0x4], $0x80, $0x38;
	[tilespmem:$0x9D00] =	vst v63  }
0x256: {  	s21 =	sadd.s32 $0x450, s10;
	s20 =	simm.s32 $0x92E8  }
0x257: {  	[hbm4b:s21+s3] =	stream.linear.scatter [tilespmem:s20], [sflag:$0x4], $0x80, $0x38;
	[tilespmem:$0x9D00] =	vst v63  }
0x258: {  	s22 =	sadd.s32 $0x460, s10;
	s21 =	simm.s32 $0x9370  }
0x259: {  	[hbm4b:s22+s3] =	stream.linear.scatter [tilespmem:s21], [sflag:$0x4], $0x80, $0x38;
	[tilespmem:$0x9D00] =	vst v63  }
0x25a: {  	s23 =	sadd.s32 $0x470, s10;
	s22 =	simm.s32 $0x93F8  }
0x25b: {  	[hbm4b:s23+s3] =	stream.linear.scatter [tilespmem:s22], [sflag:$0x4], $0x80, $0x38;
	[tilespmem:$0x9D00] =	vst v63  }
0x25c: {  	s24 =	sadd.s32 $0x800, s10;
	s23 =	simm.s32 $0x9480  }
0x25d: {  	[hbm4b:s24+s3] =	stream.linear.scatter [tilespmem:s23], [sflag:$0x4], $0x80, $0x38;
	[tilespmem:$0x9D00] =	vst v63  }
0x25e: {  	s25 =	sadd.s32 $0x810, s10;
	s24 =	simm.s32 $0x9508  }
0x25f: {  	[hbm4b:s25+s3] =	stream.linear.scatter [tilespmem:s24], [sflag:$0x4], $0x80, $0x38;
	[tilespmem:$0x9D00] =	vst v63  }
0x260: {  	s26 =	sadd.s32 $0x820, s10;
	s25 =	simm.s32 $0x9590  }
0x261: {  	[hbm4b:s26+s3] =	stream.linear.scatter [tilespmem:s25], [sflag:$0x4], $0x80, $0x38;
	[tilespmem:$0x9D00] =	vst v63  }
0x262: {  	s28 =	sadd.s32 $0x830, s10;
	s26 =	simm.s32 $0x9618  }
0x263: {  	[hbm4b:s28+s3] =	stream.linear.scatter [tilespmem:s26], [sflag:$0x4], $0x80, $0x38;
	[tilespmem:$0x9D00] =	vst v63  }
0x264: {  	s29 =	sadd.s32 $0x840, s10;
	s28 =	simm.s32 $0x96A0  }
0x265: {  	[hbm4b:s29+s3] =	stream.linear.scatter [tilespmem:s28], [sflag:$0x4], $0x80, $0x38;
	[tilespmem:$0x9D00] =	vst v63  }
0x266: {  	s30 =	sadd.s32 $0x850, s10;
	s29 =	simm.s32 $0x9728  }
0x267: {  	[hbm4b:s30+s3] =	stream.linear.scatter [tilespmem:s29], [sflag:$0x4], $0x80, $0x38;
	[tilespmem:$0x9D00] =	vst v63  }
0x268: {  	s31 =	sadd.s32 $0x860, s10;
	s30 =	simm.s32 $0x97B0  }
0x269: {  	[hbm4b:s31+s3] =	stream.linear.scatter [tilespmem:s30], [sflag:$0x4], $0x80, $0x38;
	[tilespmem:$0x9D00] =	vst v63  }
0x26a: {  	s1 =	sadd.s32 $0x870, s10;
	s31 =	simm.s32 $0x9838  }
0x26b: {  	[hbm4b:s1+s3] =	stream.linear.scatter [tilespmem:s31], [sflag:$0x4], $0x80, $0x38;
	[tilespmem:$0x9D00] =	vst v63  }
0x26c: {  	s11 =	sadd.s32 $0xC00, s10;
	s1 =	simm.s32 $0x98C0  }
0x26d: {  	[hbm4b:s11+s3] =	stream.linear.scatter [tilespmem:s1], [sflag:$0x4], $0x80, $0x38;
	[tilespmem:$0x9D00] =	vst v63  }
0x26e: {  	s11 =	sadd.s32 $0xC10, s10;
	s1 =	simm.s32 $0x9948  }
0x26f: {  	[hbm4b:s11+s3] =	stream.linear.scatter [tilespmem:s1], [sflag:$0x4], $0x80, $0x38;
	[tilespmem:$0x9D00] =	vst v63  }
0x270: {  	s11 =	sadd.s32 $0xC20, s10;
	s1 =	simm.s32 $0x99D0  }
0x271: {  	[hbm4b:s11+s3] =	stream.linear.scatter [tilespmem:s1], [sflag:$0x4], $0x80, $0x38;
	[tilespmem:$0x9D00] =	vst v63  }
0x272: {  	s11 =	sadd.s32 $0xC30, s10;
	s1 =	simm.s32 $0x9A58  }
0x273: {  	[hbm4b:s11+s3] =	stream.linear.scatter [tilespmem:s1], [sflag:$0x4], $0x80, $0x38;
	[tilespmem:$0x9D00] =	vst v63  }
0x274: {  	s11 =	sadd.s32 $0xC40, s10;
	s1 =	simm.s32 $0x9AE0  }
0x275: {  	[hbm4b:s11+s3] =	stream.linear.scatter [tilespmem:s1], [sflag:$0x4], $0x80, $0x38;
	[tilespmem:$0x9D00] =	vst v63  }
0x276: {  	s9 =	sor.u32 s9, s14;
	s11 =	sadd.s32 $0xC50, s10;
	s1 =	simm.s32 $0x9B68  }
0x277: {  	[hbm4b:s11+s3] =	stream.linear.scatter [tilespmem:s1], [sflag:$0x4], $0x80, $0x38;
	[tilespmem:$0x9D00] =	vst v63  }
0x278: {  	s14 =	rddreg [dreg:$0x1];
	s11 =	sadd.s32 $0xC60, s10;
	s1 =	simm.s32 $0x9BF0  }
0x279: {  	[hbm4b:s11+s3] =	stream.linear.scatter [tilespmem:s1], [sflag:$0x4], $0x80, $0x38;
	[tilespmem:$0x9D00] =	vst v63  }
0x27a: {  	s9 =	sshrl.u32 s9, $0x3;
	s10 =	sadd.s32 $0xC70, s10;
	s11 =	simm.s32 $0x9C78  }
0x27b: {  	[hbm4b:s10+s3] =	stream.linear.scatter [tilespmem:s11], [sflag:$0x4], $0x80, $0x38;
	[tilespmem:$0x9D00] =	vst v63  }
0x27c: {  	s9 =	sadd.s32 s14, s9;
	s10 =	simm.s32 $0x8C00  }
0x27d: {  	[hbm4b:s9+s3] =	stream.linear.scatter [tilespmem:s10], [sflag:$0x4], $0x80, $0x38;
	[tilespmem:$0x9D00] =	vst v63  }
0x27e: {  	s14 =	sadd.s32 $0x10, s9  }
0x27f: {  	[hbm4b:s14+s3] =	stream.linear.scatter [tilespmem:s2], [sflag:$0x4], $0x80, $0x38;
	[tilespmem:$0x9D00] =	vst v63  }
0x280: {  	s2 =	sadd.s32 $0x20, s9  }
0x281: {  	[hbm4b:s2+s3] =	stream.linear.scatter [tilespmem:s4], [sflag:$0x4], $0x80, $0x38;
	[tilespmem:$0x9D00] =	vst v63  }
0x282: {  	s4 =	sadd.s32 $0x30, s9  }
0x283: {  	[hbm4b:s4+s3] =	stream.linear.scatter [tilespmem:s5], [sflag:$0x4], $0x80, $0x38;
	[tilespmem:$0x9D00] =	vst v63  }
0x284: {  	s5 =	sadd.s32 $0x40, s9  }
0x285: {  	[hbm4b:s5+s3] =	stream.linear.scatter [tilespmem:s6], [sflag:$0x4], $0x80, $0x38;
	[tilespmem:$0x9D00] =	vst v63  }
0x286: {  	s6 =	sadd.s32 $0x50, s9  }
0x287: {  	[hbm4b:s6+s3] =	stream.linear.scatter [tilespmem:s7], [sflag:$0x4], $0x80, $0x38;
	[tilespmem:$0x9D00] =	vst v63  }
0x288: {  	s7 =	sadd.s32 $0x60, s9  }
0x289: {  	[hbm4b:s7+s3] =	stream.linear.scatter [tilespmem:s8], [sflag:$0x4], $0x80, $0x38;
	[tilespmem:$0x9D00] =	vst v63  }
0x28a: {  	s8 =	sadd.s32 $0x70, s9  }
0x28b: {  	[hbm4b:s8+s3] =	stream.linear.scatter [tilespmem:s12], [sflag:$0x4], $0x80, $0x38;
	[tilespmem:$0x9D00] =	vst v63  }
0x28c: {  	s12 =	sadd.s32 $0x400, s9  }
0x28d: {  	[hbm4b:s12+s3] =	stream.linear.scatter [tilespmem:s13], [sflag:$0x4], $0x80, $0x38;
	[tilespmem:$0x9D00] =	vst v63  }
0x28e: {  	s14 =	sadd.s32 $0x410, s9  }
0x28f: {  	[hbm4b:s14+s3] =	stream.linear.scatter [tilespmem:s15], [sflag:$0x4], $0x80, $0x38;
	[tilespmem:$0x9D00] =	vst v63  }
0x290: {  	s15 =	sadd.s32 $0x420, s9  }
0x291: {  	[hbm4b:s15+s3] =	stream.linear.scatter [tilespmem:s16], [sflag:$0x4], $0x80, $0x38;
	[tilespmem:$0x9D00] =	vst v63  }
0x292: {  	s16 =	sadd.s32 $0x430, s9  }
0x293: {  	[hbm4b:s16+s3] =	stream.linear.scatter [tilespmem:s18], [sflag:$0x4], $0x80, $0x38;
	[tilespmem:$0x9D00] =	vst v63  }
0x294: {  	s18 =	sadd.s32 $0x440, s9  }
0x295: {  	[hbm4b:s18+s3] =	stream.linear.scatter [tilespmem:s19], [sflag:$0x4], $0x80, $0x38;
	[tilespmem:$0x9D00] =	vst v63  }
0x296: {  	s19 =	sadd.s32 $0x450, s9  }
0x297: {  	[hbm4b:s19+s3] =	stream.linear.scatter [tilespmem:s20], [sflag:$0x4], $0x80, $0x38;
	[tilespmem:$0x9D00] =	vst v63  }
0x298: {  	s2 =	sadd.s32 $0x460, s9  }
0x299: {  	[hbm4b:s2+s3] =	stream.linear.scatter [tilespmem:s21], [sflag:$0x4], $0x80, $0x38;
	[tilespmem:$0x9D00] =	vst v63  }
0x29a: {  	s4 =	sadd.s32 $0x470, s9  }
0x29b: {  	[hbm4b:s4+s3] =	stream.linear.scatter [tilespmem:s22], [sflag:$0x4], $0x80, $0x38;
	[tilespmem:$0x9D00] =	vst v63  }
0x29c: {  	s5 =	sadd.s32 $0x800, s9  }
0x29d: {  	[hbm4b:s5+s3] =	stream.linear.scatter [tilespmem:s23], [sflag:$0x4], $0x80, $0x38;
	[tilespmem:$0x9D00] =	vst v63  }
0x29e: {  	s6 =	sadd.s32 $0x810, s9  }
0x29f: {  	[hbm4b:s6+s3] =	stream.linear.scatter [tilespmem:s24], [sflag:$0x4], $0x80, $0x38;
	[tilespmem:$0x9D00] =	vst v63  }
0x2a0: {  	s7 =	sadd.s32 $0x820, s9  }
0x2a1: {  	[hbm4b:s7+s3] =	stream.linear.scatter [tilespmem:s25], [sflag:$0x4], $0x80, $0x38;
	[tilespmem:$0x9D00] =	vst v63  }
0x2a2: {  	s8 =	sadd.s32 $0x830, s9  }
0x2a3: {  	[hbm4b:s8+s3] =	stream.linear.scatter [tilespmem:s26], [sflag:$0x4], $0x80, $0x38;
	[tilespmem:$0x9D00] =	vst v63  }
0x2a4: {  	s12 =	sadd.s32 $0x840, s9  }
0x2a5: {  	[hbm4b:s12+s3] =	stream.linear.scatter [tilespmem:s28], [sflag:$0x4], $0x80, $0x38;
	[tilespmem:$0x9D00] =	vst v63  }
0x2a6: {  	s13 =	sadd.s32 $0x850, s9  }
0x2a7: {  	[hbm4b:s13+s3] =	stream.linear.scatter [tilespmem:s29], [sflag:$0x4], $0x80, $0x38;
	[tilespmem:$0x9D00] =	vst v63  }
0x2a8: {  	s14 =	sadd.s32 $0x860, s9  }
0x2a9: {  	[hbm4b:s14+s3] =	stream.linear.scatter [tilespmem:s30], [sflag:$0x4], $0x80, $0x38;
	[tilespmem:$0x9D00] =	vst v63  }
0x2aa: {  	s15 =	sadd.s32 $0x870, s9  }
0x2ab: {  	[hbm4b:s15+s3] =	stream.linear.scatter [tilespmem:s31], [sflag:$0x4], $0x80, $0x38;
	[tilespmem:$0x9D00] =	vst v63  }
0x2ac: {  	s16 =	sadd.s32 $0xC00, s9;
	s18 =	simm.s32 $0x98C0  }
0x2ad: {  	[hbm4b:s16+s3] =	stream.linear.scatter [tilespmem:s18], [sflag:$0x4], $0x80, $0x38;
	[tilespmem:$0x9D00] =	vst v63  }
0x2ae: {  	s19 =	sadd.s32 $0xC10, s9;
	s20 =	simm.s32 $0x9948  }
0x2af: {  	[hbm4b:s19+s3] =	stream.linear.scatter [tilespmem:s20], [sflag:$0x4], $0x80, $0x38;
	[tilespmem:$0x9D00] =	vst v63  }
0x2b0: {  	s21 =	sadd.s32 $0xC20, s9;
	s22 =	simm.s32 $0x99D0  }
0x2b1: {  	[hbm4b:s21+s3] =	stream.linear.scatter [tilespmem:s22], [sflag:$0x4], $0x80, $0x38;
	[tilespmem:$0x9D00] =	vst v63  }
0x2b2: {  	s1 =	rddreg [dreg:$0xc];
	s23 =	sadd.s32 $0xC30, s9;
	s24 =	simm.s32 $0x9A58  }
0x2b3: {  	[hbm4b:s23+s3] =	stream.linear.scatter [tilespmem:s24], [sflag:$0x4], $0x80, $0x38;
	[tilespmem:$0x9D00] =	vst v63  }
0x2b4: {  	s1 =	sadd.s32 $0x1, s1;
	s25 =	sadd.s32 $0xC40, s9;
	s26 =	simm.s32 $0x9AE0  }
0x2b5: {  	[hbm4b:s25+s3] =	stream.linear.scatter [tilespmem:s26], [sflag:$0x4], $0x80, $0x38;
	[tilespmem:$0x9D00] =	vst v63  }
0x2b6: {  	p0 =	sne.s32 s1, $0xC;
	s28 =	sadd.s32 $0xC50, s9;
	s29 =	simm.s32 $0x9B68  }
0x2b7: {  	[hbm4b:s28+s3] =	stream.linear.scatter [tilespmem:s29], [sflag:$0x4], $0x80, $0x38;
	[tilespmem:$0x9D00] =	vst v63  }
.Ltmp2:
0x2b8: {  	_ = 	snop;
	(pc) =	sbr.rel @p0 .LBB2_2-.Ltmp2, $4  }
0x2b9: {  	s30 =	sadd.s32 $0xC60, s9;
	s31 =	simm.s32 $0x9BF0  }
0x2ba: {  	[hbm4b:s30+s3] =	stream.linear.scatter [tilespmem:s31], [sflag:$0x4], $0x80, $0x38;
	[tilespmem:$0x9D00] =	vst v63  }
0x2bb: {  	s9 =	sadd.s32 $0xC70, s9  }
0x2bc: {  	[hbm4b:s9+s3] =	stream.linear.scatter [tilespmem:s11], [sflag:$0x4], $0x80, $0x38;
	[tilespmem:$0x9D00] =	vst v63  }
0x2bd: {  	s6 =	simm.s32 $0x1  }
0x2be: {  	_ =	swait.ge [sflag:s6], $0x2000  }
0x2bf: {  	[sflag:s6] =	ssyncset.done $0x0  }
0x2c0: {  	s1 =	simm.s32 $0x3;
	[sflag:s6] =	ssyncadd.s32 $0xFFFFE000  }
0x2c1: {  	_ =	swait.ge [sflag:s1], $0x1000  }
0x2c2: {  	[sflag:s1] =	ssyncset.done $0x0  }
0x2c3: {  	s9 =	simm.s32 $0x0;
	[sflag:s1] =	ssyncadd.s32 $0xFFFFF000  }
0x2c4: {  	s10 =	simm.s32 $0x0;
	s9 =	sand.u32 $0xFFFFFF80, s9;
	_ =	swait.ge [sflag:s1], $0x1000  }
0x2c5: {  	v3 =	vmov s10;
	s11 =	ssub.s32 $0x0, s9;
	s9 =	ssub.s32 $0xFFFFFFF8, s9;
	[sflag:s1] =	ssyncset.done $0x0  }
0x2c6: {  	v3 =	vmul.u32 $0x1100, v3;
	s28 =	sadd.s32 $0x1, s11;
	s13 =	sadd.s32 $0xF, s9;
	[sflag:s1] =	ssyncadd.s32 $0xFFFFF000  }
0x2c7: {  	s14 =	sadd.s32 $0x2, s11;
	s29 =	sadd.s32 $0xB, s9;
	v4 =	vmov s28;
	v5 =	vmov s13;
	_ =	swait.ge [sflag:s1], $0x1000  }
0x2c8: {  	s9 =	sadd.s32 $0xC, s9;
	s30 =	sadd.s32 $0x5, s11;
	v6 =	vmov s14;
	v7 =	vmov s29;
	v3 =	vbroadcast v3, $0x0;
	[sflag:s1] =	ssyncset.done $0x0  }
0x2c9: {  	s11 =	sadd.s32 $0x6, s11;
	v8 =	vmov s9;
	v9 =	vmov s30;
	v5 =	vshrl.u32 v5, $0x3;
	[sflag:s1] =	ssyncadd.s32 $0xFFFFF000  }
0x2ca: {  	v10 =	vmov s11;
	v4 =	vshrl.u32 v4, $0x3;
	v5 =	vshll.u32 v5, v1;
	_ =	swait.ge [sflag:s1], $0x1000  }
0x2cb: {  	v12 =	vshrl.u32 v6, $0x3;
	v7 =	vshrl.u32 v7, $0x3;
	v11 =	vbroadcast v5, $0x0;
	[sflag:s1] =	ssyncset.done $0x0  }
0x2cc: {  	s9 =	simm.s32 $0x1980;
	v8 =	vshrl.u32 v8, $0x3;
	v9 =	vshrl.u32 v9, $0x3;
	v5 =	vadd.s32 v0, v3;
	[sflag:s1] =	ssyncadd.s32 $0xFFFFF000  }
0x2cd: {  	v10 =	vshrl.u32 v10, $0x3;
	v6 =	vadd.s32 v2, v3;
	v3 =	vadd.s32 v5, v11;
	v15 =	vld [tilespmem:s9+$0x60]  }
0x2ce: {  	s14 =	simm.s32 $0x0;
	v13 =	vshll.u32 v4, v1;
	v17 =	vor.u32 $0x7, v3;
	v3 =	vadd.s32 v6, v11;
	v18 =	vld [tilespmem:s9+$0x70]  }
0x2cf: {  	s31 =	sand.u32 $0x78, s14;
	v12 =	vshll.u32 v12, v1;
	v14 =	vshll.u32 v7, v1;
	v19 =	vor.u32 $0x7, v3;
	v3 =	vld [tilespmem:s9+$0xFFFFFF80]  }
0x2d0: {  	v16 =	vshll.u32 v8, v1;
	v20 =	vshll.u32 v9, v1;
	v11 =	vmov s31;
	v4 =	vld [tilespmem:s9+$0xFFFFFF90]  }
0x2d1: {  	v12 =	vbroadcast v12, $0x0;
	v14 =	vbroadcast v14, $0x0;
	v8 =	vshrl.u32 v11, $0x3;
	v7 =	vld [tilespmem:s9+$0xFFFFFFA0]  }
0x2d2: {  	v11 =	vbroadcast v13, $0x0;
	v13 =	vshll.u32 v10, v1;
	v10 =	vshll.u32 v8, v1;
	v8 =	vld [tilespmem:s9+$0xFFFFFFB0]  }
0x2d3: {  	v22 =	vbroadcast v16, $0x0;
	v20 =	vbroadcast v20, $0x0;
	v30 =	vadd.s32 v5, v12;
	v9 =	vld [tilespmem:s9+$0xFFFFFFC0]  }
0x2d4: {  	v31 =	vadd.s32 v6, v12;
	v32 =	vadd.s32 v5, v14;
	v16 =	vbroadcast v10, $0x0;
	v10 =	vld [tilespmem:s9+$0xFFFFFFD0]  }
0x2d5: {  	v33 =	vadd.s32 v6, v14;
	v34 =	vadd.s32 v5, v22;
	v24 =	vbroadcast v13, $0x0;
	v13 =	vld [tilespmem:s9+$0xFFFFFFE0]  }
0x2d6: {  	v35 =	vadd.s32 v6, v22;
	v21 =	vadd.s32 v5, v11;
	v23 =	vadd.s32 v6, v11;
	v11 =	vld [tilespmem:s9+$0xFFFFFFF0]  }
0x2d7: {  	v29 =	vadd.s32 v5, v20;
	v28 =	vadd.s32 v6, v20;
	v22 =	vor.u32 $0x2, v31;
	v12 =	vld [tilespmem:s9+$0x0]  }
0x2d8: {  	v20 =	vor.u32 $0x3, v32;
	v27 =	vadd.s32 v5, v24;
	v25 =	vor.u32 $0x1, v21;
	v14 =	vld [tilespmem:s9+$0x10]  }
0x2d9: {  	v23 =	vor.u32 $0x1, v23;
	v26 =	vadd.s32 v6, v24;
	v24 =	vor.u32 $0x2, v30;
	[tilespmem:v17+s17+$0x0] =	vst.idx.msk $0xffff, v15;
	v15 =	vld [tilespmem:s9+$0x20]  }
0x2da: {  	s10 =	simm.s32 $0x8;
	v21 =	vor.u32 $0x3, v33;
	v17 =	vld [tilespmem:s9+$0x30];
	[tilespmem:v19+s17+$0x0] =	vst.idx.msk $0xffff, v18;
	v19 =	vor.u32 $0x4, v34;
	v18 =	vor.u32 $0x4, v35  }
.LBB2_8:
0x2db: {  	s11 =	sand.u32 $0xFFFFFF80, s10;
	v29 =	vor.u32 $0x5, v29;
	v28 =	vor.u32 $0x5, v28;
	v30 =	vld [tilespmem:s9+$0x40];
	v27 =	vor.u32 $0x6, v27;
	s13 =	smov.u32 s14;
	s14 =	sadd.s32 $0x8, s14  }
0x2dc: {  	v31 =	vadd.s32 v16, v5;
	v32 =	vadd.s32 v16, v6;
	v26 =	vor.u32 $0x6, v26;
	s18 =	sshrl.u32 s14, $0x7;
	s25 =	ssub.s32 s14, s11;
	s11 =	ssub.s32 s13, s11;
	v33 =	vld [tilespmem:s9+$0x50]  }
0x2dd: {  	v5 =	vmov s18;
	s13 =	sadd.s32 $0x1, s25;
	s18 =	sadd.s32 $0x2, s25;
	s26 =	sadd.s32 $0xF, s11;
	[tilespmem:v25+s17+$0x0] =	vst.idx.msk $0xffff, v7  }
0x2de: {  	s28 =	sadd.s32 $0x5, s25;
	v5 =	vmul.u32 $0x1100, v5;
	v6 =	vmov s13;
	s13 =	sadd.s32 $0xB, s11;
	s11 =	sadd.s32 $0xC, s11;
	v7 =	vmov s26;
	[tilespmem:v23+s17+$0x0] =	vst.idx.msk $0xffff, v8  }
0x2df: {  	p0 =	slt.u32 s14, $0xF8;
	s26 =	sand.u32 $0x78, s14;
	v8 =	vmov s18;
	v16 =	vmov s13;
	s13 =	sadd.s32 $0x6, s25;
	v7 =	vshrl.u32 v7, $0x3;
	[tilespmem:v24+s17+$0x0] =	vst.idx.msk $0xffff, v9  }
0x2e0: {  	v23 =	vmov s11;
	v9 =	vbroadcast v5, $0x0;
	v5 =	vshll.u32 v7, v1;
	[tilespmem:v22+s17+$0x0] =	vst.idx.msk $0xffff, v10  }
0x2e1: {  	v7 =	vmov s28;
	v10 =	vmov s13;
	v22 =	vbroadcast v5, $0x0;
	[tilespmem:v20+s17+$0x0] =	vst.idx.msk $0xffff, v13  }
0x2e2: {  	v8 =	vshrl.u32 v8, $0x3;
	v13 =	vshrl.u32 v6, $0x3;
	v5 =	vadd.s32 v0, v9;
	[tilespmem:v21+s17+$0x0] =	vst.idx.msk $0xffff, v11  }
0x2e3: {  	s9 =	sadd.s32 $0x100, s9;
	v6 =	vadd.s32 v2, v9;
	v9 =	vshrl.u32 v16, $0x3;
	v11 =	vadd.s32 v5, v22;
	[tilespmem:v19+s17+$0x0] =	vst.idx.msk $0xffff, v12  }
0x2e4: {  	v12 =	vshrl.u32 v23, $0x3;
	v19 =	vadd.s32 v6, v22;
	v16 =	vld [tilespmem:s9+$0x60];
	v11 =	vor.u32 $0x7, v11;
	[tilespmem:v18+s17+$0x0] =	vst.idx.msk $0xffff, v14  }
0x2e5: {  	v7 =	vshrl.u32 v7, $0x3;
	v10 =	vshrl.u32 v10, $0x3;
	v18 =	vor.u32 $0x7, v19;
	v14 =	vld [tilespmem:s9+$0x70];
	[tilespmem:v29+s17+$0x0] =	vst.idx.msk $0xffff, v15  }
0x2e6: {  	v20 =	vshll.u32 v8, v1;
	v13 =	vshll.u32 v13, v1;
	v15 =	vmov s26;
	v19 =	vld [tilespmem:s9+$0xFFFFFF80];
	[tilespmem:v28+s17+$0x0] =	vst.idx.msk $0xffff, v17  }
0x2e7: {  	v21 =	vshll.u32 v7, v1;
	v9 =	vshll.u32 v9, v1;
	v12 =	vshll.u32 v12, v1;
	v17 =	vld [tilespmem:s9+$0xFFFFFF90]  }
0x2e8: {  	v13 =	vbroadcast v13, $0x0;
	v8 =	vshrl.u32 v15, $0x3;
	v15 =	vshll.u32 v10, v1;
	v7 =	vld [tilespmem:s9+$0xFFFFFFA0];
	[tilespmem:v27+s17+$0x0] =	vst.idx.msk $0xffff, v30  }
0x2e9: {  	v20 =	vbroadcast v20, $0x0;
	v22 =	vbroadcast v9, $0x0;
	v10 =	vshll.u32 v8, v1;
	v8 =	vld [tilespmem:s9+$0xFFFFFFB0];
	[tilespmem:v11+s17+$0x0] =	vst.idx.msk $0xffff, v16  }
0x2ea: {  	v21 =	vbroadcast v21, $0x0;
	v23 =	vadd.s32 v5, v13;
	v12 =	vbroadcast v12, $0x0;
	v9 =	vld [tilespmem:s9+$0xFFFFFFC0];
	[tilespmem:v18+s17+$0x0] =	vst.idx.msk $0xffff, v14  }
0x2eb: {  	v15 =	vbroadcast v15, $0x0;
	v16 =	vbroadcast v10, $0x0;
	v14 =	vadd.s32 v6, v13;
	v10 =	vld [tilespmem:s9+$0xFFFFFFD0];
	[tilespmem:v26+s17+$0x0] =	vst.idx.msk $0xffff, v33  }
0x2ec: {  	v30 =	vadd.s32 v5, v22;
	v18 =	vadd.s32 v5, v20;
	v20 =	vadd.s32 v6, v20;
	v13 =	vld [tilespmem:s9+$0xFFFFFFE0]  }
.Ltmp3:
0x2ed: {  	v34 =	vadd.s32 v5, v12;
	v35 =	vadd.s32 v6, v12;
	v33 =	vadd.s32 v6, v22;
	v11 =	vld [tilespmem:s9+$0xFFFFFFF0];
	(pc) =	sbr.rel @p0 .LBB2_8-.Ltmp3, $4  }
0x2ee: {  	v29 =	vadd.s32 v5, v21;
	v28 =	vadd.s32 v6, v21;
	v27 =	vadd.s32 v5, v15;
	v12 =	vld [tilespmem:s9+$0x0]  }
0x2ef: {  	v25 =	vor.u32 $0x1, v23;
	v23 =	vor.u32 $0x1, v14;
	v26 =	vadd.s32 v6, v15;
	v14 =	vld [tilespmem:s9+$0x10];
	[tilespmem:v31+s17+$0x0] =	vst.idx.msk $0xffff, v3;
	v3 =	vmovc v19  }
0x2f0: {  	v24 =	vor.u32 $0x2, v18;
	v22 =	vor.u32 $0x2, v20;
	v20 =	vor.u32 $0x3, v30;
	v15 =	vld [tilespmem:s9+$0x20];
	[tilespmem:v32+s17+$0x0] =	vst.idx.msk $0xffff, v4;
	v4 =	vmovc v17  }
0x2f1: {  	s10 =	sadd.s32 $0x8, s10;
	v18 =	vor.u32 $0x4, v35;
	v21 =	vor.u32 $0x3, v33;
	v19 =	vor.u32 $0x4, v34;
	v17 =	vld [tilespmem:s9+$0x30]  }
0x2f2: {  	_ =	sdelay $0x3  }
0x2f3: {  	[tilespmem:v25+s17+$0x0] =	vst.idx.msk $0xffff, v7  }
0x2f4: {  	[tilespmem:v24+s17+$0x0] =	vst.idx.msk $0xffff, v9  }
0x2f5: {  	[tilespmem:v20+s17+$0x0] =	vst.idx.msk $0xffff, v13  }
0x2f6: {  	v58 =	vor.u32 $0x5, v29;
	[tilespmem:v23+s17+$0x0] =	vst.idx.msk $0xffff, v8  }
0x2f7: {  	v60 =	vld [tilespmem:s9+$0x40];
	v61 =	vor.u32 $0x6, v27;
	[tilespmem:v22+s17+$0x0] =	vst.idx.msk $0xffff, v10  }
0x2f8: {  	v5 =	vadd.s32 v16, v5;
	[tilespmem:v21+s17+$0x0] =	vst.idx.msk $0xffff, v11  }
0x2f9: {  	v59 =	vor.u32 $0x5, v28;
	[tilespmem:v19+s17+$0x0] =	vst.idx.msk $0xffff, v12  }
0x2fa: {  	v62 =	vld [tilespmem:s9+$0x50];
	v63 =	vor.u32 $0x6, v26;
	[tilespmem:v18+s17+$0x0] =	vst.idx.msk $0xffff, v14  }
0x2fb: {  	v6 =	vadd.s32 v16, v6;
	[tilespmem:v58+s17+$0x0] =	vst.idx.msk $0xffff, v15  }
0x2fc: {  	[tilespmem:v61+s17+$0x0] =	vst.idx.msk $0xffff, v60  }
0x2fd: {  	[tilespmem:v5+s17+$0x0] =	vst.idx.msk $0xffff, v3  }
0x2fe: {  	[tilespmem:v59+s17+$0x0] =	vst.idx.msk $0xffff, v17  }
0x2ff: {  	[tilespmem:v63+s17+$0x0] =	vst.idx.msk $0xffff, v62  }
0x300: {  	[tilespmem:v6+s17+$0x0] =	vst.idx.msk $0xffff, v4  }
0x301: {  	s10 =	rddreg [dreg:$0x4]  }
0x302: {  	[hbm4b:s10+s3] =	stream.linear.scatter [tilespmem:s17], [sflag:$0x3], $0x80, $0x38;
	[tilespmem:$0x9D00] =	vst v63  }
0x303: {  	s11 =	simm.s32 $0x5988;
	s5 =	sadd.s32 $0x10, s10  }
0x304: {  	[hbm4b:s5+s3] =	stream.linear.scatter [tilespmem:s11], [sflag:$0x3], $0x80, $0x38;
	[tilespmem:$0x9D00] =	vst v63  }
0x305: {  	s13 =	simm.s32 $0x5A10;
	s6 =	sadd.s32 $0x20, s10  }
0x306: {  	[hbm4b:s6+s3] =	stream.linear.scatter [tilespmem:s13], [sflag:$0x3], $0x80, $0x38;
	[tilespmem:$0x9D00] =	vst v63  }
0x307: {  	s14 =	simm.s32 $0x5A98;
	s7 =	sadd.s32 $0x30, s10  }
0x308: {  	[hbm4b:s7+s3] =	stream.linear.scatter [tilespmem:s14], [sflag:$0x3], $0x80, $0x38;
	[tilespmem:$0x9D00] =	vst v63  }
0x309: {  	s18 =	simm.s32 $0x5B20;
	s8 =	sadd.s32 $0x40, s10  }
0x30a: {  	[hbm4b:s8+s3] =	stream.linear.scatter [tilespmem:s18], [sflag:$0x3], $0x80, $0x38;
	[tilespmem:$0x9D00] =	vst v63  }
0x30b: {  	s19 =	simm.s32 $0x5BA8;
	s12 =	sadd.s32 $0x50, s10  }
0x30c: {  	[hbm4b:s12+s3] =	stream.linear.scatter [tilespmem:s19], [sflag:$0x3], $0x80, $0x38;
	[tilespmem:$0x9D00] =	vst v63  }
0x30d: {  	s15 =	sadd.s32 $0x60, s10;
	s6 =	simm.s32 $0x5C30  }
0x30e: {  	[hbm4b:s15+s3] =	stream.linear.scatter [tilespmem:s6], [sflag:$0x3], $0x80, $0x38;
	[tilespmem:$0x9D00] =	vst v63  }
0x30f: {  	s20 =	simm.s32 $0x5CB8;
	s16 =	sadd.s32 $0x70, s10  }
0x310: {  	[hbm4b:s16+s3] =	stream.linear.scatter [tilespmem:s20], [sflag:$0x3], $0x80, $0x38;
	[tilespmem:$0x9D00] =	vst v63  }
0x311: {  	s21 =	sadd.s32 $0x400, s10;
	s7 =	simm.s32 $0x5D40  }
0x312: {  	[hbm4b:s21+s3] =	stream.linear.scatter [tilespmem:s7], [sflag:$0x3], $0x80, $0x38;
	[tilespmem:$0x9D00] =	vst v63  }
0x313: {  	s22 =	sadd.s32 $0x410, s10;
	s21 =	simm.s32 $0x5DC8  }
0x314: {  	[hbm4b:s22+s3] =	stream.linear.scatter [tilespmem:s21], [sflag:$0x3], $0x80, $0x38;
	[tilespmem:$0x9D00] =	vst v63  }
0x315: {  	s23 =	sadd.s32 $0x420, s10;
	s12 =	simm.s32 $0x5E50  }
0x316: {  	[hbm4b:s23+s3] =	stream.linear.scatter [tilespmem:s12], [sflag:$0x3], $0x80, $0x38;
	[tilespmem:$0x9D00] =	vst v63  }
0x317: {  	s24 =	sadd.s32 $0x430, s10;
	s22 =	simm.s32 $0x5ED8  }
0x318: {  	[hbm4b:s24+s3] =	stream.linear.scatter [tilespmem:s22], [sflag:$0x3], $0x80, $0x38;
	[tilespmem:$0x9D00] =	vst v63  }
0x319: {  	s25 =	sadd.s32 $0x440, s10;
	s23 =	simm.s32 $0x5F60  }
0x31a: {  	[hbm4b:s25+s3] =	stream.linear.scatter [tilespmem:s23], [sflag:$0x3], $0x80, $0x38;
	[tilespmem:$0x9D00] =	vst v63  }
0x31b: {  	s26 =	sadd.s32 $0x450, s10;
	s8 =	simm.s32 $0x5FE8  }
0x31c: {  	[hbm4b:s26+s3] =	stream.linear.scatter [tilespmem:s8], [sflag:$0x3], $0x80, $0x38;
	[tilespmem:$0x9D00] =	vst v63  }
0x31d: {  	s28 =	sadd.s32 $0x460, s10;
	s24 =	simm.s32 $0x6070  }
0x31e: {  	[hbm4b:s28+s3] =	stream.linear.scatter [tilespmem:s24], [sflag:$0x3], $0x80, $0x38;
	[tilespmem:$0x9D00] =	vst v63  }
0x31f: {  	s29 =	sadd.s32 $0x470, s10;
	s15 =	simm.s32 $0x60F8  }
0x320: {  	[hbm4b:s29+s3] =	stream.linear.scatter [tilespmem:s15], [sflag:$0x3], $0x80, $0x38;
	[tilespmem:$0x9D00] =	vst v63  }
0x321: {  	s30 =	sadd.s32 $0x800, s10;
	s16 =	simm.s32 $0x6180  }
0x322: {  	[hbm4b:s30+s3] =	stream.linear.scatter [tilespmem:s16], [sflag:$0x3], $0x80, $0x38;
	[tilespmem:$0x9D00] =	vst v63  }
0x323: {  	s1 =	simm.s32 $0x6208;
	s31 =	sadd.s32 $0x810, s10  }
0x324: {  	[hbm4b:s31+s3] =	stream.linear.scatter [tilespmem:s1], [sflag:$0x3], $0x80, $0x38;
	[tilespmem:$0x9D00] =	vst v63  }
0x325: {  	s5 =	simm.s32 $0x6290;
	s1 =	sadd.s32 $0x820, s10  }
0x326: {  	[hbm4b:s1+s3] =	stream.linear.scatter [tilespmem:s5], [sflag:$0x3], $0x80, $0x38;
	[tilespmem:$0x9D00] =	vst v63  }
0x327: {  	s4 =	simm.s32 $0x6318;
	s2 =	sadd.s32 $0x830, s10  }
0x328: {  	[hbm4b:s2+s3] =	stream.linear.scatter [tilespmem:s4], [sflag:$0x3], $0x80, $0x38;
	[tilespmem:$0x9D00] =	vst v63  }
0x329: {  	s25 =	sadd.s32 $0x840, s10;
	s2 =	simm.s32 $0x63A0  }
0x32a: {  	[hbm4b:s25+s3] =	stream.linear.scatter [tilespmem:s2], [sflag:$0x3], $0x80, $0x38;
	[tilespmem:$0x9D00] =	vst v63  }
0x32b: {  	s26 =	sadd.s32 $0x850, s10;
	s25 =	simm.s32 $0x6428  }
0x32c: {  	[hbm4b:s26+s3] =	stream.linear.scatter [tilespmem:s25], [sflag:$0x3], $0x80, $0x38;
	[tilespmem:$0x9D00] =	vst v63  }
0x32d: {  	s28 =	sadd.s32 $0x860, s10;
	s26 =	simm.s32 $0x64B0  }
0x32e: {  	[hbm4b:s28+s3] =	stream.linear.scatter [tilespmem:s26], [sflag:$0x3], $0x80, $0x38;
	[tilespmem:$0x9D00] =	vst v63  }
0x32f: {  	s29 =	sadd.s32 $0x870, s10;
	s28 =	simm.s32 $0x6538  }
0x330: {  	[hbm4b:s29+s3] =	stream.linear.scatter [tilespmem:s28], [sflag:$0x3], $0x80, $0x38;
	[tilespmem:$0x9D00] =	vst v63  }
0x331: {  	s30 =	sadd.s32 $0xC00, s10;
	s29 =	simm.s32 $0x65C0  }
0x332: {  	[hbm4b:s30+s3] =	stream.linear.scatter [tilespmem:s29], [sflag:$0x3], $0x80, $0x38;
	[tilespmem:$0x9D00] =	vst v63  }
0x333: {  	s31 =	sadd.s32 $0xC10, s10;
	s30 =	simm.s32 $0x6648  }
0x334: {  	[hbm4b:s31+s3] =	stream.linear.scatter [tilespmem:s30], [sflag:$0x3], $0x80, $0x38;
	[tilespmem:$0x9D00] =	vst v63  }
0x335: {  	s1 =	sadd.s32 $0xC20, s10;
	s31 =	simm.s32 $0x66D0  }
0x336: {  	[hbm4b:s1+s3] =	stream.linear.scatter [tilespmem:s31], [sflag:$0x3], $0x80, $0x38;
	[tilespmem:$0x9D00] =	vst v63  }
0x337: {  	s9 =	sadd.s32 $0xC30, s10;
	s1 =	simm.s32 $0x6758  }
0x338: {  	[hbm4b:s9+s3] =	stream.linear.scatter [tilespmem:s1], [sflag:$0x3], $0x80, $0x38;
	[tilespmem:$0x9D00] =	vst v63  }
0x339: {  	s9 =	sadd.s32 $0xC40, s10;
	s1 =	simm.s32 $0x67E0  }
0x33a: {  	[hbm4b:s9+s3] =	stream.linear.scatter [tilespmem:s1], [sflag:$0x3], $0x80, $0x38;
	[tilespmem:$0x9D00] =	vst v63  }
0x33b: {  	s9 =	sadd.s32 $0xC50, s10;
	s1 =	simm.s32 $0x6868  }
0x33c: {  	[hbm4b:s9+s3] =	stream.linear.scatter [tilespmem:s1], [sflag:$0x3], $0x80, $0x38;
	[tilespmem:$0x9D00] =	vst v63  }
0x33d: {  	s9 =	sadd.s32 $0xC60, s10;
	s1 =	simm.s32 $0x68F0  }
0x33e: {  	[hbm4b:s9+s3] =	stream.linear.scatter [tilespmem:s1], [sflag:$0x3], $0x80, $0x38;
	[tilespmem:$0x9D00] =	vst v63  }
0x33f: {  	s9 =	sadd.s32 $0xC70, s10;
	s10 =	simm.s32 $0x6978  }
0x340: {  	[hbm4b:s9+s3] =	stream.linear.scatter [tilespmem:s10], [sflag:$0x3], $0x80, $0x38;
	[tilespmem:$0x9D00] =	vst v63  }
0x341: {  	s10 =	rddreg [dreg:$0x5]  }
0x342: {  	[hbm4b:s10+s3] =	stream.linear.scatter [tilespmem:s17], [sflag:$0x3], $0x80, $0x38;
	[tilespmem:$0x9D00] =	vst v63  }
0x343: {  	s9 =	sadd.s32 $0x10, s10  }
0x344: {  	[hbm4b:s9+s3] =	stream.linear.scatter [tilespmem:s11], [sflag:$0x3], $0x80, $0x38;
	[tilespmem:$0x9D00] =	vst v63  }
0x345: {  	s11 =	sadd.s32 $0x20, s10  }
0x346: {  	[hbm4b:s11+s3] =	stream.linear.scatter [tilespmem:s13], [sflag:$0x3], $0x80, $0x38;
	[tilespmem:$0x9D00] =	vst v63  }
0x347: {  	s13 =	sadd.s32 $0x30, s10  }
0x348: {  	[hbm4b:s13+s3] =	stream.linear.scatter [tilespmem:s14], [sflag:$0x3], $0x80, $0x38;
	[tilespmem:$0x9D00] =	vst v63  }
0x349: {  	s14 =	sadd.s32 $0x40, s10  }
0x34a: {  	[hbm4b:s14+s3] =	stream.linear.scatter [tilespmem:s18], [sflag:$0x3], $0x80, $0x38;
	[tilespmem:$0x9D00] =	vst v63  }
0x34b: {  	s18 =	sadd.s32 $0x50, s10  }
0x34c: {  	[hbm4b:s18+s3] =	stream.linear.scatter [tilespmem:s19], [sflag:$0x3], $0x80, $0x38;
	[tilespmem:$0x9D00] =	vst v63  }
0x34d: {  	s11 =	sadd.s32 $0x60, s10  }
0x34e: {  	[hbm4b:s11+s3] =	stream.linear.scatter [tilespmem:s6], [sflag:$0x3], $0x80, $0x38;
	[tilespmem:$0x9D00] =	vst v63  }
0x34f: {  	s13 =	sadd.s32 $0x70, s10  }
0x350: {  	[hbm4b:s13+s3] =	stream.linear.scatter [tilespmem:s20], [sflag:$0x3], $0x80, $0x38;
	[tilespmem:$0x9D00] =	vst v63  }
0x351: {  	s14 =	sadd.s32 $0x400, s10  }
0x352: {  	[hbm4b:s14+s3] =	stream.linear.scatter [tilespmem:s7], [sflag:$0x3], $0x80, $0x38;
	[tilespmem:$0x9D00] =	vst v63  }
0x353: {  	s18 =	sadd.s32 $0x410, s10  }
0x354: {  	[hbm4b:s18+s3] =	stream.linear.scatter [tilespmem:s21], [sflag:$0x3], $0x80, $0x38;
	[tilespmem:$0x9D00] =	vst v63  }
0x355: {  	s19 =	sadd.s32 $0x420, s10  }
0x356: {  	[hbm4b:s19+s3] =	stream.linear.scatter [tilespmem:s12], [sflag:$0x3], $0x80, $0x38;
	[tilespmem:$0x9D00] =	vst v63  }
0x357: {  	s20 =	sadd.s32 $0x430, s10  }
0x358: {  	[hbm4b:s20+s3] =	stream.linear.scatter [tilespmem:s22], [sflag:$0x3], $0x80, $0x38;
	[tilespmem:$0x9D00] =	vst v63  }
0x359: {  	s21 =	sadd.s32 $0x440, s10  }
0x35a: {  	[hbm4b:s21+s3] =	stream.linear.scatter [tilespmem:s23], [sflag:$0x3], $0x80, $0x38;
	[tilespmem:$0x9D00] =	vst v63  }
0x35b: {  	s22 =	sadd.s32 $0x450, s10  }
0x35c: {  	[hbm4b:s22+s3] =	stream.linear.scatter [tilespmem:s8], [sflag:$0x3], $0x80, $0x38;
	[tilespmem:$0x9D00] =	vst v63  }
0x35d: {  	s23 =	sadd.s32 $0x460, s10  }
0x35e: {  	[hbm4b:s23+s3] =	stream.linear.scatter [tilespmem:s24], [sflag:$0x3], $0x80, $0x38;
	[tilespmem:$0x9D00] =	vst v63  }
0x35f: {  	s6 =	sadd.s32 $0x470, s10  }
0x360: {  	[hbm4b:s6+s3] =	stream.linear.scatter [tilespmem:s15], [sflag:$0x3], $0x80, $0x38;
	[tilespmem:$0x9D00] =	vst v63  }
0x361: {  	s7 =	sadd.s32 $0x800, s10  }
0x362: {  	[hbm4b:s7+s3] =	stream.linear.scatter [tilespmem:s16], [sflag:$0x3], $0x80, $0x38;
	[tilespmem:$0x9D00] =	vst v63  }
0x363: {  	s11 =	simm.s32 $0x6208;
	s8 =	sadd.s32 $0x810, s10  }
0x364: {  	[hbm4b:s8+s3] =	stream.linear.scatter [tilespmem:s11], [sflag:$0x3], $0x80, $0x38;
	[tilespmem:$0x9D00] =	vst v63  }
0x365: {  	s12 =	sadd.s32 $0x820, s10  }
0x366: {  	[hbm4b:s12+s3] =	stream.linear.scatter [tilespmem:s5], [sflag:$0x3], $0x80, $0x38;
	[tilespmem:$0x9D00] =	vst v63  }
0x367: {  	s13 =	sadd.s32 $0x830, s10  }
0x368: {  	[hbm4b:s13+s3] =	stream.linear.scatter [tilespmem:s4], [sflag:$0x3], $0x80, $0x38;
	[tilespmem:$0x9D00] =	vst v63  }
0x369: {  	s14 =	sadd.s32 $0x840, s10  }
0x36a: {  	[hbm4b:s14+s3] =	stream.linear.scatter [tilespmem:s2], [sflag:$0x3], $0x80, $0x38;
	[tilespmem:$0x9D00] =	vst v63  }
0x36b: {  	s15 =	sadd.s32 $0x850, s10  }
0x36c: {  	[hbm4b:s15+s3] =	stream.linear.scatter [tilespmem:s25], [sflag:$0x3], $0x80, $0x38;
	[tilespmem:$0x9D00] =	vst v63  }
0x36d: {  	s16 =	sadd.s32 $0x860, s10  }
0x36e: {  	[hbm4b:s16+s3] =	stream.linear.scatter [tilespmem:s26], [sflag:$0x3], $0x80, $0x38;
	[tilespmem:$0x9D00] =	vst v63  }
0x36f: {  	s18 =	sadd.s32 $0x870, s10  }
0x370: {  	[hbm4b:s18+s3] =	stream.linear.scatter [tilespmem:s28], [sflag:$0x3], $0x80, $0x38;
	[tilespmem:$0x9D00] =	vst v63  }
0x371: {  	s19 =	sadd.s32 $0xC00, s10  }
0x372: {  	[hbm4b:s19+s3] =	stream.linear.scatter [tilespmem:s29], [sflag:$0x3], $0x80, $0x38;
	[tilespmem:$0x9D00] =	vst v63  }
0x373: {  	s20 =	sadd.s32 $0xC10, s10  }
0x374: {  	[hbm4b:s20+s3] =	stream.linear.scatter [tilespmem:s30], [sflag:$0x3], $0x80, $0x38;
	[tilespmem:$0x9D00] =	vst v63  }
0x375: {  	s21 =	sadd.s32 $0xC20, s10  }
0x376: {  	[hbm4b:s21+s3] =	stream.linear.scatter [tilespmem:s31], [sflag:$0x3], $0x80, $0x38;
	[tilespmem:$0x9D00] =	vst v63  }
0x377: {  	s22 =	sadd.s32 $0xC30, s10;
	s23 =	simm.s32 $0x6758  }
0x378: {  	[hbm4b:s22+s3] =	stream.linear.scatter [tilespmem:s23], [sflag:$0x3], $0x80, $0x38;
	[tilespmem:$0x9D00] =	vst v63  }
0x379: {  	s24 =	sadd.s32 $0xC40, s10;
	s25 =	simm.s32 $0x67E0  }
0x37a: {  	[hbm4b:s24+s3] =	stream.linear.scatter [tilespmem:s25], [sflag:$0x3], $0x80, $0x38;
	[tilespmem:$0x9D00] =	vst v63  }
0x37b: {  	s26 =	sadd.s32 $0xC50, s10;
	s28 =	simm.s32 $0x6868  }
0x37c: {  	[hbm4b:s26+s3] =	stream.linear.scatter [tilespmem:s28], [sflag:$0x3], $0x80, $0x38;
	[tilespmem:$0x9D00] =	vst v63  }
0x37d: {  	s1 =	simm.s32 $0x68F0;
	s29 =	sadd.s32 $0xC60, s10  }
0x37e: {  	[hbm4b:s29+s3] =	stream.linear.scatter [tilespmem:s1], [sflag:$0x3], $0x80, $0x38;
	[tilespmem:$0x9D00] =	vst v63  }
0x37f: {  	s30 =	sadd.s32 $0xC70, s10;
	s31 =	simm.s32 $0x6978  }
0x380: {  	[hbm4b:s30+s3] =	stream.linear.scatter [tilespmem:s31], [sflag:$0x3], $0x80, $0x38;
	[tilespmem:$0x9D00] =	vst v63  }
0x381: {  	s10 =	rddreg [dreg:$0x6];
	s1 =	simm.s32 $0x6A00  }
0x382: {  	[hbm4b:s10+s3] =	stream.linear.scatter [tilespmem:s1], [sflag:$0x3], $0x80, $0x38;
	[tilespmem:$0x9D00] =	vst v63  }
0x383: {  	s4 =	simm.s32 $0x6A88;
	s2 =	sadd.s32 $0x10, s10  }
0x384: {  	[hbm4b:s2+s3] =	stream.linear.scatter [tilespmem:s4], [sflag:$0x3], $0x80, $0x38;
	[tilespmem:$0x9D00] =	vst v63  }
0x385: {  	s5 =	sadd.s32 $0x20, s10;
	s4 =	simm.s32 $0x6B10  }
0x386: {  	[hbm4b:s5+s3] =	stream.linear.scatter [tilespmem:s4], [sflag:$0x3], $0x80, $0x38;
	[tilespmem:$0x9D00] =	vst v63  }
0x387: {  	s6 =	sadd.s32 $0x30, s10;
	s5 =	simm.s32 $0x6B98  }
0x388: {  	[hbm4b:s6+s3] =	stream.linear.scatter [tilespmem:s5], [sflag:$0x3], $0x80, $0x38;
	[tilespmem:$0x9D00] =	vst v63  }
0x389: {  	s7 =	sadd.s32 $0x40, s10;
	s6 =	simm.s32 $0x6C20  }
0x38a: {  	[hbm4b:s7+s3] =	stream.linear.scatter [tilespmem:s6], [sflag:$0x3], $0x80, $0x38;
	[tilespmem:$0x9D00] =	vst v63  }
0x38b: {  	s8 =	sadd.s32 $0x50, s10;
	s7 =	simm.s32 $0x6CA8  }
0x38c: {  	[hbm4b:s8+s3] =	stream.linear.scatter [tilespmem:s7], [sflag:$0x3], $0x80, $0x38;
	[tilespmem:$0x9D00] =	vst v63  }
0x38d: {  	s11 =	sadd.s32 $0x60, s10;
	s8 =	simm.s32 $0x6D30  }
0x38e: {  	[hbm4b:s11+s3] =	stream.linear.scatter [tilespmem:s8], [sflag:$0x3], $0x80, $0x38;
	[tilespmem:$0x9D00] =	vst v63  }
0x38f: {  	s12 =	sadd.s32 $0x70, s10;
	s11 =	simm.s32 $0x6DB8  }
0x390: {  	[hbm4b:s12+s3] =	stream.linear.scatter [tilespmem:s11], [sflag:$0x3], $0x80, $0x38;
	[tilespmem:$0x9D00] =	vst v63  }
0x391: {  	s13 =	sadd.s32 $0x400, s10;
	s12 =	simm.s32 $0x6E40  }
0x392: {  	[hbm4b:s13+s3] =	stream.linear.scatter [tilespmem:s12], [sflag:$0x3], $0x80, $0x38;
	[tilespmem:$0x9D00] =	vst v63  }
0x393: {  	s14 =	sadd.s32 $0x410, s10;
	s13 =	simm.s32 $0x6EC8  }
0x394: {  	[hbm4b:s14+s3] =	stream.linear.scatter [tilespmem:s13], [sflag:$0x3], $0x80, $0x38;
	[tilespmem:$0x9D00] =	vst v63  }
0x395: {  	s15 =	sadd.s32 $0x420, s10;
	s14 =	simm.s32 $0x6F50  }
0x396: {  	[hbm4b:s15+s3] =	stream.linear.scatter [tilespmem:s14], [sflag:$0x3], $0x80, $0x38;
	[tilespmem:$0x9D00] =	vst v63  }
0x397: {  	s16 =	sadd.s32 $0x430, s10;
	s15 =	simm.s32 $0x6FD8  }
0x398: {  	[hbm4b:s16+s3] =	stream.linear.scatter [tilespmem:s15], [sflag:$0x3], $0x80, $0x38;
	[tilespmem:$0x9D00] =	vst v63  }
0x399: {  	s18 =	sadd.s32 $0x440, s10;
	s16 =	simm.s32 $0x7060  }
0x39a: {  	[hbm4b:s18+s3] =	stream.linear.scatter [tilespmem:s16], [sflag:$0x3], $0x80, $0x38;
	[tilespmem:$0x9D00] =	vst v63  }
0x39b: {  	s19 =	sadd.s32 $0x450, s10;
	s18 =	simm.s32 $0x70E8  }
0x39c: {  	[hbm4b:s19+s3] =	stream.linear.scatter [tilespmem:s18], [sflag:$0x3], $0x80, $0x38;
	[tilespmem:$0x9D00] =	vst v63  }
0x39d: {  	s20 =	sadd.s32 $0x460, s10;
	s19 =	simm.s32 $0x7170  }
0x39e: {  	[hbm4b:s20+s3] =	stream.linear.scatter [tilespmem:s19], [sflag:$0x3], $0x80, $0x38;
	[tilespmem:$0x9D00] =	vst v63  }
0x39f: {  	s21 =	sadd.s32 $0x470, s10;
	s20 =	simm.s32 $0x71F8  }
0x3a0: {  	[hbm4b:s21+s3] =	stream.linear.scatter [tilespmem:s20], [sflag:$0x3], $0x80, $0x38;
	[tilespmem:$0x9D00] =	vst v63  }
0x3a1: {  	s22 =	sadd.s32 $0x800, s10;
	s21 =	simm.s32 $0x7280  }
0x3a2: {  	[hbm4b:s22+s3] =	stream.linear.scatter [tilespmem:s21], [sflag:$0x3], $0x80, $0x38;
	[tilespmem:$0x9D00] =	vst v63  }
0x3a3: {  	s23 =	sadd.s32 $0x810, s10;
	s22 =	simm.s32 $0x7308  }
0x3a4: {  	[hbm4b:s23+s3] =	stream.linear.scatter [tilespmem:s22], [sflag:$0x3], $0x80, $0x38;
	[tilespmem:$0x9D00] =	vst v63  }
0x3a5: {  	s24 =	sadd.s32 $0x820, s10;
	s23 =	simm.s32 $0x7390  }
0x3a6: {  	[hbm4b:s24+s3] =	stream.linear.scatter [tilespmem:s23], [sflag:$0x3], $0x80, $0x38;
	[tilespmem:$0x9D00] =	vst v63  }
0x3a7: {  	s25 =	sadd.s32 $0x830, s10;
	s24 =	simm.s32 $0x7418  }
0x3a8: {  	[hbm4b:s25+s3] =	stream.linear.scatter [tilespmem:s24], [sflag:$0x3], $0x80, $0x38;
	[tilespmem:$0x9D00] =	vst v63  }
0x3a9: {  	s26 =	sadd.s32 $0x840, s10;
	s25 =	simm.s32 $0x74A0  }
0x3aa: {  	[hbm4b:s26+s3] =	stream.linear.scatter [tilespmem:s25], [sflag:$0x3], $0x80, $0x38;
	[tilespmem:$0x9D00] =	vst v63  }
0x3ab: {  	s28 =	sadd.s32 $0x850, s10;
	s26 =	simm.s32 $0x7528  }
0x3ac: {  	[hbm4b:s28+s3] =	stream.linear.scatter [tilespmem:s26], [sflag:$0x3], $0x80, $0x38;
	[tilespmem:$0x9D00] =	vst v63  }
0x3ad: {  	s29 =	sadd.s32 $0x860, s10;
	s28 =	simm.s32 $0x75B0  }
0x3ae: {  	[hbm4b:s29+s3] =	stream.linear.scatter [tilespmem:s28], [sflag:$0x3], $0x80, $0x38;
	[tilespmem:$0x9D00] =	vst v63  }
0x3af: {  	s30 =	sadd.s32 $0x870, s10;
	s29 =	simm.s32 $0x7638  }
0x3b0: {  	[hbm4b:s30+s3] =	stream.linear.scatter [tilespmem:s29], [sflag:$0x3], $0x80, $0x38;
	[tilespmem:$0x9D00] =	vst v63  }
0x3b1: {  	s31 =	sadd.s32 $0xC00, s10;
	s30 =	simm.s32 $0x76C0  }
0x3b2: {  	[hbm4b:s31+s3] =	stream.linear.scatter [tilespmem:s30], [sflag:$0x3], $0x80, $0x38;
	[tilespmem:$0x9D00] =	vst v63  }
0x3b3: {  	s2 =	sadd.s32 $0xC10, s10;
	s31 =	simm.s32 $0x7748  }
0x3b4: {  	[hbm4b:s2+s3] =	stream.linear.scatter [tilespmem:s31], [sflag:$0x3], $0x80, $0x38;
	[tilespmem:$0x9D00] =	vst v63  }
0x3b5: {  	s9 =	sadd.s32 $0xC20, s10;
	s2 =	simm.s32 $0x77D0  }
0x3b6: {  	[hbm4b:s9+s3] =	stream.linear.scatter [tilespmem:s2], [sflag:$0x3], $0x80, $0x38;
	[tilespmem:$0x9D00] =	vst v63  }
0x3b7: {  	s9 =	sadd.s32 $0xC30, s10;
	s2 =	simm.s32 $0x7858  }
0x3b8: {  	[hbm4b:s9+s3] =	stream.linear.scatter [tilespmem:s2], [sflag:$0x3], $0x80, $0x38;
	[tilespmem:$0x9D00] =	vst v63  }
0x3b9: {  	s9 =	sadd.s32 $0xC40, s10;
	s2 =	simm.s32 $0x78E0  }
0x3ba: {  	[hbm4b:s9+s3] =	stream.linear.scatter [tilespmem:s2], [sflag:$0x3], $0x80, $0x38;
	[tilespmem:$0x9D00] =	vst v63  }
0x3bb: {  	s9 =	sadd.s32 $0xC50, s10;
	s2 =	simm.s32 $0x7968  }
0x3bc: {  	[hbm4b:s9+s3] =	stream.linear.scatter [tilespmem:s2], [sflag:$0x3], $0x80, $0x38;
	[tilespmem:$0x9D00] =	vst v63  }
0x3bd: {  	s9 =	sadd.s32 $0xC60, s10;
	s2 =	simm.s32 $0x79F0  }
0x3be: {  	[hbm4b:s9+s3] =	stream.linear.scatter [tilespmem:s2], [sflag:$0x3], $0x80, $0x38;
	[tilespmem:$0x9D00] =	vst v63  }
0x3bf: {  	s9 =	sadd.s32 $0xC70, s10;
	s10 =	simm.s32 $0x7A78  }
0x3c0: {  	[hbm4b:s9+s3] =	stream.linear.scatter [tilespmem:s10], [sflag:$0x3], $0x80, $0x38;
	[tilespmem:$0x9D00] =	vst v63  }
0x3c1: {  	s10 =	rddreg [dreg:$0x7]  }
0x3c2: {  	[hbm4b:s10+s3] =	stream.linear.scatter [tilespmem:s1], [sflag:$0x3], $0x80, $0x38;
	[tilespmem:$0x9D00] =	vst v63  }
0x3c3: {  	s9 =	sadd.s32 $0x10, s10;
	s1 =	simm.s32 $0x6A88  }
0x3c4: {  	[hbm4b:s9+s3] =	stream.linear.scatter [tilespmem:s1], [sflag:$0x3], $0x80, $0x38;
	[tilespmem:$0x9D00] =	vst v63  }
0x3c5: {  	s1 =	sadd.s32 $0x20, s10  }
0x3c6: {  	[hbm4b:s1+s3] =	stream.linear.scatter [tilespmem:s4], [sflag:$0x3], $0x80, $0x38;
	[tilespmem:$0x9D00] =	vst v63  }
0x3c7: {  	s4 =	sadd.s32 $0x30, s10  }
0x3c8: {  	[hbm4b:s4+s3] =	stream.linear.scatter [tilespmem:s5], [sflag:$0x3], $0x80, $0x38;
	[tilespmem:$0x9D00] =	vst v63  }
0x3c9: {  	s5 =	sadd.s32 $0x40, s10  }
0x3ca: {  	[hbm4b:s5+s3] =	stream.linear.scatter [tilespmem:s6], [sflag:$0x3], $0x80, $0x38;
	[tilespmem:$0x9D00] =	vst v63  }
0x3cb: {  	s6 =	sadd.s32 $0x50, s10  }
0x3cc: {  	[hbm4b:s6+s3] =	stream.linear.scatter [tilespmem:s7], [sflag:$0x3], $0x80, $0x38;
	[tilespmem:$0x9D00] =	vst v63  }
0x3cd: {  	s7 =	sadd.s32 $0x60, s10  }
0x3ce: {  	[hbm4b:s7+s3] =	stream.linear.scatter [tilespmem:s8], [sflag:$0x3], $0x80, $0x38;
	[tilespmem:$0x9D00] =	vst v63  }
0x3cf: {  	s8 =	sadd.s32 $0x70, s10  }
0x3d0: {  	[hbm4b:s8+s3] =	stream.linear.scatter [tilespmem:s11], [sflag:$0x3], $0x80, $0x38;
	[tilespmem:$0x9D00] =	vst v63  }
0x3d1: {  	s11 =	sadd.s32 $0x400, s10  }
0x3d2: {  	[hbm4b:s11+s3] =	stream.linear.scatter [tilespmem:s12], [sflag:$0x3], $0x80, $0x38;
	[tilespmem:$0x9D00] =	vst v63  }
0x3d3: {  	s12 =	sadd.s32 $0x410, s10  }
0x3d4: {  	[hbm4b:s12+s3] =	stream.linear.scatter [tilespmem:s13], [sflag:$0x3], $0x80, $0x38;
	[tilespmem:$0x9D00] =	vst v63  }
0x3d5: {  	s13 =	sadd.s32 $0x420, s10  }
0x3d6: {  	[hbm4b:s13+s3] =	stream.linear.scatter [tilespmem:s14], [sflag:$0x3], $0x80, $0x38;
	[tilespmem:$0x9D00] =	vst v63  }
0x3d7: {  	s14 =	sadd.s32 $0x430, s10  }
0x3d8: {  	[hbm4b:s14+s3] =	stream.linear.scatter [tilespmem:s15], [sflag:$0x3], $0x80, $0x38;
	[tilespmem:$0x9D00] =	vst v63  }
0x3d9: {  	s15 =	sadd.s32 $0x440, s10  }
0x3da: {  	[hbm4b:s15+s3] =	stream.linear.scatter [tilespmem:s16], [sflag:$0x3], $0x80, $0x38;
	[tilespmem:$0x9D00] =	vst v63  }
0x3db: {  	s16 =	sadd.s32 $0x450, s10  }
0x3dc: {  	[hbm4b:s16+s3] =	stream.linear.scatter [tilespmem:s18], [sflag:$0x3], $0x80, $0x38;
	[tilespmem:$0x9D00] =	vst v63  }
0x3dd: {  	s18 =	sadd.s32 $0x460, s10  }
0x3de: {  	[hbm4b:s18+s3] =	stream.linear.scatter [tilespmem:s19], [sflag:$0x3], $0x80, $0x38;
	[tilespmem:$0x9D00] =	vst v63  }
0x3df: {  	s19 =	sadd.s32 $0x470, s10  }
0x3e0: {  	[hbm4b:s19+s3] =	stream.linear.scatter [tilespmem:s20], [sflag:$0x3], $0x80, $0x38;
	[tilespmem:$0x9D00] =	vst v63  }
0x3e1: {  	s1 =	sadd.s32 $0x800, s10  }
0x3e2: {  	[hbm4b:s1+s3] =	stream.linear.scatter [tilespmem:s21], [sflag:$0x3], $0x80, $0x38;
	[tilespmem:$0x9D00] =	vst v63  }
0x3e3: {  	s4 =	sadd.s32 $0x810, s10  }
0x3e4: {  	[hbm4b:s4+s3] =	stream.linear.scatter [tilespmem:s22], [sflag:$0x3], $0x80, $0x38;
	[tilespmem:$0x9D00] =	vst v63  }
0x3e5: {  	s5 =	sadd.s32 $0x820, s10  }
0x3e6: {  	[hbm4b:s5+s3] =	stream.linear.scatter [tilespmem:s23], [sflag:$0x3], $0x80, $0x38;
	[tilespmem:$0x9D00] =	vst v63  }
0x3e7: {  	s6 =	sadd.s32 $0x830, s10  }
0x3e8: {  	[hbm4b:s6+s3] =	stream.linear.scatter [tilespmem:s24], [sflag:$0x3], $0x80, $0x38;
	[tilespmem:$0x9D00] =	vst v63  }
0x3e9: {  	s7 =	sadd.s32 $0x840, s10  }
0x3ea: {  	[hbm4b:s7+s3] =	stream.linear.scatter [tilespmem:s25], [sflag:$0x3], $0x80, $0x38;
	[tilespmem:$0x9D00] =	vst v63  }
0x3eb: {  	s8 =	sadd.s32 $0x850, s10  }
0x3ec: {  	[hbm4b:s8+s3] =	stream.linear.scatter [tilespmem:s26], [sflag:$0x3], $0x80, $0x38;
	[tilespmem:$0x9D00] =	vst v63  }
0x3ed: {  	s11 =	sadd.s32 $0x860, s10  }
0x3ee: {  	[hbm4b:s11+s3] =	stream.linear.scatter [tilespmem:s28], [sflag:$0x3], $0x80, $0x38;
	[tilespmem:$0x9D00] =	vst v63  }
0x3ef: {  	s12 =	sadd.s32 $0x870, s10  }
0x3f0: {  	[hbm4b:s12+s3] =	stream.linear.scatter [tilespmem:s29], [sflag:$0x3], $0x80, $0x38;
	[tilespmem:$0x9D00] =	vst v63  }
0x3f1: {  	s13 =	sadd.s32 $0xC00, s10  }
0x3f2: {  	[hbm4b:s13+s3] =	stream.linear.scatter [tilespmem:s30], [sflag:$0x3], $0x80, $0x38;
	[tilespmem:$0x9D00] =	vst v63  }
0x3f3: {  	s14 =	sadd.s32 $0xC10, s10  }
0x3f4: {  	[hbm4b:s14+s3] =	stream.linear.scatter [tilespmem:s31], [sflag:$0x3], $0x80, $0x38;
	[tilespmem:$0x9D00] =	vst v63  }
0x3f5: {  	s15 =	sadd.s32 $0xC20, s10;
	s16 =	simm.s32 $0x77D0  }
0x3f6: {  	[hbm4b:s15+s3] =	stream.linear.scatter [tilespmem:s16], [sflag:$0x3], $0x80, $0x38;
	[tilespmem:$0x9D00] =	vst v63  }
0x3f7: {  	s18 =	sadd.s32 $0xC30, s10;
	s19 =	simm.s32 $0x7858  }
0x3f8: {  	[hbm4b:s18+s3] =	stream.linear.scatter [tilespmem:s19], [sflag:$0x3], $0x80, $0x38;
	[tilespmem:$0x9D00] =	vst v63  }
0x3f9: {  	s20 =	sadd.s32 $0xC40, s10;
	s21 =	simm.s32 $0x78E0  }
0x3fa: {  	[hbm4b:s20+s3] =	stream.linear.scatter [tilespmem:s21], [sflag:$0x3], $0x80, $0x38;
	[tilespmem:$0x9D00] =	vst v63  }
0x3fb: {  	s22 =	sadd.s32 $0xC50, s10;
	s23 =	simm.s32 $0x7968  }
0x3fc: {  	[hbm4b:s22+s3] =	stream.linear.scatter [tilespmem:s23], [sflag:$0x3], $0x80, $0x38;
	[tilespmem:$0x9D00] =	vst v63  }
0x3fd: {  	s2 =	simm.s32 $0x79F0;
	s24 =	sadd.s32 $0xC60, s10  }
0x3fe: {  	[hbm4b:s24+s3] =	stream.linear.scatter [tilespmem:s2], [sflag:$0x3], $0x80, $0x38;
	[tilespmem:$0x9D00] =	vst v63  }
0x3ff: {  	s25 =	sadd.s32 $0xC70, s10;
	s26 =	simm.s32 $0x7A78;
	s28 =	simm.s32 $0x4  }
0x400: {  	[hbm4b:s25+s3] =	stream.linear.scatter [tilespmem:s26], [sflag:$0x3], $0x80, $0x38;
	[tilespmem:$0x9D00] =	vst v63  }
0x401: {  	_ =	swait.ge [sflag:s28], $0x1000  }
0x402: {  	[sflag:s28] =	ssyncset.done $0x0  }
0x403: {  	[sflag:s28] =	ssyncadd.s32 $0xFFFFF000  }
0x404: {  	_ =	swait.ge [sflag:s28], $0x1000  }
0x405: {  	[sflag:s28] =	ssyncset.done $0x0  }
0x406: {  	[sflag:s28] =	ssyncadd.s32 $0xFFFFF000  }
0x407: {  	_ =	swait.ge [sflag:s28], $0x1000  }
0x408: {  	[sflag:s28] =	ssyncset.done $0x0  }
0x409: {  	[sflag:s28] =	ssyncadd.s32 $0xFFFFF000  }
0x40a: {  	_ =	swait.ge [sflag:s28], $0x1000  }
0x40b: {  	[sflag:s28] =	ssyncset.done $0x0  }
0x40c: {  	s29 =	simm.s32 $0x3;
	[sflag:s28] =	ssyncadd.s32 $0xFFFFF000  }
0x40d: {  	_ =	swait.ge [sflag:s29], $0x1000  }
0x40e: {  	[sflag:s29] =	ssyncset.done $0x0  }
0x40f: {  	[sflag:s29] =	ssyncadd.s32 $0xFFFFF000  }
0x410: {  	_ =	swait.ge [sflag:s29], $0x1000  }
0x411: {  	[sflag:s29] =	ssyncset.done $0x0  }
0x412: {  	[sflag:s29] =	ssyncadd.s32 $0xFFFFF000  }
0x413: {  	_ =	swait.ge [sflag:s29], $0x1000  }
0x414: {  	[sflag:s29] =	ssyncset.done $0x0  }
0x415: {  	[sflag:s29] =	ssyncadd.s32 $0xFFFFF000  }
0x416: {  	_ =	swait.ge [sflag:s29], $0x1000  }
0x417: {  	s30 =	rddreg [dreg:$0xb]  }
0x418: {  	s31 =	rddreg [dreg:$0x8];
	s2 =	sadd.s32 $0x1, s30  }
0x419: {  	p0 =	sne.s32 s2, s31  }
.Ltmp4:
0x41a: {  	_ = 	snop;
	(pc) =	sbr.rel @p0 .LBB2_1-.Ltmp4, $3  }
0x41b: {  	_ =	sdelay $0x1  }
0x41c: {  	[sflag:s29] =	ssyncset.done $0x0  }
0x41d: {  	[sflag:s29] =	ssyncadd.s32 $0xFFFFF000  }
0x41e: {  	_ =	sfence.sel $0x180000  }
0x41f: {  	[bflag:$0x0] =	sbarrier.arrive $0xFFFF  }
0x420: {  	_ =	strace $0x90000047  }
0x421: {  	s0 =	stileid.u32;
	[bflag:$0x2] =	sbarrier.arrive $0xFFFF  }
0x422: {  	p0 =	sne.s32 s0, $0x0;
	s0 =	rddreg [dreg:$0x2]  }
0x423: {  	s0 =	sadd.s32 @!p0 $0x100000, s0  }
0x424: {  	[sflag:s0] =	ssyncadd.tile.s32 @!p0 $0x1;
	_ =	shalt  }
.Lfunc_end2:
_tile_overlayer_lowered:
.L_overlay_start_2:
0x425: {  	(tag) =	ssettag $0x2  }
0x426: {  	s0 =	rddreg [dreg:$0x0];
	s2 =	stileid.u32  }
0x427: {  	s1 =	rddreg [dreg:$0x1];
	p0 =	sne.s32 s2, $0x0  }
0x428: {  	s3 =	rddreg [dreg:$0x2];
	[bflag:$0x3] =	sbarrier.arrive $0xFFFF;
	s2 =	simm.s32 @!p0 $0x1C05  }
0x429: {  	[timem:s3], [sflag:s2] =	dma.local @!p0 [hbm:s0], s1  }
0x42a: {  	s0 =	simm.s32 @!p0 $0x5  }
0x42b: {  	_ =	swait.ge @!p0 [sflag:s0], s1  }
0x42c: {  	s1 =	ssub.s32 @!p0 $0x0, s1;
	[sflag:s0] =	ssyncset.done @!p0 $0x0  }
0x42d: {  	[sflag:s0] =	ssyncadd.s32 @!p0 s1  }
0x42e: {  	[bflag:$0x3] =	sbarrier.arrive $0xFFFF  }
0x42f: {  	_ =	shalt  }

</sc_bundles>
